<compile_context>
chip_gen: v7x
topology: tpu7x:2x2x1
jax: 0.10.2.dev20260603
libtpu: 0.0.44.dev20260713+nightly
codegen_flags: <defaults>
</compile_context>

<pallas_src>
import jax
import jax.numpy as jnp
from jax import lax
from jax.experimental import pallas as pl
from jax.experimental.pallas import tpu as pltpu
from jax.experimental.pallas import tpu_sc as plsc

N_NODES = 10000
N_PAD = 10240
N_EDGES = 320000
NUM_GRAPHS = 64
NUM_CORES = 2
NUM_SUBCORES = 16
NW = NUM_CORES * NUM_SUBCORES
BLK = 128
NBLK = 80
NBLK_D = 160
E_PAD = NW * NBLK * BLK
ROWS = N_PAD // NUM_SUBCORES
EPT = E_PAD // NW
NVEC = EPT // 16
BM = 1024


def _mesh():
    return plsc.VectorSubcoreMesh(core_axis_name="c", subcore_axis_name="s")


_SC_PARAMS = pltpu.CompilerParams(use_tc_tiling_on_sc=False,
                                  needs_layout_passes=False)


def _make_deg():
    def body(dst_hbm, out_hbm, dst_v, hist):
        c = lax.axis_index("c")
        s = lax.axis_index("s")
        wid = c * NUM_SUBCORES + s
        pltpu.sync_copy(dst_hbm.at[wid], dst_v)
        zeros = jnp.zeros((16,), jnp.float32)

        def zstep(i, carry):
            hist[pl.ds(i * 16, 16)] = zeros
            return carry
        lax.fori_loop(0, N_PAD // 16, zstep, 0)
        ones = jnp.ones((16,), jnp.float32)

        def step(j, carry):
            plsc.addupdate_scatter(hist, [dst_v[j, :]], ones)
            return carry
        lax.fori_loop(0, NVEC, step, 0)
        pltpu.sync_copy(hist, out_hbm.at[wid])

    return pl.kernel(
        body,
        out_type=jax.ShapeDtypeStruct((NW, N_PAD), jnp.float32),
        mesh=_mesh(),
        compiler_params=_SC_PARAMS,
        scratch_types=[
            pltpu.VMEM((NVEC, 16), jnp.int32),
            pltpu.VMEM((N_PAD,), jnp.float32),
        ],
    )


def _make_agg_dual():
    def body(src_hbm, dst_hbm, gs_hbm, out_hbm,
             src_v, dst_v, buf_a, buf_b, acc, sem_a, sem_b):
        c = lax.axis_index("c")
        s = lax.axis_index("s")
        r0 = s * ROWS
        pltpu.sync_copy(gs_hbm.at[c, pl.ds(r0, ROWS)], acc.at[pl.ds(r0, ROWS)])
        pltpu.sync_copy(src_hbm.at[s], src_v)
        pltpu.sync_copy(dst_hbm.at[s], dst_v)
        plsc.subcore_barrier()

        g_hbm = gs_hbm.at[c]
        pltpu.async_copy(g_hbm.at[src_v.at[0]], buf_a, sem_a)

        def step(i, carry):
            j = 2 * i
            pltpu.async_copy(g_hbm.at[src_v.at[j + 1]], buf_b, sem_b)
            pltpu.make_async_copy(g_hbm.at[src_v.at[j]], buf_a, sem_a).wait()
            pltpu.sync_copy(buf_a, acc.at[dst_v.at[j]], add=True)

            @pl.when(i < NBLK_D // 2 - 1)
            def _():
                pltpu.async_copy(g_hbm.at[src_v.at[j + 2]], buf_a, sem_a)

            pltpu.make_async_copy(g_hbm.at[src_v.at[j + 1]], buf_b, sem_b).wait()
            pltpu.sync_copy(buf_b, acc.at[dst_v.at[j + 1]], add=True)
            return carry
        lax.fori_loop(0, NBLK_D // 2, step, 0)
        plsc.subcore_barrier()
        pltpu.sync_copy(acc.at[pl.ds(r0, ROWS)], out_hbm.at[c, pl.ds(r0, ROWS)])

    return pl.kernel(
        body,
        out_type=jax.ShapeDtypeStruct((NUM_CORES, N_PAD, 64), jnp.float32),
        mesh=_mesh(),
        compiler_params=_SC_PARAMS,
        scratch_types=[
            pltpu.VMEM((NBLK_D, BLK), jnp.int32),
            pltpu.VMEM((NBLK_D, BLK), jnp.int32),
            pltpu.VMEM((BLK, 64), jnp.float32),
            pltpu.VMEM((BLK, 64), jnp.float32),
            pltpu.VMEM_SHARED((N_PAD, 64), jnp.float32),
            pltpu.SemaphoreType.DMA,
            pltpu.SemaphoreType.DMA,
        ],
    )


def _make_agg(feat):
    def body(src_hbm, dst_hbm, g_hbm, z_hbm, out_hbm,
             src_v, dst_v, buf_a, buf_b, acc, sem_a, sem_b):
        c = lax.axis_index("c")
        s = lax.axis_index("s")
        wid = c * NUM_SUBCORES + s
        r0 = s * ROWS

        @pl.when(c == 0)
        def _():
            pltpu.sync_copy(g_hbm.at[pl.ds(r0, ROWS)], acc.at[pl.ds(r0, ROWS)])

        @pl.when(c != 0)
        def _():
            pltpu.sync_copy(z_hbm.at[pl.ds(r0, ROWS)], acc.at[pl.ds(r0, ROWS)])

        pltpu.sync_copy(src_hbm.at[wid], src_v)
        pltpu.sync_copy(dst_hbm.at[wid], dst_v)
        plsc.subcore_barrier()

        pltpu.async_copy(g_hbm.at[src_v.at[0]], buf_a, sem_a)

        def step(i, carry):
            j = 2 * i
            pltpu.async_copy(g_hbm.at[src_v.at[j + 1]], buf_b, sem_b)
            pltpu.make_async_copy(g_hbm.at[src_v.at[j]], buf_a, sem_a).wait()
            pltpu.sync_copy(buf_a, acc.at[dst_v.at[j]], add=True)

            @pl.when(i < NBLK // 2 - 1)
            def _():
                pltpu.async_copy(g_hbm.at[src_v.at[j + 2]], buf_a, sem_a)

            pltpu.make_async_copy(g_hbm.at[src_v.at[j + 1]], buf_b, sem_b).wait()
            pltpu.sync_copy(buf_b, acc.at[dst_v.at[j + 1]], add=True)
            return carry
        lax.fori_loop(0, NBLK // 2, step, 0)
        plsc.subcore_barrier()
        pltpu.sync_copy(acc.at[pl.ds(r0, ROWS)], out_hbm.at[c, pl.ds(r0, ROWS)])

    return pl.kernel(
        body,
        out_type=jax.ShapeDtypeStruct((NUM_CORES, N_PAD, feat), jnp.float32),
        mesh=_mesh(),
        compiler_params=_SC_PARAMS,
        scratch_types=[
            pltpu.VMEM((NBLK, BLK), jnp.int32),
            pltpu.VMEM((NBLK, BLK), jnp.int32),
            pltpu.VMEM((BLK, feat), jnp.float32),
            pltpu.VMEM((BLK, feat), jnp.float32),
            pltpu.VMEM_SHARED((N_PAD, feat), jnp.float32),
            pltpu.SemaphoreType.DMA,
            pltpu.SemaphoreType.DMA,
        ],
    )


def _tc_pre_body(degp_ref, x_ref, w_ref, dinv_ref, gs_ref):
    dp = degp_ref[...]
    deg = jnp.sum(dp, axis=0)[:, None] + 1.0
    dinv = lax.rsqrt(deg)
    dinv_ref[...] = dinv
    g = dinv * jnp.dot(x_ref[...], w_ref[...],
                       preferred_element_type=jnp.float32)
    gs_ref[0, :, :] = g[:, :64]
    gs_ref[1, :, :] = g[:, 64:]


_tc_pre = pl.pallas_call(
    _tc_pre_body,
    grid=(N_PAD // BM,),
    in_specs=[
        pl.BlockSpec((NW, BM), lambda i: (0, i)),
        pl.BlockSpec((BM, 128), lambda i: (i, 0)),
        pl.BlockSpec((128, 128), lambda i: (0, 0)),
    ],
    out_specs=[
        pl.BlockSpec((BM, 1), lambda i: (i, 0)),
        pl.BlockSpec((2, BM, 64), lambda i: (0, i, 0)),
    ],
    out_shape=[
        jax.ShapeDtypeStruct((N_PAD, 1), jnp.float32),
        jax.ShapeDtypeStruct((2, N_PAD, 64), jnp.float32),
    ],
)


def _make_tc_mid2(fout):
    split = fout == 128

    def body(p_ref, dinv_ref, b_ref, w_ref, out_ref):
        p = p_ref[...]
        dinv = dinv_ref[...]
        agg = jnp.concatenate([p[0], p[1]], axis=-1)
        h = jnp.maximum(dinv * agg + b_ref[...], 0.0)
        g = dinv * jnp.dot(h, w_ref[...], preferred_element_type=jnp.float32)
        if split:
            out_ref[0, :, :] = g[:, :64]
            out_ref[1, :, :] = g[:, 64:]
        else:
            out_ref[...] = g

    if split:
        out_specs = pl.BlockSpec((2, BM, 64), lambda i: (0, i, 0))
        out_shape = jax.ShapeDtypeStruct((2, N_PAD, 64), jnp.float32)
    else:
        out_specs = pl.BlockSpec((BM, fout), lambda i: (i, 0))
        out_shape = jax.ShapeDtypeStruct((N_PAD, fout), jnp.float32)

    return pl.pallas_call(
        body,
        grid=(N_PAD // BM,),
        in_specs=[
            pl.BlockSpec((2, BM, 64), lambda i: (0, i, 0)),
            pl.BlockSpec((BM, 1), lambda i: (i, 0)),
            pl.BlockSpec((1, 128), lambda i: (0, 0)),
            pl.BlockSpec((128, fout), lambda i: (0, 0)),
        ],
        out_specs=out_specs,
        out_shape=out_shape,
    )


def _tc_mid1_body(p_ref, dinv_ref, b_ref, w_ref, g_ref):
    p = p_ref[...]
    dinv = dinv_ref[...]
    h = jnp.maximum(dinv * (p[0] + p[1]) + b_ref[...], 0.0)
    g_ref[...] = dinv * jnp.dot(h, w_ref[...],
                                preferred_element_type=jnp.float32)


_tc_mid1 = pl.pallas_call(
    _tc_mid1_body,
    grid=(N_PAD // BM,),
    in_specs=[
        pl.BlockSpec((2, BM, 64), lambda i: (0, i, 0)),
        pl.BlockSpec((BM, 1), lambda i: (i, 0)),
        pl.BlockSpec((1, 64), lambda i: (0, 0)),
        pl.BlockSpec((64, 32), lambda i: (0, 0)),
    ],
    out_specs=pl.BlockSpec((BM, 32), lambda i: (i, 0)),
    out_shape=jax.ShapeDtypeStruct((N_PAD, 32), jnp.float32),
)


def _tc_final_body(p_ref, dinv_ref, b_ref, batch_ref, wfc_ref, bfc_ref, out_ref):
    p = p_ref[...]
    dinv = dinv_ref[...]
    h = jnp.maximum(dinv * (p[0] + p[1]) + b_ref[...], 0.0)
    ids = lax.broadcasted_iota(jnp.int32, (N_PAD, NUM_GRAPHS), 1)
    m = (batch_ref[...] == ids).astype(jnp.float32)
    pooled = lax.dot_general(m, h, (((0,), (0,)), ((), ())),
                             preferred_element_type=jnp.float32)
    counts = jnp.sum(m, axis=0)
    mean = pooled / jnp.maximum(counts, 1.0)[:, None]
    out_ref[...] = jnp.dot(mean, wfc_ref[...],
                           preferred_element_type=jnp.float32) + bfc_ref[...]


_tc_final = pl.pallas_call(
    _tc_final_body,
    out_shape=jax.ShapeDtypeStruct((NUM_GRAPHS, 10), jnp.float32),
)

_deg = _make_deg()
_agg_dual = _make_agg_dual()
_agg64 = _make_agg(64)
_agg32 = _make_agg(32)
_mid2_128 = _make_tc_mid2(128)
_mid2_64 = _make_tc_mid2(64)


def kernel(x, edge_index, batch, W1, b1, W2, b2, W3, b3, W4, b4, W5, b5,
           Wfc, bfc):
    src = edge_index[0].astype(jnp.int32)
    dst = edge_index[1].astype(jnp.int32)
    n_pad_e = E_PAD - N_EDGES
    pad_src = jnp.zeros((n_pad_e,), jnp.int32)
    pad_dst = N_NODES + (jnp.arange(n_pad_e, dtype=jnp.int32)
                         % (N_PAD - N_NODES))
    src_flat = jnp.concatenate([src, pad_src])
    dst_flat = jnp.concatenate([dst, pad_dst])
    src_r = src_flat.reshape(NW, NBLK, BLK)
    dst_r = dst_flat.reshape(NW, NBLK, BLK)
    src_d = src_flat.reshape(NUM_SUBCORES, NBLK_D, BLK)
    dst_d = dst_flat.reshape(NUM_SUBCORES, NBLK_D, BLK)
    dst_h = dst_flat.reshape(NW, NVEC, 16)
    x_p = jnp.zeros((N_PAD, 128), jnp.float32).at[:N_NODES].set(x)
    batch_p = jnp.full((N_PAD, 1), NUM_GRAPHS, jnp.int32)
    batch_p = batch_p.at[:N_NODES, 0].set(batch.astype(jnp.int32))
    z32 = jnp.zeros((N_PAD, 32), jnp.float32)
    z64 = jnp.zeros((N_PAD, 64), jnp.float32)

    degp = _deg(dst_h)
    dinv, gs = _tc_pre(degp, x_p, W1)
    for b_prev, w_next in ((b1, W2), (b2, W3)):
        p = _agg_dual(src_d, dst_d, gs)
        gs = _mid2_128(p, dinv, b_prev.reshape(1, -1), w_next)
    p = _agg_dual(src_d, dst_d, gs)
    g64 = _mid2_64(p, dinv, b3.reshape(1, -1), W4)
    p = _agg64(src_r, dst_r, g64, z64)
    g32 = _tc_mid1(p, dinv, b4.reshape(1, -1), W5)
    p32 = _agg32(src_r, dst_r, g32, z32)
    out = _tc_final(p32, dinv, b5.reshape(1, -1), batch_p, Wfc,
                    bfc.reshape(1, -1))
    return out

# --- scband reference (transcript-rebuilt; emitter-appended) ---
"""Pipeline reference for scband-gcn5-13065290514766 (READ-ONLY COPY).

The authoritative reference and input builder live on the scoring server;
editing this copy changes nothing except your own understanding.
"""

import jax, jax.numpy as jnp
import numpy as np

N_NODES = 10000
N_EDGES = 320000
NUM_GRAPHS = 64
NUM_FEATURES = 128
NUM_CLASSES = 10


def _glorot(key, shape):
    fan_in = shape[0]
    return jax.random.normal(key, shape, dtype=jnp.float32) * (1.0 / np.sqrt(fan_in))


def setup_inputs(seed: int = 0) -> dict:
    key = jax.random.key(seed)
    ks = jax.random.split(key, 16)
    x = jax.random.normal(ks[0], (N_NODES, NUM_FEATURES), dtype=jnp.float32)
    edge_index = jax.random.randint(ks[1], (2, N_EDGES), 0, N_NODES, dtype=jnp.int64)
    batch = jnp.sort(jax.random.randint(ks[2], (N_NODES,), 0, NUM_GRAPHS, dtype=jnp.int64))
    W1 = _glorot(ks[3], (128, 128)); b1 = jnp.zeros((128,), jnp.float32)
    W2 = _glorot(ks[4], (128, 128)); b2 = jnp.zeros((128,), jnp.float32)
    W3 = _glorot(ks[5], (128, 128)); b3 = jnp.zeros((128,), jnp.float32)
    W4 = _glorot(ks[6], (128, 64)); b4 = jnp.zeros((64,), jnp.float32)
    W5 = _glorot(ks[7], (64, 32)); b5 = jnp.zeros((32,), jnp.float32)
    Wfc = _glorot(ks[8], (32, NUM_CLASSES)); bfc = jnp.zeros((NUM_CLASSES,), jnp.float32)
    return {"x": x, "edge_index": edge_index, "batch": batch,
            "W1": W1, "b1": b1, "W2": W2, "b2": b2, "W3": W3, "b3": b3,
            "W4": W4, "b4": b4, "W5": W5, "b5": b5, "Wfc": Wfc, "bfc": bfc}


def gcn_conv(x, edge_index, W, b):
    num_nodes = x.shape[0]
    loops = jnp.arange(num_nodes, dtype=edge_index.dtype)
    src = jnp.concatenate([edge_index[0], loops])
    dst = jnp.concatenate([edge_index[1], loops])
    ones = jnp.ones(src.shape[0], dtype=x.dtype)
    deg = jax.ops.segment_sum(ones, dst, num_segments=num_nodes)
    dinv = jnp.where(deg > 0, jax.lax.rsqrt(jnp.maximum(deg, 1e-12)), 0.0)
    norm = dinv[src] * dinv[dst]
    h = x @ W
    msgs = h[src] * norm[:, None]
    out = jax.ops.segment_sum(msgs, dst, num_segments=num_nodes)
    return out + b


def global_mean_pool(x, batch, num_graphs):
    sums = jax.ops.segment_sum(x, batch, num_segments=num_graphs)
    counts = jax.ops.segment_sum(jnp.ones((x.shape[0],), x.dtype), batch, num_segments=num_graphs)
    return sums / jnp.maximum(counts, 1.0)[:, None]


def reference(x, edge_index, batch, W1, b1, W2, b2, W3, b3, W4, b4, W5, b5, Wfc, bfc):
    h = jax.nn.relu(gcn_conv(x, edge_index, W1, b1))
    h = jax.nn.relu(gcn_conv(h, edge_index, W2, b2))
    h = jax.nn.relu(gcn_conv(h, edge_index, W3, b3))
    h = jax.nn.relu(gcn_conv(h, edge_index, W4, b4))
    h = jax.nn.relu(gcn_conv(h, edge_index, W5, b5))
    pooled = global_mean_pool(h, batch, NUM_GRAPHS)
    # dropout is identity in eval mode (training=False)
    out = pooled @ Wfc + bfc
    return out

if __name__ == "__main__":
    import jax
    _d = setup_inputs()
    print(jax.jit(kernel)(*tuple(_d.values())))

</pallas_src>

<mosaic_0001>
#map = affine_map<(d0, d1) -> (0, 0, 0)>
module attributes {stable_mosaic.version = 14 : i64} {
  func.func @body(%arg0: i32, %arg1: i32, %arg2: memref<16x160x128xi32, #tpu.memory_space<hbm>>, %arg3: memref<16x160x128xi32, #tpu.memory_space<hbm>>, %arg4: memref<2x10240x64xf32, #tpu.memory_space<hbm>>, %arg5: memref<2x10240x64xf32, #tpu.memory_space<hbm>>, %arg6: memref<160x128xi32, #tpu.memory_space<vmem>>, %arg7: memref<160x128xi32, #tpu.memory_space<vmem>>, %arg8: memref<128x64xf32, #tpu.memory_space<vmem>>, %arg9: memref<128x64xf32, #tpu.memory_space<vmem>>, %arg10: memref<10240x64xf32, #tpu.memory_space<vmem_shared>>, %arg11: memref<!tpu.dma_semaphore, #tpu.memory_space<semaphore_mem>>, %arg12: memref<!tpu.dma_semaphore, #tpu.memory_space<semaphore_mem>>) attributes {dimension_semantics = [#tpu.dimension_semantics<core_parallel>, #tpu.dimension_semantics<subcore_parallel>], iteration_bounds = array<i64: 2, 16>, scalar_prefetch = 0 : i64, scratch_operands = 7 : i64, tpu.core_type = #tpu.core_type<sc_vector_subcore>, window_params = [{transform_indices = #map}, {transform_indices = #map}, {transform_indices = #map}, {transform_indices = #map}]} {
    %mul3A = arith.constant 640 : i32
    %mul3A_0 = arith.muli %arg1, %mul3A : i32
    "tpu.region"() ({
      %run_scoped3A = tpu.sem_alloc : memref<!tpu.dma_semaphore, #tpu.memory_space<semaphore_mem>>
      %dma_start3A_17 = arith.constant 0 : i32
      %dma_start3A_18 = tpu.memref_slice %arg10[%mul3A_0, %dma_start3A_17] : memref<10240x64xf32, #tpu.memory_space<vmem_shared>> -> memref<640x64xf32, #tpu.memory_space<vmem_shared>>
      %dma_start3A_19 = arith.constant 0 : i32
      %dma_start3A_20 = tpu.memref_slice %arg4[%arg0, %mul3A_0, %dma_start3A_19] : memref<2x10240x64xf32, #tpu.memory_space<hbm>> -> memref<1x640x64xf32, #tpu.memory_space<hbm>>
      %dma_start3A_21 = tpu.memref_squeeze %dma_start3A_20 : memref<1x640x64xf32, #tpu.memory_space<hbm>> -> memref<640x64xf32, #tpu.memory_space<hbm>>
      tpu.enqueue_dma source(%dma_start3A_21 : memref<640x64xf32, #tpu.memory_space<hbm>>) target(%dma_start3A_18 : memref<640x64xf32, #tpu.memory_space<vmem_shared>>) target_semaphore(%run_scoped3A : memref<!tpu.dma_semaphore, #tpu.memory_space<semaphore_mem>>)
      %dma_wait3A = arith.constant 0 : i32
      %dma_wait3A_22 = tpu.memref_slice %arg10[%mul3A_0, %dma_wait3A] : memref<10240x64xf32, #tpu.memory_space<vmem_shared>> -> memref<640x64xf32, #tpu.memory_space<vmem_shared>>
      %dma_wait3A_23 = arith.constant 0 : i32
      %dma_wait3A_24 = tpu.memref_slice %arg4[%arg0, %mul3A_0, %dma_wait3A_23] : memref<2x10240x64xf32, #tpu.memory_space<hbm>> -> memref<1x640x64xf32, #tpu.memory_space<hbm>>
      %dma_wait3A_25 = tpu.memref_squeeze %dma_wait3A_24 : memref<1x640x64xf32, #tpu.memory_space<hbm>> -> memref<640x64xf32, #tpu.memory_space<hbm>>
      tpu.wait_dma2 semaphore(%run_scoped3A : memref<!tpu.dma_semaphore, #tpu.memory_space<semaphore_mem>>) src(%dma_wait3A_25 : memref<640x64xf32, #tpu.memory_space<hbm>>) dst(%dma_wait3A_22 : memref<640x64xf32, #tpu.memory_space<vmem_shared>>)
      tpu.yield
    }) : () -> ()
    "tpu.region"() ({
      %run_scoped3A = tpu.sem_alloc : memref<!tpu.dma_semaphore, #tpu.memory_space<semaphore_mem>>
      %dma_start3A_17 = arith.constant 0 : i32
      %dma_start3A_18 = arith.constant 0 : i32
      %dma_start3A_19 = tpu.memref_slice %arg2[%arg1, %dma_start3A_17, %dma_start3A_18] : memref<16x160x128xi32, #tpu.memory_space<hbm>> -> memref<1x160x128xi32, #tpu.memory_space<hbm>>
      %dma_start3A_20 = tpu.memref_squeeze %dma_start3A_19 : memref<1x160x128xi32, #tpu.memory_space<hbm>> -> memref<160x128xi32, #tpu.memory_space<hbm>>
      %dma_start3A_21 = arith.constant 0 : i32
      %dma_start3A_22 = arith.constant 0 : i32
      %dma_start3A_23 = tpu.memref_slice %arg2[%arg1, %dma_start3A_21, %dma_start3A_22] : memref<16x160x128xi32, #tpu.memory_space<hbm>> -> memref<1x160x128xi32, #tpu.memory_space<hbm>>
      %dma_start3A_24 = tpu.memref_squeeze %dma_start3A_23 : memref<1x160x128xi32, #tpu.memory_space<hbm>> -> memref<160x128xi32, #tpu.memory_space<hbm>>
      tpu.enqueue_dma source(%dma_start3A_24 : memref<160x128xi32, #tpu.memory_space<hbm>>) target(%arg6 : memref<160x128xi32, #tpu.memory_space<vmem>>) target_semaphore(%run_scoped3A : memref<!tpu.dma_semaphore, #tpu.memory_space<semaphore_mem>>)
      %dma_wait3A = arith.constant 0 : i32
      %dma_wait3A_25 = arith.constant 0 : i32
      %dma_wait3A_26 = tpu.memref_slice %arg2[%arg1, %dma_wait3A, %dma_wait3A_25] : memref<16x160x128xi32, #tpu.memory_space<hbm>> -> memref<1x160x128xi32, #tpu.memory_space<hbm>>
      %dma_wait3A_27 = tpu.memref_squeeze %dma_wait3A_26 : memref<1x160x128xi32, #tpu.memory_space<hbm>> -> memref<160x128xi32, #tpu.memory_space<hbm>>
      %dma_wait3A_28 = arith.constant 0 : i32
      %dma_wait3A_29 = arith.constant 0 : i32
      %dma_wait3A_30 = tpu.memref_slice %arg2[%arg1, %dma_wait3A_28, %dma_wait3A_29] : memref<16x160x128xi32, #tpu.memory_space<hbm>> -> memref<1x160x128xi32, #tpu.memory_space<hbm>>
      %dma_wait3A_31 = tpu.memref_squeeze %dma_wait3A_30 : memref<1x160x128xi32, #tpu.memory_space<hbm>> -> memref<160x128xi32, #tpu.memory_space<hbm>>
      tpu.wait_dma2 semaphore(%run_scoped3A : memref<!tpu.dma_semaphore, #tpu.memory_space<semaphore_mem>>) src(%dma_wait3A_31 : memref<160x128xi32, #tpu.memory_space<hbm>>) dst(%arg6 : memref<160x128xi32, #tpu.memory_space<vmem>>)
      tpu.yield
    }) : () -> ()
    "tpu.region"() ({
      %run_scoped3A = tpu.sem_alloc : memref<!tpu.dma_semaphore, #tpu.memory_space<semaphore_mem>>
      %dma_start3A_17 = arith.constant 0 : i32
      %dma_start3A_18 = arith.constant 0 : i32
      %dma_start3A_19 = tpu.memref_slice %arg3[%arg1, %dma_start3A_17, %dma_start3A_18] : memref<16x160x128xi32, #tpu.memory_space<hbm>> -> memref<1x160x128xi32, #tpu.memory_space<hbm>>
      %dma_start3A_20 = tpu.memref_squeeze %dma_start3A_19 : memref<1x160x128xi32, #tpu.memory_space<hbm>> -> memref<160x128xi32, #tpu.memory_space<hbm>>
      %dma_start3A_21 = arith.constant 0 : i32
      %dma_start3A_22 = arith.constant 0 : i32
      %dma_start3A_23 = tpu.memref_slice %arg3[%arg1, %dma_start3A_21, %dma_start3A_22] : memref<16x160x128xi32, #tpu.memory_space<hbm>> -> memref<1x160x128xi32, #tpu.memory_space<hbm>>
      %dma_start3A_24 = tpu.memref_squeeze %dma_start3A_23 : memref<1x160x128xi32, #tpu.memory_space<hbm>> -> memref<160x128xi32, #tpu.memory_space<hbm>>
      tpu.enqueue_dma source(%dma_start3A_24 : memref<160x128xi32, #tpu.memory_space<hbm>>) target(%arg7 : memref<160x128xi32, #tpu.memory_space<vmem>>) target_semaphore(%run_scoped3A : memref<!tpu.dma_semaphore, #tpu.memory_space<semaphore_mem>>)
      %dma_wait3A = arith.constant 0 : i32
      %dma_wait3A_25 = arith.constant 0 : i32
      %dma_wait3A_26 = tpu.memref_slice %arg3[%arg1, %dma_wait3A, %dma_wait3A_25] : memref<16x160x128xi32, #tpu.memory_space<hbm>> -> memref<1x160x128xi32, #tpu.memory_space<hbm>>
      %dma_wait3A_27 = tpu.memref_squeeze %dma_wait3A_26 : memref<1x160x128xi32, #tpu.memory_space<hbm>> -> memref<160x128xi32, #tpu.memory_space<hbm>>
      %dma_wait3A_28 = arith.constant 0 : i32
      %dma_wait3A_29 = arith.constant 0 : i32
      %dma_wait3A_30 = tpu.memref_slice %arg3[%arg1, %dma_wait3A_28, %dma_wait3A_29] : memref<16x160x128xi32, #tpu.memory_space<hbm>> -> memref<1x160x128xi32, #tpu.memory_space<hbm>>
      %dma_wait3A_31 = tpu.memref_squeeze %dma_wait3A_30 : memref<1x160x128xi32, #tpu.memory_space<hbm>> -> memref<160x128xi32, #tpu.memory_space<hbm>>
      tpu.wait_dma2 semaphore(%run_scoped3A : memref<!tpu.dma_semaphore, #tpu.memory_space<semaphore_mem>>) src(%dma_wait3A_31 : memref<160x128xi32, #tpu.memory_space<hbm>>) dst(%arg7 : memref<160x128xi32, #tpu.memory_space<vmem>>)
      tpu.yield
    }) : () -> ()
    %barrier3A = arith.constant 0 : index
    tpu.barrier barrier_id(%barrier3A)
    %dma_start3A = arith.constant 0 : i32
    %dma_start3A_1 = arith.constant 0 : i32
    %dma_start3A_2 = tpu.memref_slice %arg6[%dma_start3A, %dma_start3A_1] : memref<160x128xi32, #tpu.memory_space<vmem>> -> memref<1x128xi32, #tpu.memory_space<vmem>>
    %dma_start3A_3 = tpu.memref_squeeze %dma_start3A_2 : memref<1x128xi32, #tpu.memory_space<vmem>> -> memref<128xi32, #tpu.memory_space<vmem>>
    %dma_start3A_4 = arith.constant 0 : i32
    %dma_start3A_5 = arith.constant 0 : i32
    %dma_start3A_6 = tpu.memref_slice %arg4[%arg0, %dma_start3A_4, %dma_start3A_5] : memref<2x10240x64xf32, #tpu.memory_space<hbm>> -> memref<1x10240x64xf32, #tpu.memory_space<hbm>>
    %dma_start3A_7 = tpu.memref_squeeze %dma_start3A_6 : memref<1x10240x64xf32, #tpu.memory_space<hbm>> -> memref<10240x64xf32, #tpu.memory_space<hbm>>
    %dma_start3A_8 = arith.constant 0 : i32
    %dma_start3A_9 = arith.constant 0 : i32
    %dma_start3A_10 = tpu.memref_slice %dma_start3A_7[%dma_start3A_8, %dma_start3A_9] : memref<10240x64xf32, #tpu.memory_space<hbm>> -> memref<10240x64xf32, #tpu.memory_space<hbm>>
    tpu.enqueue_indirect_dma source(%dma_start3A_10 : memref<10240x64xf32, #tpu.memory_space<hbm>>) target(%arg8 : memref<128x64xf32, #tpu.memory_space<vmem>>) offsets(%dma_start3A_3 : memref<128xi32, #tpu.memory_space<vmem>>) semaphore(%arg11 : memref<!tpu.dma_semaphore, #tpu.memory_space<semaphore_mem>>)
    %scan3A = arith.constant 0 : i32
    %scan3A_11 = arith.constant 0 : i32
    %scan3A_12 = arith.constant 80 : i32
    %scan3A_13 = arith.addi %scan3A_11, %scan3A_12 : i32
    %scan3A_14 = arith.constant 1 : i32
    scf.for %scan3A_17 = %scan3A_11 to %scan3A_13 step %scan3A_14  : i32 {
      %mul3A_18 = arith.constant 2 : i32
      %mul3A_19 = arith.muli %mul3A_18, %scan3A_17 : i32
      %add3A = arith.constant 1 : i32
      %add3A_20 = arith.addi %mul3A_19, %add3A : i32
      %dma_start3A_21 = arith.constant 0 : i32
      %dma_start3A_22 = tpu.memref_slice %arg6[%add3A_20, %dma_start3A_21] : memref<160x128xi32, #tpu.memory_space<vmem>> -> memref<1x128xi32, #tpu.memory_space<vmem>>
      %dma_start3A_23 = tpu.memref_squeeze %dma_start3A_22 : memref<1x128xi32, #tpu.memory_space<vmem>> -> memref<128xi32, #tpu.memory_space<vmem>>
      %dma_start3A_24 = arith.constant 0 : i32
      %dma_start3A_25 = arith.constant 0 : i32
      %dma_start3A_26 = tpu.memref_slice %arg4[%arg0, %dma_start3A_24, %dma_start3A_25] : memref<2x10240x64xf32, #tpu.memory_space<hbm>> -> memref<1x10240x64xf32, #tpu.memory_space<hbm>>
      %dma_start3A_27 = tpu.memref_squeeze %dma_start3A_26 : memref<1x10240x64xf32, #tpu.memory_space<hbm>> -> memref<10240x64xf32, #tpu.memory_space<hbm>>
      %dma_start3A_28 = arith.constant 0 : i32
      %dma_start3A_29 = arith.constant 0 : i32
      %dma_start3A_30 = tpu.memref_slice %dma_start3A_27[%dma_start3A_28, %dma_start3A_29] : memref<10240x64xf32, #tpu.memory_space<hbm>> -> memref<10240x64xf32, #tpu.memory_space<hbm>>
      tpu.enqueue_indirect_dma source(%dma_start3A_30 : memref<10240x64xf32, #tpu.memory_space<hbm>>) target(%arg9 : memref<128x64xf32, #tpu.memory_space<vmem>>) offsets(%dma_start3A_23 : memref<128xi32, #tpu.memory_space<vmem>>) semaphore(%arg12 : memref<!tpu.dma_semaphore, #tpu.memory_space<semaphore_mem>>)
      %dma_wait3A = arith.constant 0 : i32
      %dma_wait3A_31 = tpu.memref_slice %arg6[%mul3A_19, %dma_wait3A] : memref<160x128xi32, #tpu.memory_space<vmem>> -> memref<1x128xi32, #tpu.memory_space<vmem>>
      %dma_wait3A_32 = tpu.memref_squeeze %dma_wait3A_31 : memref<1x128xi32, #tpu.memory_space<vmem>> -> memref<128xi32, #tpu.memory_space<vmem>>
      %dma_wait3A_33 = arith.constant 0 : i32
      %dma_wait3A_34 = arith.constant 0 : i32
      %dma_wait3A_35 = tpu.memref_slice %arg4[%arg0, %dma_wait3A_33, %dma_wait3A_34] : memref<2x10240x64xf32, #tpu.memory_space<hbm>> -> memref<1x10240x64xf32, #tpu.memory_space<hbm>>
      %dma_wait3A_36 = tpu.memref_squeeze %dma_wait3A_35 : memref<1x10240x64xf32, #tpu.memory_space<hbm>> -> memref<10240x64xf32, #tpu.memory_space<hbm>>
      %dma_wait3A_37 = arith.constant 0 : i32
      %dma_wait3A_38 = arith.constant 0 : i32
      %dma_wait3A_39 = tpu.memref_slice %dma_wait3A_36[%dma_wait3A_37, %dma_wait3A_38] : memref<10240x64xf32, #tpu.memory_space<hbm>> -> memref<10240x64xf32, #tpu.memory_space<hbm>>
      tpu.wait_indirect_dma semaphore(%arg11 : memref<!tpu.dma_semaphore, #tpu.memory_space<semaphore_mem>>) src(%dma_wait3A_39 : memref<10240x64xf32, #tpu.memory_space<hbm>>) dst(%arg8 : memref<128x64xf32, #tpu.memory_space<vmem>>)
      "tpu.region"() ({
        %run_scoped3A = tpu.sem_alloc : memref<!tpu.dma_semaphore, #tpu.memory_space<semaphore_mem>>
        %dma_start3A_56 = arith.constant 0 : i32
        %dma_start3A_57 = tpu.memref_slice %arg7[%mul3A_19, %dma_start3A_56] : memref<160x128xi32, #tpu.memory_space<vmem>> -> memref<1x128xi32, #tpu.memory_space<vmem>>
        %dma_start3A_58 = tpu.memref_squeeze %dma_start3A_57 : memref<1x128xi32, #tpu.memory_space<vmem>> -> memref<128xi32, #tpu.memory_space<vmem>>
        %dma_start3A_59 = arith.constant 0 : i32
        %dma_start3A_60 = arith.constant 0 : i32
        %dma_start3A_61 = tpu.memref_slice %arg10[%dma_start3A_59, %dma_start3A_60] : memref<10240x64xf32, #tpu.memory_space<vmem_shared>> -> memref<10240x64xf32, #tpu.memory_space<vmem_shared>>
        tpu.enqueue_indirect_dma source(%arg8 : memref<128x64xf32, #tpu.memory_space<vmem>>) target(%dma_start3A_61 : memref<10240x64xf32, #tpu.memory_space<vmem_shared>>) offsets(%dma_start3A_58 : memref<128xi32, #tpu.memory_space<vmem>>) semaphore(%run_scoped3A : memref<!tpu.dma_semaphore, #tpu.memory_space<semaphore_mem>>) {add = true}
        %dma_wait3A_62 = arith.constant 0 : i32
        %dma_wait3A_63 = tpu.memref_slice %arg7[%mul3A_19, %dma_wait3A_62] : memref<160x128xi32, #tpu.memory_space<vmem>> -> memref<1x128xi32, #tpu.memory_space<vmem>>
        %dma_wait3A_64 = tpu.memref_squeeze %dma_wait3A_63 : memref<1x128xi32, #tpu.memory_space<vmem>> -> memref<128xi32, #tpu.memory_space<vmem>>
        %dma_wait3A_65 = arith.constant 0 : i32
        %dma_wait3A_66 = arith.constant 0 : i32
        %dma_wait3A_67 = tpu.memref_slice %arg10[%dma_wait3A_65, %dma_wait3A_66] : memref<10240x64xf32, #tpu.memory_space<vmem_shared>> -> memref<10240x64xf32, #tpu.memory_space<vmem_shared>>
        tpu.wait_indirect_dma semaphore(%run_scoped3A : memref<!tpu.dma_semaphore, #tpu.memory_space<semaphore_mem>>) src(%arg8 : memref<128x64xf32, #tpu.memory_space<vmem>>) dst(%dma_wait3A_67 : memref<10240x64xf32, #tpu.memory_space<vmem_shared>>)
        tpu.yield
      }) : () -> ()
      %lt3A = arith.constant 79 : i32
      %lt3A_40 = arith.cmpi slt, %scan3A_17, %lt3A : i32
      %convert_element_type3A = arith.extui %lt3A_40 : i1 to i32
      %cond3A = arith.constant 0 : i32
      %cond3A_41 = arith.cmpi ne, %convert_element_type3A, %cond3A : i32
      scf.if %cond3A_41 {
        %add3A_56 = arith.constant 2 : i32
        %add3A_57 = arith.addi %mul3A_19, %add3A_56 : i32
        %dma_start3A_58 = arith.constant 0 : i32
        %dma_start3A_59 = tpu.memref_slice %arg6[%add3A_57, %dma_start3A_58] : memref<160x128xi32, #tpu.memory_space<vmem>> -> memref<1x128xi32, #tpu.memory_space<vmem>>
        %dma_start3A_60 = tpu.memref_squeeze %dma_start3A_59 : memref<1x128xi32, #tpu.memory_space<vmem>> -> memref<128xi32, #tpu.memory_space<vmem>>
        %dma_start3A_61 = arith.constant 0 : i32
        %dma_start3A_62 = arith.constant 0 : i32
        %dma_start3A_63 = tpu.memref_slice %arg4[%arg0, %dma_start3A_61, %dma_start3A_62] : memref<2x10240x64xf32, #tpu.memory_space<hbm>> -> memref<1x10240x64xf32, #tpu.memory_space<hbm>>
        %dma_start3A_64 = tpu.memref_squeeze %dma_start3A_63 : memref<1x10240x64xf32, #tpu.memory_space<hbm>> -> memref<10240x64xf32, #tpu.memory_space<hbm>>
        %dma_start3A_65 = arith.constant 0 : i32
        %dma_start3A_66 = arith.constant 0 : i32
        %dma_start3A_67 = tpu.memref_slice %dma_start3A_64[%dma_start3A_65, %dma_start3A_66] : memref<10240x64xf32, #tpu.memory_space<hbm>> -> memref<10240x64xf32, #tpu.memory_space<hbm>>
        tpu.enqueue_indirect_dma source(%dma_start3A_67 : memref<10240x64xf32, #tpu.memory_space<hbm>>) target(%arg8 : memref<128x64xf32, #tpu.memory_space<vmem>>) offsets(%dma_start3A_60 : memref<128xi32, #tpu.memory_space<vmem>>) semaphore(%arg11 : memref<!tpu.dma_semaphore, #tpu.memory_space<semaphore_mem>>)
      } else {
      }
      %add3A_42 = arith.constant 1 : i32
      %add3A_43 = arith.addi %mul3A_19, %add3A_42 : i32
      %dma_wait3A_44 = arith.constant 0 : i32
      %dma_wait3A_45 = tpu.memref_slice %arg6[%add3A_43, %dma_wait3A_44] : memref<160x128xi32, #tpu.memory_space<vmem>> -> memref<1x128xi32, #tpu.memory_space<vmem>>
      %dma_wait3A_46 = tpu.memref_squeeze %dma_wait3A_45 : memref<1x128xi32, #tpu.memory_space<vmem>> -> memref<128xi32, #tpu.memory_space<vmem>>
      %dma_wait3A_47 = arith.constant 0 : i32
      %dma_wait3A_48 = arith.constant 0 : i32
      %dma_wait3A_49 = tpu.memref_slice %arg4[%arg0, %dma_wait3A_47, %dma_wait3A_48] : memref<2x10240x64xf32, #tpu.memory_space<hbm>> -> memref<1x10240x64xf32, #tpu.memory_space<hbm>>
      %dma_wait3A_50 = tpu.memref_squeeze %dma_wait3A_49 : memref<1x10240x64xf32, #tpu.memory_space<hbm>> -> memref<10240x64xf32, #tpu.memory_space<hbm>>
      %dma_wait3A_51 = arith.constant 0 : i32
      %dma_wait3A_52 = arith.constant 0 : i32
      %dma_wait3A_53 = tpu.memref_slice %dma_wait3A_50[%dma_wait3A_51, %dma_wait3A_52] : memref<10240x64xf32, #tpu.memory_space<hbm>> -> memref<10240x64xf32, #tpu.memory_space<hbm>>
      tpu.wait_indirect_dma semaphore(%arg12 : memref<!tpu.dma_semaphore, #tpu.memory_space<semaphore_mem>>) src(%dma_wait3A_53 : memref<10240x64xf32, #tpu.memory_space<hbm>>) dst(%arg9 : memref<128x64xf32, #tpu.memory_space<vmem>>)
      %add3A_54 = arith.constant 1 : i32
      %add3A_55 = arith.addi %mul3A_19, %add3A_54 : i32
      "tpu.region"() ({
        %run_scoped3A = tpu.sem_alloc : memref<!tpu.dma_semaphore, #tpu.memory_space<semaphore_mem>>
        %dma_start3A_56 = arith.constant 0 : i32
        %dma_start3A_57 = tpu.memref_slice %arg7[%add3A_55, %dma_start3A_56] : memref<160x128xi32, #tpu.memory_space<vmem>> -> memref<1x128xi32, #tpu.memory_space<vmem>>
        %dma_start3A_58 = tpu.memref_squeeze %dma_start3A_57 : memref<1x128xi32, #tpu.memory_space<vmem>> -> memref<128xi32, #tpu.memory_space<vmem>>
        %dma_start3A_59 = arith.constant 0 : i32
        %dma_start3A_60 = arith.constant 0 : i32
        %dma_start3A_61 = tpu.memref_slice %arg10[%dma_start3A_59, %dma_start3A_60] : memref<10240x64xf32, #tpu.memory_space<vmem_shared>> -> memref<10240x64xf32, #tpu.memory_space<vmem_shared>>
        tpu.enqueue_indirect_dma source(%arg9 : memref<128x64xf32, #tpu.memory_space<vmem>>) target(%dma_start3A_61 : memref<10240x64xf32, #tpu.memory_space<vmem_shared>>) offsets(%dma_start3A_58 : memref<128xi32, #tpu.memory_space<vmem>>) semaphore(%run_scoped3A : memref<!tpu.dma_semaphore, #tpu.memory_space<semaphore_mem>>) {add = true}
        %dma_wait3A_62 = arith.constant 0 : i32
        %dma_wait3A_63 = tpu.memref_slice %arg7[%add3A_55, %dma_wait3A_62] : memref<160x128xi32, #tpu.memory_space<vmem>> -> memref<1x128xi32, #tpu.memory_space<vmem>>
        %dma_wait3A_64 = tpu.memref_squeeze %dma_wait3A_63 : memref<1x128xi32, #tpu.memory_space<vmem>> -> memref<128xi32, #tpu.memory_space<vmem>>
        %dma_wait3A_65 = arith.constant 0 : i32
        %dma_wait3A_66 = arith.constant 0 : i32
        %dma_wait3A_67 = tpu.memref_slice %arg10[%dma_wait3A_65, %dma_wait3A_66] : memref<10240x64xf32, #tpu.memory_space<vmem_shared>> -> memref<10240x64xf32, #tpu.memory_space<vmem_shared>>
        tpu.wait_indirect_dma semaphore(%run_scoped3A : memref<!tpu.dma_semaphore, #tpu.memory_space<semaphore_mem>>) src(%arg9 : memref<128x64xf32, #tpu.memory_space<vmem>>) dst(%dma_wait3A_67 : memref<10240x64xf32, #tpu.memory_space<vmem_shared>>)
        tpu.yield
      }) : () -> ()
    }
    %scan3A_15 = arith.constant 80 : i32
    %barrier3A_16 = arith.constant 0 : index
    tpu.barrier barrier_id(%barrier3A_16)
    "tpu.region"() ({
      %run_scoped3A = tpu.sem_alloc : memref<!tpu.dma_semaphore, #tpu.memory_space<semaphore_mem>>
      %dma_start3A_17 = arith.constant 0 : i32
      %dma_start3A_18 = tpu.memref_slice %arg5[%arg0, %mul3A_0, %dma_start3A_17] : memref<2x10240x64xf32, #tpu.memory_space<hbm>> -> memref<1x640x64xf32, #tpu.memory_space<hbm>>
      %dma_start3A_19 = tpu.memref_squeeze %dma_start3A_18 : memref<1x640x64xf32, #tpu.memory_space<hbm>> -> memref<640x64xf32, #tpu.memory_space<hbm>>
      %dma_start3A_20 = arith.constant 0 : i32
      %dma_start3A_21 = tpu.memref_slice %arg10[%mul3A_0, %dma_start3A_20] : memref<10240x64xf32, #tpu.memory_space<vmem_shared>> -> memref<640x64xf32, #tpu.memory_space<vmem_shared>>
      tpu.enqueue_dma source(%dma_start3A_21 : memref<640x64xf32, #tpu.memory_space<vmem_shared>>) target(%dma_start3A_19 : memref<640x64xf32, #tpu.memory_space<hbm>>) target_semaphore(%run_scoped3A : memref<!tpu.dma_semaphore, #tpu.memory_space<semaphore_mem>>)
      %dma_wait3A = arith.constant 0 : i32
      %dma_wait3A_22 = tpu.memref_slice %arg5[%arg0, %mul3A_0, %dma_wait3A] : memref<2x10240x64xf32, #tpu.memory_space<hbm>> -> memref<1x640x64xf32, #tpu.memory_space<hbm>>
      %dma_wait3A_23 = tpu.memref_squeeze %dma_wait3A_22 : memref<1x640x64xf32, #tpu.memory_space<hbm>> -> memref<640x64xf32, #tpu.memory_space<hbm>>
      %dma_wait3A_24 = arith.constant 0 : i32
      %dma_wait3A_25 = tpu.memref_slice %arg10[%mul3A_0, %dma_wait3A_24] : memref<10240x64xf32, #tpu.memory_space<vmem_shared>> -> memref<640x64xf32, #tpu.memory_space<vmem_shared>>
      tpu.wait_dma2 semaphore(%run_scoped3A : memref<!tpu.dma_semaphore, #tpu.memory_space<semaphore_mem>>) src(%dma_wait3A_25 : memref<640x64xf32, #tpu.memory_space<vmem_shared>>) dst(%dma_wait3A_23 : memref<640x64xf32, #tpu.memory_space<hbm>>)
      tpu.yield
    }) : () -> ()
    return
  }
}

#map = affine_map<(d0, d1) -> (0, 0, 0)>
module attributes {stable_mosaic.version = 14 : i64} {
  func.func @body(%arg0: i32, %arg1: i32, %arg2: memref<16x160x128xi32, #tpu.memory_space<hbm>>, %arg3: memref<16x160x128xi32, #tpu.memory_space<hbm>>, %arg4: memref<2x10240x64xf32, #tpu.memory_space<hbm>>, %arg5: memref<2x10240x64xf32, #tpu.memory_space<hbm>>, %arg6: memref<160x128xi32, #tpu.memory_space<vmem>>, %arg7: memref<160x128xi32, #tpu.memory_space<vmem>>, %arg8: memref<128x64xf32, #tpu.memory_space<vmem>>, %arg9: memref<128x64xf32, #tpu.memory_space<vmem>>, %arg10: memref<10240x64xf32, #tpu.memory_space<vmem_shared>>, %arg11: memref<!tpu.dma_semaphore, #tpu.memory_space<semaphore_mem>>, %arg12: memref<!tpu.dma_semaphore, #tpu.memory_space<semaphore_mem>>) attributes {dimension_semantics = [#tpu.dimension_semantics<core_parallel>, #tpu.dimension_semantics<subcore_parallel>], iteration_bounds = array<i64: 2, 16>, scalar_prefetch = 0 : i64, scratch_operands = 7 : i64, tpu.core_type = #tpu.core_type<sc_vector_subcore>, window_params = [{transform_indices = #map}, {transform_indices = #map}, {transform_indices = #map}, {transform_indices = #map}]} {
    %mul3A = arith.constant 640 : i32
    %mul3A_0 = arith.muli %arg1, %mul3A : i32
    "tpu.region"() ({
      %run_scoped3A = tpu.sem_alloc : memref<!tpu.dma_semaphore, #tpu.memory_space<semaphore_mem>>
      %dma_start3A_17 = arith.constant 0 : i32
      %dma_start3A_18 = tpu.memref_slice %arg10[%mul3A_0, %dma_start3A_17] : memref<10240x64xf32, #tpu.memory_space<vmem_shared>> -> memref<640x64xf32, #tpu.memory_space<vmem_shared>>
      %dma_start3A_19 = arith.constant 0 : i32
      %dma_start3A_20 = tpu.memref_slice %arg4[%arg0, %mul3A_0, %dma_start3A_19] : memref<2x10240x64xf32, #tpu.memory_space<hbm>> -> memref<1x640x64xf32, #tpu.memory_space<hbm>>
      %dma_start3A_21 = tpu.memref_squeeze %dma_start3A_20 : memref<1x640x64xf32, #tpu.memory_space<hbm>> -> memref<640x64xf32, #tpu.memory_space<hbm>>
      tpu.enqueue_dma source(%dma_start3A_21 : memref<640x64xf32, #tpu.memory_space<hbm>>) target(%dma_start3A_18 : memref<640x64xf32, #tpu.memory_space<vmem_shared>>) target_semaphore(%run_scoped3A : memref<!tpu.dma_semaphore, #tpu.memory_space<semaphore_mem>>)
      %dma_wait3A = arith.constant 0 : i32
      %dma_wait3A_22 = tpu.memref_slice %arg10[%mul3A_0, %dma_wait3A] : memref<10240x64xf32, #tpu.memory_space<vmem_shared>> -> memref<640x64xf32, #tpu.memory_space<vmem_shared>>
      %dma_wait3A_23 = arith.constant 0 : i32
      %dma_wait3A_24 = tpu.memref_slice %arg4[%arg0, %mul3A_0, %dma_wait3A_23] : memref<2x10240x64xf32, #tpu.memory_space<hbm>> -> memref<1x640x64xf32, #tpu.memory_space<hbm>>
      %dma_wait3A_25 = tpu.memref_squeeze %dma_wait3A_24 : memref<1x640x64xf32, #tpu.memory_space<hbm>> -> memref<640x64xf32, #tpu.memory_space<hbm>>
      tpu.wait_dma2 semaphore(%run_scoped3A : memref<!tpu.dma_semaphore, #tpu.memory_space<semaphore_mem>>) src(%dma_wait3A_25 : memref<640x64xf32, #tpu.memory_space<hbm>>) dst(%dma_wait3A_22 : memref<640x64xf32, #tpu.memory_space<vmem_shared>>)
      tpu.yield
    }) : () -> ()
    "tpu.region"() ({
      %run_scoped3A = tpu.sem_alloc : memref<!tpu.dma_semaphore, #tpu.memory_space<semaphore_mem>>
      %dma_start3A_17 = arith.constant 0 : i32
      %dma_start3A_18 = arith.constant 0 : i32
      %dma_start3A_19 = tpu.memref_slice %arg2[%arg1, %dma_start3A_17, %dma_start3A_18] : memref<16x160x128xi32, #tpu.memory_space<hbm>> -> memref<1x160x128xi32, #tpu.memory_space<hbm>>
      %dma_start3A_20 = tpu.memref_squeeze %dma_start3A_19 : memref<1x160x128xi32, #tpu.memory_space<hbm>> -> memref<160x128xi32, #tpu.memory_space<hbm>>
      %dma_start3A_21 = arith.constant 0 : i32
      %dma_start3A_22 = arith.constant 0 : i32
      %dma_start3A_23 = tpu.memref_slice %arg2[%arg1, %dma_start3A_21, %dma_start3A_22] : memref<16x160x128xi32, #tpu.memory_space<hbm>> -> memref<1x160x128xi32, #tpu.memory_space<hbm>>
      %dma_start3A_24 = tpu.memref_squeeze %dma_start3A_23 : memref<1x160x128xi32, #tpu.memory_space<hbm>> -> memref<160x128xi32, #tpu.memory_space<hbm>>
      tpu.enqueue_dma source(%dma_start3A_24 : memref<160x128xi32, #tpu.memory_space<hbm>>) target(%arg6 : memref<160x128xi32, #tpu.memory_space<vmem>>) target_semaphore(%run_scoped3A : memref<!tpu.dma_semaphore, #tpu.memory_space<semaphore_mem>>)
      %dma_wait3A = arith.constant 0 : i32
      %dma_wait3A_25 = arith.constant 0 : i32
      %dma_wait3A_26 = tpu.memref_slice %arg2[%arg1, %dma_wait3A, %dma_wait3A_25] : memref<16x160x128xi32, #tpu.memory_space<hbm>> -> memref<1x160x128xi32, #tpu.memory_space<hbm>>
      %dma_wait3A_27 = tpu.memref_squeeze %dma_wait3A_26 : memref<1x160x128xi32, #tpu.memory_space<hbm>> -> memref<160x128xi32, #tpu.memory_space<hbm>>
      %dma_wait3A_28 = arith.constant 0 : i32
      %dma_wait3A_29 = arith.constant 0 : i32
      %dma_wait3A_30 = tpu.memref_slice %arg2[%arg1, %dma_wait3A_28, %dma_wait3A_29] : memref<16x160x128xi32, #tpu.memory_space<hbm>> -> memref<1x160x128xi32, #tpu.memory_space<hbm>>
      %dma_wait3A_31 = tpu.memref_squeeze %dma_wait3A_30 : memref<1x160x128xi32, #tpu.memory_space<hbm>> -> memref<160x128xi32, #tpu.memory_space<hbm>>
      tpu.wait_dma2 semaphore(%run_scoped3A : memref<!tpu.dma_semaphore, #tpu.memory_space<semaphore_mem>>) src(%dma_wait3A_31 : memref<160x128xi32, #tpu.memory_space<hbm>>) dst(%arg6 : memref<160x128xi32, #tpu.memory_space<vmem>>)
      tpu.yield
    }) : () -> ()
    "tpu.region"() ({
      %run_scoped3A = tpu.sem_alloc : memref<!tpu.dma_semaphore, #tpu.memory_space<semaphore_mem>>
      %dma_start3A_17 = arith.constant 0 : i32
      %dma_start3A_18 = arith.constant 0 : i32
      %dma_start3A_19 = tpu.memref_slice %arg3[%arg1, %dma_start3A_17, %dma_start3A_18] : memref<16x160x128xi32, #tpu.memory_space<hbm>> -> memref<1x160x128xi32, #tpu.memory_space<hbm>>
      %dma_start3A_20 = tpu.memref_squeeze %dma_start3A_19 : memref<1x160x128xi32, #tpu.memory_space<hbm>> -> memref<160x128xi32, #tpu.memory_space<hbm>>
      %dma_start3A_21 = arith.constant 0 : i32
      %dma_start3A_22 = arith.constant 0 : i32
      %dma_start3A_23 = tpu.memref_slice %arg3[%arg1, %dma_start3A_21, %dma_start3A_22] : memref<16x160x128xi32, #tpu.memory_space<hbm>> -> memref<1x160x128xi32, #tpu.memory_space<hbm>>
      %dma_start3A_24 = tpu.memref_squeeze %dma_start3A_23 : memref<1x160x128xi32, #tpu.memory_space<hbm>> -> memref<160x128xi32, #tpu.memory_space<hbm>>
      tpu.enqueue_dma source(%dma_start3A_24 : memref<160x128xi32, #tpu.memory_space<hbm>>) target(%arg7 : memref<160x128xi32, #tpu.memory_space<vmem>>) target_semaphore(%run_scoped3A : memref<!tpu.dma_semaphore, #tpu.memory_space<semaphore_mem>>)
      %dma_wait3A = arith.constant 0 : i32
      %dma_wait3A_25 = arith.constant 0 : i32
      %dma_wait3A_26 = tpu.memref_slice %arg3[%arg1, %dma_wait3A, %dma_wait3A_25] : memref<16x160x128xi32, #tpu.memory_space<hbm>> -> memref<1x160x128xi32, #tpu.memory_space<hbm>>
      %dma_wait3A_27 = tpu.memref_squeeze %dma_wait3A_26 : memref<1x160x128xi32, #tpu.memory_space<hbm>> -> memref<160x128xi32, #tpu.memory_space<hbm>>
      %dma_wait3A_28 = arith.constant 0 : i32
      %dma_wait3A_29 = arith.constant 0 : i32
      %dma_wait3A_30 = tpu.memref_slice %arg3[%arg1, %dma_wait3A_28, %dma_wait3A_29] : memref<16x160x128xi32, #tpu.memory_space<hbm>> -> memref<1x160x128xi32, #tpu.memory_space<hbm>>
      %dma_wait3A_31 = tpu.memref_squeeze %dma_wait3A_30 : memref<1x160x128xi32, #tpu.memory_space<hbm>> -> memref<160x128xi32, #tpu.memory_space<hbm>>
      tpu.wait_dma2 semaphore(%run_scoped3A : memref<!tpu.dma_semaphore, #tpu.memory_space<semaphore_mem>>) src(%dma_wait3A_31 : memref<160x128xi32, #tpu.memory_space<hbm>>) dst(%arg7 : memref<160x128xi32, #tpu.memory_space<vmem>>)
      tpu.yield
    }) : () -> ()
    %barrier3A = arith.constant 0 : index
    tpu.barrier barrier_id(%barrier3A)
    %dma_start3A = arith.constant 0 : i32
    %dma_start3A_1 = arith.constant 0 : i32
    %dma_start3A_2 = tpu.memref_slice %arg6[%dma_start3A, %dma_start3A_1] : memref<160x128xi32, #tpu.memory_space<vmem>> -> memref<1x128xi32, #tpu.memory_space<vmem>>
    %dma_start3A_3 = tpu.memref_squeeze %dma_start3A_2 : memref<1x128xi32, #tpu.memory_space<vmem>> -> memref<128xi32, #tpu.memory_space<vmem>>
    %dma_start3A_4 = arith.constant 0 : i32
    %dma_start3A_5 = arith.constant 0 : i32
    %dma_start3A_6 = tpu.memref_slice %arg4[%arg0, %dma_start3A_4, %dma_start3A_5] : memref<2x10240x64xf32, #tpu.memory_space<hbm>> -> memref<1x10240x64xf32, #tpu.memory_space<hbm>>
    %dma_start3A_7 = tpu.memref_squeeze %dma_start3A_6 : memref<1x10240x64xf32, #tpu.memory_space<hbm>> -> memref<10240x64xf32, #tpu.memory_space<hbm>>
    %dma_start3A_8 = arith.constant 0 : i32
    %dma_start3A_9 = arith.constant 0 : i32
    %dma_start3A_10 = tpu.memref_slice %dma_start3A_7[%dma_start3A_8, %dma_start3A_9] : memref<10240x64xf32, #tpu.memory_space<hbm>> -> memref<10240x64xf32, #tpu.memory_space<hbm>>
    tpu.enqueue_indirect_dma source(%dma_start3A_10 : memref<10240x64xf32, #tpu.memory_space<hbm>>) target(%arg8 : memref<128x64xf32, #tpu.memory_space<vmem>>) offsets(%dma_start3A_3 : memref<128xi32, #tpu.memory_space<vmem>>) semaphore(%arg11 : memref<!tpu.dma_semaphore, #tpu.memory_space<semaphore_mem>>)
    %scan3A = arith.constant 0 : i32
    %scan3A_11 = arith.constant 0 : i32
    %scan3A_12 = arith.constant 80 : i32
    %scan3A_13 = arith.addi %scan3A_11, %scan3A_12 : i32
    %scan3A_14 = arith.constant 1 : i32
    scf.for %scan3A_17 = %scan3A_11 to %scan3A_13 step %scan3A_14  : i32 {
      %mul3A_18 = arith.constant 2 : i32
      %mul3A_19 = arith.muli %mul3A_18, %scan3A_17 : i32
      %add3A = arith.constant 1 : i32
      %add3A_20 = arith.addi %mul3A_19, %add3A : i32
      %dma_start3A_21 = arith.constant 0 : i32
      %dma_start3A_22 = tpu.memref_slice %arg6[%add3A_20, %dma_start3A_21] : memref<160x128xi32, #tpu.memory_space<vmem>> -> memref<1x128xi32, #tpu.memory_space<vmem>>
      %dma_start3A_23 = tpu.memref_squeeze %dma_start3A_22 : memref<1x128xi32, #tpu.memory_space<vmem>> -> memref<128xi32, #tpu.memory_space<vmem>>
      %dma_start3A_24 = arith.constant 0 : i32
      %dma_start3A_25 = arith.constant 0 : i32
      %dma_start3A_26 = tpu.memref_slice %arg4[%arg0, %dma_start3A_24, %dma_start3A_25] : memref<2x10240x64xf32, #tpu.memory_space<hbm>> -> memref<1x10240x64xf32, #tpu.memory_space<hbm>>
      %dma_start3A_27 = tpu.memref_squeeze %dma_start3A_26 : memref<1x10240x64xf32, #tpu.memory_space<hbm>> -> memref<10240x64xf32, #tpu.memory_space<hbm>>
      %dma_start3A_28 = arith.constant 0 : i32
      %dma_start3A_29 = arith.constant 0 : i32
      %dma_start3A_30 = tpu.memref_slice %dma_start3A_27[%dma_start3A_28, %dma_start3A_29] : memref<10240x64xf32, #tpu.memory_space<hbm>> -> memref<10240x64xf32, #tpu.memory_space<hbm>>
      tpu.enqueue_indirect_dma source(%dma_start3A_30 : memref<10240x64xf32, #tpu.memory_space<hbm>>) target(%arg9 : memref<128x64xf32, #tpu.memory_space<vmem>>) offsets(%dma_start3A_23 : memref<128xi32, #tpu.memory_space<vmem>>) semaphore(%arg12 : memref<!tpu.dma_semaphore, #tpu.memory_space<semaphore_mem>>)
      %dma_wait3A = arith.constant 0 : i32
      %dma_wait3A_31 = tpu.memref_slice %arg6[%mul3A_19, %dma_wait3A] : memref<160x128xi32, #tpu.memory_space<vmem>> -> memref<1x128xi32, #tpu.memory_space<vmem>>
      %dma_wait3A_32 = tpu.memref_squeeze %dma_wait3A_31 : memref<1x128xi32, #tpu.memory_space<vmem>> -> memref<128xi32, #tpu.memory_space<vmem>>
      %dma_wait3A_33 = arith.constant 0 : i32
      %dma_wait3A_34 = arith.constant 0 : i32
      %dma_wait3A_35 = tpu.memref_slice %arg4[%arg0, %dma_wait3A_33, %dma_wait3A_34] : memref<2x10240x64xf32, #tpu.memory_space<hbm>> -> memref<1x10240x64xf32, #tpu.memory_space<hbm>>
      %dma_wait3A_36 = tpu.memref_squeeze %dma_wait3A_35 : memref<1x10240x64xf32, #tpu.memory_space<hbm>> -> memref<10240x64xf32, #tpu.memory_space<hbm>>
      %dma_wait3A_37 = arith.constant 0 : i32
      %dma_wait3A_38 = arith.constant 0 : i32
      %dma_wait3A_39 = tpu.memref_slice %dma_wait3A_36[%dma_wait3A_37, %dma_wait3A_38] : memref<10240x64xf32, #tpu.memory_space<hbm>> -> memref<10240x64xf32, #tpu.memory_space<hbm>>
      tpu.wait_indirect_dma semaphore(%arg11 : memref<!tpu.dma_semaphore, #tpu.memory_space<semaphore_mem>>) src(%dma_wait3A_39 : memref<10240x64xf32, #tpu.memory_space<hbm>>) dst(%arg8 : memref<128x64xf32, #tpu.memory_space<vmem>>)
      "tpu.region"() ({
        %run_scoped3A = tpu.sem_alloc : memref<!tpu.dma_semaphore, #tpu.memory_space<semaphore_mem>>
        %dma_start3A_56 = arith.constant 0 : i32
        %dma_start3A_57 = tpu.memref_slice %arg7[%mul3A_19, %dma_start3A_56] : memref<160x128xi32, #tpu.memory_space<vmem>> -> memref<1x128xi32, #tpu.memory_space<vmem>>
        %dma_start3A_58 = tpu.memref_squeeze %dma_start3A_57 : memref<1x128xi32, #tpu.memory_space<vmem>> -> memref<128xi32, #tpu.memory_space<vmem>>
        %dma_start3A_59 = arith.constant 0 : i32
        %dma_start3A_60 = arith.constant 0 : i32
        %dma_start3A_61 = tpu.memref_slice %arg10[%dma_start3A_59, %dma_start3A_60] : memref<10240x64xf32, #tpu.memory_space<vmem_shared>> -> memref<10240x64xf32, #tpu.memory_space<vmem_shared>>
        tpu.enqueue_indirect_dma source(%arg8 : memref<128x64xf32, #tpu.memory_space<vmem>>) target(%dma_start3A_61 : memref<10240x64xf32, #tpu.memory_space<vmem_shared>>) offsets(%dma_start3A_58 : memref<128xi32, #tpu.memory_space<vmem>>) semaphore(%run_scoped3A : memref<!tpu.dma_semaphore, #tpu.memory_space<semaphore_mem>>) {add = true}
        %dma_wait3A_62 = arith.constant 0 : i32
        %dma_wait3A_63 = tpu.memref_slice %arg7[%mul3A_19, %dma_wait3A_62] : memref<160x128xi32, #tpu.memory_space<vmem>> -> memref<1x128xi32, #tpu.memory_space<vmem>>
        %dma_wait3A_64 = tpu.memref_squeeze %dma_wait3A_63 : memref<1x128xi32, #tpu.memory_space<vmem>> -> memref<128xi32, #tpu.memory_space<vmem>>
        %dma_wait3A_65 = arith.constant 0 : i32
        %dma_wait3A_66 = arith.constant 0 : i32
        %dma_wait3A_67 = tpu.memref_slice %arg10[%dma_wait3A_65, %dma_wait3A_66] : memref<10240x64xf32, #tpu.memory_space<vmem_shared>> -> memref<10240x64xf32, #tpu.memory_space<vmem_shared>>
        tpu.wait_indirect_dma semaphore(%run_scoped3A : memref<!tpu.dma_semaphore, #tpu.memory_space<semaphore_mem>>) src(%arg8 : memref<128x64xf32, #tpu.memory_space<vmem>>) dst(%dma_wait3A_67 : memref<10240x64xf32, #tpu.memory_space<vmem_shared>>)
        tpu.yield
      }) : () -> ()
      %lt3A = arith.constant 79 : i32
      %lt3A_40 = arith.cmpi slt, %scan3A_17, %lt3A : i32
      %convert_element_type3A = arith.extui %lt3A_40 : i1 to i32
      %cond3A = arith.constant 0 : i32
      %cond3A_41 = arith.cmpi ne, %convert_element_type3A, %cond3A : i32
      scf.if %cond3A_41 {
        %add3A_56 = arith.constant 2 : i32
        %add3A_57 = arith.addi %mul3A_19, %add3A_56 : i32
        %dma_start3A_58 = arith.constant 0 : i32
        %dma_start3A_59 = tpu.memref_slice %arg6[%add3A_57, %dma_start3A_58] : memref<160x128xi32, #tpu.memory_space<vmem>> -> memref<1x128xi32, #tpu.memory_space<vmem>>
        %dma_start3A_60 = tpu.memref_squeeze %dma_start3A_59 : memref<1x128xi32, #tpu.memory_space<vmem>> -> memref<128xi32, #tpu.memory_space<vmem>>
        %dma_start3A_61 = arith.constant 0 : i32
        %dma_start3A_62 = arith.constant 0 : i32
        %dma_start3A_63 = tpu.memref_slice %arg4[%arg0, %dma_start3A_61, %dma_start3A_62] : memref<2x10240x64xf32, #tpu.memory_space<hbm>> -> memref<1x10240x64xf32, #tpu.memory_space<hbm>>
        %dma_start3A_64 = tpu.memref_squeeze %dma_start3A_63 : memref<1x10240x64xf32, #tpu.memory_space<hbm>> -> memref<10240x64xf32, #tpu.memory_space<hbm>>
        %dma_start3A_65 = arith.constant 0 : i32
        %dma_start3A_66 = arith.constant 0 : i32
        %dma_start3A_67 = tpu.memref_slice %dma_start3A_64[%dma_start3A_65, %dma_start3A_66] : memref<10240x64xf32, #tpu.memory_space<hbm>> -> memref<10240x64xf32, #tpu.memory_space<hbm>>
        tpu.enqueue_indirect_dma source(%dma_start3A_67 : memref<10240x64xf32, #tpu.memory_space<hbm>>) target(%arg8 : memref<128x64xf32, #tpu.memory_space<vmem>>) offsets(%dma_start3A_60 : memref<128xi32, #tpu.memory_space<vmem>>) semaphore(%arg11 : memref<!tpu.dma_semaphore, #tpu.memory_space<semaphore_mem>>)
      } else {
      }
      %add3A_42 = arith.constant 1 : i32
      %add3A_43 = arith.addi %mul3A_19, %add3A_42 : i32
      %dma_wait3A_44 = arith.constant 0 : i32
      %dma_wait3A_45 = tpu.memref_slice %arg6[%add3A_43, %dma_wait3A_44] : memref<160x128xi32, #tpu.memory_space<vmem>> -> memref<1x128xi32, #tpu.memory_space<vmem>>
      %dma_wait3A_46 = tpu.memref_squeeze %dma_wait3A_45 : memref<1x128xi32, #tpu.memory_space<vmem>> -> memref<128xi32, #tpu.memory_space<vmem>>
      %dma_wait3A_47 = arith.constant 0 : i32
      %dma_wait3A_48 = arith.constant 0 : i32
      %dma_wait3A_49 = tpu.memref_slice %arg4[%arg0, %dma_wait3A_47, %dma_wait3A_48] : memref<2x10240x64xf32, #tpu.memory_space<hbm>> -> memref<1x10240x64xf32, #tpu.memory_space<hbm>>
      %dma_wait3A_50 = tpu.memref_squeeze %dma_wait3A_49 : memref<1x10240x64xf32, #tpu.memory_space<hbm>> -> memref<10240x64xf32, #tpu.memory_space<hbm>>
      %dma_wait3A_51 = arith.constant 0 : i32
      %dma_wait3A_52 = arith.constant 0 : i32
      %dma_wait3A_53 = tpu.memref_slice %dma_wait3A_50[%dma_wait3A_51, %dma_wait3A_52] : memref<10240x64xf32, #tpu.memory_space<hbm>> -> memref<10240x64xf32, #tpu.memory_space<hbm>>
      tpu.wait_indirect_dma semaphore(%arg12 : memref<!tpu.dma_semaphore, #tpu.memory_space<semaphore_mem>>) src(%dma_wait3A_53 : memref<10240x64xf32, #tpu.memory_space<hbm>>) dst(%arg9 : memref<128x64xf32, #tpu.memory_space<vmem>>)
      %add3A_54 = arith.constant 1 : i32
      %add3A_55 = arith.addi %mul3A_19, %add3A_54 : i32
      "tpu.region"() ({
        %run_scoped3A = tpu.sem_alloc : memref<!tpu.dma_semaphore, #tpu.memory_space<semaphore_mem>>
        %dma_start3A_56 = arith.constant 0 : i32
        %dma_start3A_57 = tpu.memref_slice %arg7[%add3A_55, %dma_start3A_56] : memref<160x128xi32, #tpu.memory_space<vmem>> -> memref<1x128xi32, #tpu.memory_space<vmem>>
        %dma_start3A_58 = tpu.memref_squeeze %dma_start3A_57 : memref<1x128xi32, #tpu.memory_space<vmem>> -> memref<128xi32, #tpu.memory_space<vmem>>
        %dma_start3A_59 = arith.constant 0 : i32
        %dma_start3A_60 = arith.constant 0 : i32
        %dma_start3A_61 = tpu.memref_slice %arg10[%dma_start3A_59, %dma_start3A_60] : memref<10240x64xf32, #tpu.memory_space<vmem_shared>> -> memref<10240x64xf32, #tpu.memory_space<vmem_shared>>
        tpu.enqueue_indirect_dma source(%arg9 : memref<128x64xf32, #tpu.memory_space<vmem>>) target(%dma_start3A_61 : memref<10240x64xf32, #tpu.memory_space<vmem_shared>>) offsets(%dma_start3A_58 : memref<128xi32, #tpu.memory_space<vmem>>) semaphore(%run_scoped3A : memref<!tpu.dma_semaphore, #tpu.memory_space<semaphore_mem>>) {add = true}
        %dma_wait3A_62 = arith.constant 0 : i32
        %dma_wait3A_63 = tpu.memref_slice %arg7[%add3A_55, %dma_wait3A_62] : memref<160x128xi32, #tpu.memory_space<vmem>> -> memref<1x128xi32, #tpu.memory_space<vmem>>
        %dma_wait3A_64 = tpu.memref_squeeze %dma_wait3A_63 : memref<1x128xi32, #tpu.memory_space<vmem>> -> memref<128xi32, #tpu.memory_space<vmem>>
        %dma_wait3A_65 = arith.constant 0 : i32
        %dma_wait3A_66 = arith.constant 0 : i32
        %dma_wait3A_67 = tpu.memref_slice %arg10[%dma_wait3A_65, %dma_wait3A_66] : memref<10240x64xf32, #tpu.memory_space<vmem_shared>> -> memref<10240x64xf32, #tpu.memory_space<vmem_shared>>
        tpu.wait_indirect_dma semaphore(%run_scoped3A : memref<!tpu.dma_semaphore, #tpu.memory_space<semaphore_mem>>) src(%arg9 : memref<128x64xf32, #tpu.memory_space<vmem>>) dst(%dma_wait3A_67 : memref<10240x64xf32, #tpu.memory_space<vmem_shared>>)
        tpu.yield
      }) : () -> ()
    }
    %scan3A_15 = arith.constant 80 : i32
    %barrier3A_16 = arith.constant 0 : index
    tpu.barrier barrier_id(%barrier3A_16)
    "tpu.region"() ({
      %run_scoped3A = tpu.sem_alloc : memref<!tpu.dma_semaphore, #tpu.memory_space<semaphore_mem>>
      %dma_start3A_17 = arith.constant 0 : i32
      %dma_start3A_18 = tpu.memref_slice %arg5[%arg0, %mul3A_0, %dma_start3A_17] : memref<2x10240x64xf32, #tpu.memory_space<hbm>> -> memref<1x640x64xf32, #tpu.memory_space<hbm>>
      %dma_start3A_19 = tpu.memref_squeeze %dma_start3A_18 : memref<1x640x64xf32, #tpu.memory_space<hbm>> -> memref<640x64xf32, #tpu.memory_space<hbm>>
      %dma_start3A_20 = arith.constant 0 : i32
      %dma_start3A_21 = tpu.memref_slice %arg10[%mul3A_0, %dma_start3A_20] : memref<10240x64xf32, #tpu.memory_space<vmem_shared>> -> memref<640x64xf32, #tpu.memory_space<vmem_shared>>
      tpu.enqueue_dma source(%dma_start3A_21 : memref<640x64xf32, #tpu.memory_space<vmem_shared>>) target(%dma_start3A_19 : memref<640x64xf32, #tpu.memory_space<hbm>>) target_semaphore(%run_scoped3A : memref<!tpu.dma_semaphore, #tpu.memory_space<semaphore_mem>>)
      %dma_wait3A = arith.constant 0 : i32
      %dma_wait3A_22 = tpu.memref_slice %arg5[%arg0, %mul3A_0, %dma_wait3A] : memref<2x10240x64xf32, #tpu.memory_space<hbm>> -> memref<1x640x64xf32, #tpu.memory_space<hbm>>
      %dma_wait3A_23 = tpu.memref_squeeze %dma_wait3A_22 : memref<1x640x64xf32, #tpu.memory_space<hbm>> -> memref<640x64xf32, #tpu.memory_space<hbm>>
      %dma_wait3A_24 = arith.constant 0 : i32
      %dma_wait3A_25 = tpu.memref_slice %arg10[%mul3A_0, %dma_wait3A_24] : memref<10240x64xf32, #tpu.memory_space<vmem_shared>> -> memref<640x64xf32, #tpu.memory_space<vmem_shared>>
      tpu.wait_dma2 semaphore(%run_scoped3A : memref<!tpu.dma_semaphore, #tpu.memory_space<semaphore_mem>>) src(%dma_wait3A_25 : memref<640x64xf32, #tpu.memory_space<vmem_shared>>) dst(%dma_wait3A_23 : memref<640x64xf32, #tpu.memory_space<hbm>>)
      tpu.yield
    }) : () -> ()
    return
  }
}

#map = affine_map<(d0, d1) -> (0, 0, 0)>
#map1 = affine_map<(d0, d1) -> (0, 0)>
module attributes {stable_mosaic.version = 14 : i64} {
  func.func @body(%arg0: i32, %arg1: i32, %arg2: memref<32x640x16xi32, #tpu.memory_space<hbm>>, %arg3: memref<32x10240xf32, #tpu.memory_space<hbm>>, %arg4: memref<640x16xi32, #tpu.memory_space<vmem>>, %arg5: memref<10240xf32, #tpu.memory_space<vmem>>) attributes {dimension_semantics = [#tpu.dimension_semantics<core_parallel>, #tpu.dimension_semantics<subcore_parallel>], iteration_bounds = array<i64: 2, 16>, scalar_prefetch = 0 : i64, scratch_operands = 2 : i64, tpu.core_type = #tpu.core_type<sc_vector_subcore>, window_params = [{transform_indices = #map}, {transform_indices = #map1}]} {
    %mul3A = arith.constant 16 : i32
    %mul3A_0 = arith.muli %arg0, %mul3A : i32
    %add3A = arith.addi %mul3A_0, %arg1 : i32
    "tpu.region"() ({
      %run_scoped3A = tpu.sem_alloc : memref<!tpu.dma_semaphore, #tpu.memory_space<semaphore_mem>>
      %dma_start3A = arith.constant 0 : i32
      %dma_start3A_15 = arith.constant 0 : i32
      %dma_start3A_16 = tpu.memref_slice %arg2[%add3A, %dma_start3A, %dma_start3A_15] : memref<32x640x16xi32, #tpu.memory_space<hbm>> -> memref<1x640x16xi32, #tpu.memory_space<hbm>>
      %dma_start3A_17 = tpu.memref_squeeze %dma_start3A_16 : memref<1x640x16xi32, #tpu.memory_space<hbm>> -> memref<640x16xi32, #tpu.memory_space<hbm>>
      %dma_start3A_18 = arith.constant 0 : i32
      %dma_start3A_19 = arith.constant 0 : i32
      %dma_start3A_20 = tpu.memref_slice %arg2[%add3A, %dma_start3A_18, %dma_start3A_19] : memref<32x640x16xi32, #tpu.memory_space<hbm>> -> memref<1x640x16xi32, #tpu.memory_space<hbm>>
      %dma_start3A_21 = tpu.memref_squeeze %dma_start3A_20 : memref<1x640x16xi32, #tpu.memory_space<hbm>> -> memref<640x16xi32, #tpu.memory_space<hbm>>
      tpu.enqueue_dma source(%dma_start3A_21 : memref<640x16xi32, #tpu.memory_space<hbm>>) target(%arg4 : memref<640x16xi32, #tpu.memory_space<vmem>>) target_semaphore(%run_scoped3A : memref<!tpu.dma_semaphore, #tpu.memory_space<semaphore_mem>>)
      %dma_wait3A = arith.constant 0 : i32
      %dma_wait3A_22 = arith.constant 0 : i32
      %dma_wait3A_23 = tpu.memref_slice %arg2[%add3A, %dma_wait3A, %dma_wait3A_22] : memref<32x640x16xi32, #tpu.memory_space<hbm>> -> memref<1x640x16xi32, #tpu.memory_space<hbm>>
      %dma_wait3A_24 = tpu.memref_squeeze %dma_wait3A_23 : memref<1x640x16xi32, #tpu.memory_space<hbm>> -> memref<640x16xi32, #tpu.memory_space<hbm>>
      %dma_wait3A_25 = arith.constant 0 : i32
      %dma_wait3A_26 = arith.constant 0 : i32
      %dma_wait3A_27 = tpu.memref_slice %arg2[%add3A, %dma_wait3A_25, %dma_wait3A_26] : memref<32x640x16xi32, #tpu.memory_space<hbm>> -> memref<1x640x16xi32, #tpu.memory_space<hbm>>
      %dma_wait3A_28 = tpu.memref_squeeze %dma_wait3A_27 : memref<1x640x16xi32, #tpu.memory_space<hbm>> -> memref<640x16xi32, #tpu.memory_space<hbm>>
      tpu.wait_dma2 semaphore(%run_scoped3A : memref<!tpu.dma_semaphore, #tpu.memory_space<semaphore_mem>>) src(%dma_wait3A_28 : memref<640x16xi32, #tpu.memory_space<hbm>>) dst(%arg4 : memref<640x16xi32, #tpu.memory_space<vmem>>)
      tpu.yield
    }) : () -> ()
    %broadcast_in_dim3A = arith.constant 0.000000e+00 : f32
    %broadcast_in_dim3A_1 = vector.broadcast %broadcast_in_dim3A : f32 to vector<16xf32>
    %scan3A = arith.constant 0 : i32
    %scan3A_2 = arith.constant 0 : i32
    %scan3A_3 = arith.constant 640 : i32
    %scan3A_4 = arith.addi %scan3A_2, %scan3A_3 : i32
    %scan3A_5 = arith.constant 1 : i32
    scf.for %scan3A_15 = %scan3A_2 to %scan3A_4 step %scan3A_5  : i32 {
      %mul3A_16 = arith.constant 16 : i32
      %mul3A_17 = arith.muli %scan3A_15, %mul3A_16 : i32
      %swap3A = arith.index_cast %mul3A_17 : i32 to index
      %swap3A_18 = tpu.vector_load %arg5[%swap3A] {strides = array<i32>} : memref<10240xf32, #tpu.memory_space<vmem>>, vector<16xf32>,
      tpu.vector_store %arg5[%swap3A], %broadcast_in_dim3A_1 {strides = array<i32>} : memref<10240xf32, #tpu.memory_space<vmem>>, vector<16xf32>,
    }
    %scan3A_6 = arith.constant 640 : i32
    %broadcast_in_dim3A_7 = arith.constant 1.000000e+00 : f32
    %broadcast_in_dim3A_8 = vector.broadcast %broadcast_in_dim3A_7 : f32 to vector<16xf32>
    %scan3A_9 = arith.constant 0 : i32
    %scan3A_10 = arith.constant 0 : i32
    %scan3A_11 = arith.constant 640 : i32
    %scan3A_12 = arith.addi %scan3A_10, %scan3A_11 : i32
    %scan3A_13 = arith.constant 1 : i32
    scf.for %scan3A_15 = %scan3A_10 to %scan3A_12 step %scan3A_13  : i32 {
      %get3A = arith.index_cast %scan3A_15 : i32 to index
      %get3A_16 = arith.constant 0 : index
      %get3A_17 = tpu.vector_load %arg4[%get3A, %get3A_16] {strides = array<i32>} : memref<640x16xi32, #tpu.memory_space<vmem>>, vector<16xi32>,
      tpu.vector_store_idx %arg5[%get3A_17], %broadcast_in_dim3A_8 {add = true} : memref<10240xf32, #tpu.memory_space<vmem>>[vector<16xi32>], vector<16xf32>,
    }
    %scan3A_14 = arith.constant 640 : i32
    "tpu.region"() ({
      %run_scoped3A = tpu.sem_alloc : memref<!tpu.dma_semaphore, #tpu.memory_space<semaphore_mem>>
      %dma_start3A = arith.constant 0 : i32
      %dma_start3A_15 = tpu.memref_slice %arg3[%add3A, %dma_start3A] : memref<32x10240xf32, #tpu.memory_space<hbm>> -> memref<1x10240xf32, #tpu.memory_space<hbm>>
      %dma_start3A_16 = tpu.memref_squeeze %dma_start3A_15 : memref<1x10240xf32, #tpu.memory_space<hbm>> -> memref<10240xf32, #tpu.memory_space<hbm>>
      %dma_start3A_17 = arith.constant 0 : i32
      %dma_start3A_18 = tpu.memref_slice %arg3[%add3A, %dma_start3A_17] : memref<32x10240xf32, #tpu.memory_space<hbm>> -> memref<1x10240xf32, #tpu.memory_space<hbm>>
      %dma_start3A_19 = tpu.memref_squeeze %dma_start3A_18 : memref<1x10240xf32, #tpu.memory_space<hbm>> -> memref<10240xf32, #tpu.memory_space<hbm>>
      tpu.enqueue_dma source(%arg5 : memref<10240xf32, #tpu.memory_space<vmem>>) target(%dma_start3A_19 : memref<10240xf32, #tpu.memory_space<hbm>>) target_semaphore(%run_scoped3A : memref<!tpu.dma_semaphore, #tpu.memory_space<semaphore_mem>>)
      %dma_wait3A = arith.constant 0 : i32
      %dma_wait3A_20 = tpu.memref_slice %arg3[%add3A, %dma_wait3A] : memref<32x10240xf32, #tpu.memory_space<hbm>> -> memref<1x10240xf32, #tpu.memory_space<hbm>>
      %dma_wait3A_21 = tpu.memref_squeeze %dma_wait3A_20 : memref<1x10240xf32, #tpu.memory_space<hbm>> -> memref<10240xf32, #tpu.memory_space<hbm>>
      %dma_wait3A_22 = arith.constant 0 : i32
      %dma_wait3A_23 = tpu.memref_slice %arg3[%add3A, %dma_wait3A_22] : memref<32x10240xf32, #tpu.memory_space<hbm>> -> memref<1x10240xf32, #tpu.memory_space<hbm>>
      %dma_wait3A_24 = tpu.memref_squeeze %dma_wait3A_23 : memref<1x10240xf32, #tpu.memory_space<hbm>> -> memref<10240xf32, #tpu.memory_space<hbm>>
      tpu.wait_dma2 semaphore(%run_scoped3A : memref<!tpu.dma_semaphore, #tpu.memory_space<semaphore_mem>>) src(%arg5 : memref<10240xf32, #tpu.memory_space<vmem>>) dst(%dma_wait3A_24 : memref<10240xf32, #tpu.memory_space<hbm>>)
      tpu.yield
    }) : () -> ()
    return
  }
}

#map = affine_map<(d0, d1) -> (0, 0, 0)>
module attributes {stable_mosaic.version = 14 : i64} {
  func.func @body(%arg0: i32, %arg1: i32, %arg2: memref<16x160x128xi32, #tpu.memory_space<hbm>>, %arg3: memref<16x160x128xi32, #tpu.memory_space<hbm>>, %arg4: memref<2x10240x64xf32, #tpu.memory_space<hbm>>, %arg5: memref<2x10240x64xf32, #tpu.memory_space<hbm>>, %arg6: memref<160x128xi32, #tpu.memory_space<vmem>>, %arg7: memref<160x128xi32, #tpu.memory_space<vmem>>, %arg8: memref<128x64xf32, #tpu.memory_space<vmem>>, %arg9: memref<128x64xf32, #tpu.memory_space<vmem>>, %arg10: memref<10240x64xf32, #tpu.memory_space<vmem_shared>>, %arg11: memref<!tpu.dma_semaphore, #tpu.memory_space<semaphore_mem>>, %arg12: memref<!tpu.dma_semaphore, #tpu.memory_space<semaphore_mem>>) attributes {dimension_semantics = [#tpu.dimension_semantics<core_parallel>, #tpu.dimension_semantics<subcore_parallel>], iteration_bounds = array<i64: 2, 16>, scalar_prefetch = 0 : i64, scratch_operands = 7 : i64, tpu.core_type = #tpu.core_type<sc_vector_subcore>, window_params = [{transform_indices = #map}, {transform_indices = #map}, {transform_indices = #map}, {transform_indices = #map}]} {
    %mul3A = arith.constant 640 : i32
    %mul3A_0 = arith.muli %arg1, %mul3A : i32
    "tpu.region"() ({
      %run_scoped3A = tpu.sem_alloc : memref<!tpu.dma_semaphore, #tpu.memory_space<semaphore_mem>>
      %dma_start3A_17 = arith.constant 0 : i32
      %dma_start3A_18 = tpu.memref_slice %arg10[%mul3A_0, %dma_start3A_17] : memref<10240x64xf32, #tpu.memory_space<vmem_shared>> -> memref<640x64xf32, #tpu.memory_space<vmem_shared>>
      %dma_start3A_19 = arith.constant 0 : i32
      %dma_start3A_20 = tpu.memref_slice %arg4[%arg0, %mul3A_0, %dma_start3A_19] : memref<2x10240x64xf32, #tpu.memory_space<hbm>> -> memref<1x640x64xf32, #tpu.memory_space<hbm>>
      %dma_start3A_21 = tpu.memref_squeeze %dma_start3A_20 : memref<1x640x64xf32, #tpu.memory_space<hbm>> -> memref<640x64xf32, #tpu.memory_space<hbm>>
      tpu.enqueue_dma source(%dma_start3A_21 : memref<640x64xf32, #tpu.memory_space<hbm>>) target(%dma_start3A_18 : memref<640x64xf32, #tpu.memory_space<vmem_shared>>) target_semaphore(%run_scoped3A : memref<!tpu.dma_semaphore, #tpu.memory_space<semaphore_mem>>)
      %dma_wait3A = arith.constant 0 : i32
      %dma_wait3A_22 = tpu.memref_slice %arg10[%mul3A_0, %dma_wait3A] : memref<10240x64xf32, #tpu.memory_space<vmem_shared>> -> memref<640x64xf32, #tpu.memory_space<vmem_shared>>
      %dma_wait3A_23 = arith.constant 0 : i32
      %dma_wait3A_24 = tpu.memref_slice %arg4[%arg0, %mul3A_0, %dma_wait3A_23] : memref<2x10240x64xf32, #tpu.memory_space<hbm>> -> memref<1x640x64xf32, #tpu.memory_space<hbm>>
      %dma_wait3A_25 = tpu.memref_squeeze %dma_wait3A_24 : memref<1x640x64xf32, #tpu.memory_space<hbm>> -> memref<640x64xf32, #tpu.memory_space<hbm>>
      tpu.wait_dma2 semaphore(%run_scoped3A : memref<!tpu.dma_semaphore, #tpu.memory_space<semaphore_mem>>) src(%dma_wait3A_25 : memref<640x64xf32, #tpu.memory_space<hbm>>) dst(%dma_wait3A_22 : memref<640x64xf32, #tpu.memory_space<vmem_shared>>)
      tpu.yield
    }) : () -> ()
    "tpu.region"() ({
      %run_scoped3A = tpu.sem_alloc : memref<!tpu.dma_semaphore, #tpu.memory_space<semaphore_mem>>
      %dma_start3A_17 = arith.constant 0 : i32
      %dma_start3A_18 = arith.constant 0 : i32
      %dma_start3A_19 = tpu.memref_slice %arg2[%arg1, %dma_start3A_17, %dma_start3A_18] : memref<16x160x128xi32, #tpu.memory_space<hbm>> -> memref<1x160x128xi32, #tpu.memory_space<hbm>>
      %dma_start3A_20 = tpu.memref_squeeze %dma_start3A_19 : memref<1x160x128xi32, #tpu.memory_space<hbm>> -> memref<160x128xi32, #tpu.memory_space<hbm>>
      %dma_start3A_21 = arith.constant 0 : i32
      %dma_start3A_22 = arith.constant 0 : i32
      %dma_start3A_23 = tpu.memref_slice %arg2[%arg1, %dma_start3A_21, %dma_start3A_22] : memref<16x160x128xi32, #tpu.memory_space<hbm>> -> memref<1x160x128xi32, #tpu.memory_space<hbm>>
      %dma_start3A_24 = tpu.memref_squeeze %dma_start3A_23 : memref<1x160x128xi32, #tpu.memory_space<hbm>> -> memref<160x128xi32, #tpu.memory_space<hbm>>
      tpu.enqueue_dma source(%dma_start3A_24 : memref<160x128xi32, #tpu.memory_space<hbm>>) target(%arg6 : memref<160x128xi32, #tpu.memory_space<vmem>>) target_semaphore(%run_scoped3A : memref<!tpu.dma_semaphore, #tpu.memory_space<semaphore_mem>>)
      %dma_wait3A = arith.constant 0 : i32
      %dma_wait3A_25 = arith.constant 0 : i32
      %dma_wait3A_26 = tpu.memref_slice %arg2[%arg1, %dma_wait3A, %dma_wait3A_25] : memref<16x160x128xi32, #tpu.memory_space<hbm>> -> memref<1x160x128xi32, #tpu.memory_space<hbm>>
      %dma_wait3A_27 = tpu.memref_squeeze %dma_wait3A_26 : memref<1x160x128xi32, #tpu.memory_space<hbm>> -> memref<160x128xi32, #tpu.memory_space<hbm>>
      %dma_wait3A_28 = arith.constant 0 : i32
      %dma_wait3A_29 = arith.constant 0 : i32
      %dma_wait3A_30 = tpu.memref_slice %arg2[%arg1, %dma_wait3A_28, %dma_wait3A_29] : memref<16x160x128xi32, #tpu.memory_space<hbm>> -> memref<1x160x128xi32, #tpu.memory_space<hbm>>
      %dma_wait3A_31 = tpu.memref_squeeze %dma_wait3A_30 : memref<1x160x128xi32, #tpu.memory_space<hbm>> -> memref<160x128xi32, #tpu.memory_space<hbm>>
      tpu.wait_dma2 semaphore(%run_scoped3A : memref<!tpu.dma_semaphore, #tpu.memory_space<semaphore_mem>>) src(%dma_wait3A_31 : memref<160x128xi32, #tpu.memory_space<hbm>>) dst(%arg6 : memref<160x128xi32, #tpu.memory_space<vmem>>)
      tpu.yield
    }) : () -> ()
    "tpu.region"() ({
      %run_scoped3A = tpu.sem_alloc : memref<!tpu.dma_semaphore, #tpu.memory_space<semaphore_mem>>
      %dma_start3A_17 = arith.constant 0 : i32
      %dma_start3A_18 = arith.constant 0 : i32
      %dma_start3A_19 = tpu.memref_slice %arg3[%arg1, %dma_start3A_17, %dma_start3A_18] : memref<16x160x128xi32, #tpu.memory_space<hbm>> -> memref<1x160x128xi32, #tpu.memory_space<hbm>>
      %dma_start3A_20 = tpu.memref_squeeze %dma_start3A_19 : memref<1x160x128xi32, #tpu.memory_space<hbm>> -> memref<160x128xi32, #tpu.memory_space<hbm>>
      %dma_start3A_21 = arith.constant 0 : i32
      %dma_start3A_22 = arith.constant 0 : i32
      %dma_start3A_23 = tpu.memref_slice %arg3[%arg1, %dma_start3A_21, %dma_start3A_22] : memref<16x160x128xi32, #tpu.memory_space<hbm>> -> memref<1x160x128xi32, #tpu.memory_space<hbm>>
      %dma_start3A_24 = tpu.memref_squeeze %dma_start3A_23 : memref<1x160x128xi32, #tpu.memory_space<hbm>> -> memref<160x128xi32, #tpu.memory_space<hbm>>
      tpu.enqueue_dma source(%dma_start3A_24 : memref<160x128xi32, #tpu.memory_space<hbm>>) target(%arg7 : memref<160x128xi32, #tpu.memory_space<vmem>>) target_semaphore(%run_scoped3A : memref<!tpu.dma_semaphore, #tpu.memory_space<semaphore_mem>>)
      %dma_wait3A = arith.constant 0 : i32
      %dma_wait3A_25 = arith.constant 0 : i32
      %dma_wait3A_26 = tpu.memref_slice %arg3[%arg1, %dma_wait3A, %dma_wait3A_25] : memref<16x160x128xi32, #tpu.memory_space<hbm>> -> memref<1x160x128xi32, #tpu.memory_space<hbm>>
      %dma_wait3A_27 = tpu.memref_squeeze %dma_wait3A_26 : memref<1x160x128xi32, #tpu.memory_space<hbm>> -> memref<160x128xi32, #tpu.memory_space<hbm>>
      %dma_wait3A_28 = arith.constant 0 : i32
      %dma_wait3A_29 = arith.constant 0 : i32
      %dma_wait3A_30 = tpu.memref_slice %arg3[%arg1, %dma_wait3A_28, %dma_wait3A_29] : memref<16x160x128xi32, #tpu.memory_space<hbm>> -> memref<1x160x128xi32, #tpu.memory_space<hbm>>
      %dma_wait3A_31 = tpu.memref_squeeze %dma_wait3A_30 : memref<1x160x128xi32, #tpu.memory_space<hbm>> -> memref<160x128xi32, #tpu.memory_space<hbm>>
      tpu.wait_dma2 semaphore(%run_scoped3A : memref<!tpu.dma_semaphore, #tpu.memory_space<semaphore_mem>>) src(%dma_wait3A_31 : memref<160x128xi32, #tpu.memory_space<hbm>>) dst(%arg7 : memref<160x128xi32, #tpu.memory_space<vmem>>)
      tpu.yield
    }) : () -> ()
    %barrier3A = arith.constant 0 : index
    tpu.barrier barrier_id(%barrier3A)
    %dma_start3A = arith.constant 0 : i32
    %dma_start3A_1 = arith.constant 0 : i32
    %dma_start3A_2 = tpu.memref_slice %arg6[%dma_start3A, %dma_start3A_1] : memref<160x128xi32, #tpu.memory_space<vmem>> -> memref<1x128xi32, #tpu.memory_space<vmem>>
    %dma_start3A_3 = tpu.memref_squeeze %dma_start3A_2 : memref<1x128xi32, #tpu.memory_space<vmem>> -> memref<128xi32, #tpu.memory_space<vmem>>
    %dma_start3A_4 = arith.constant 0 : i32
    %dma_start3A_5 = arith.constant 0 : i32
    %dma_start3A_6 = tpu.memref_slice %arg4[%arg0, %dma_start3A_4, %dma_start3A_5] : memref<2x10240x64xf32, #tpu.memory_space<hbm>> -> memref<1x10240x64xf32, #tpu.memory_space<hbm>>
    %dma_start3A_7 = tpu.memref_squeeze %dma_start3A_6 : memref<1x10240x64xf32, #tpu.memory_space<hbm>> -> memref<10240x64xf32, #tpu.memory_space<hbm>>
    %dma_start3A_8 = arith.constant 0 : i32
    %dma_start3A_9 = arith.constant 0 : i32
    %dma_start3A_10 = tpu.memref_slice %dma_start3A_7[%dma_start3A_8, %dma_start3A_9] : memref<10240x64xf32, #tpu.memory_space<hbm>> -> memref<10240x64xf32, #tpu.memory_space<hbm>>
    tpu.enqueue_indirect_dma source(%dma_start3A_10 : memref<10240x64xf32, #tpu.memory_space<hbm>>) target(%arg8 : memref<128x64xf32, #tpu.memory_space<vmem>>) offsets(%dma_start3A_3 : memref<128xi32, #tpu.memory_space<vmem>>) semaphore(%arg11 : memref<!tpu.dma_semaphore, #tpu.memory_space<semaphore_mem>>)
    %scan3A = arith.constant 0 : i32
    %scan3A_11 = arith.constant 0 : i32
    %scan3A_12 = arith.constant 80 : i32
    %scan3A_13 = arith.addi %scan3A_11, %scan3A_12 : i32
    %scan3A_14 = arith.constant 1 : i32
    scf.for %scan3A_17 = %scan3A_11 to %scan3A_13 step %scan3A_14  : i32 {
      %mul3A_18 = arith.constant 2 : i32
      %mul3A_19 = arith.muli %mul3A_18, %scan3A_17 : i32
      %add3A = arith.constant 1 : i32
      %add3A_20 = arith.addi %mul3A_19, %add3A : i32
      %dma_start3A_21 = arith.constant 0 : i32
      %dma_start3A_22 = tpu.memref_slice %arg6[%add3A_20, %dma_start3A_21] : memref<160x128xi32, #tpu.memory_space<vmem>> -> memref<1x128xi32, #tpu.memory_space<vmem>>
      %dma_start3A_23 = tpu.memref_squeeze %dma_start3A_22 : memref<1x128xi32, #tpu.memory_space<vmem>> -> memref<128xi32, #tpu.memory_space<vmem>>
      %dma_start3A_24 = arith.constant 0 : i32
      %dma_start3A_25 = arith.constant 0 : i32
      %dma_start3A_26 = tpu.memref_slice %arg4[%arg0, %dma_start3A_24, %dma_start3A_25] : memref<2x10240x64xf32, #tpu.memory_space<hbm>> -> memref<1x10240x64xf32, #tpu.memory_space<hbm>>
      %dma_start3A_27 = tpu.memref_squeeze %dma_start3A_26 : memref<1x10240x64xf32, #tpu.memory_space<hbm>> -> memref<10240x64xf32, #tpu.memory_space<hbm>>
      %dma_start3A_28 = arith.constant 0 : i32
      %dma_start3A_29 = arith.constant 0 : i32
      %dma_start3A_30 = tpu.memref_slice %dma_start3A_27[%dma_start3A_28, %dma_start3A_29] : memref<10240x64xf32, #tpu.memory_space<hbm>> -> memref<10240x64xf32, #tpu.memory_space<hbm>>
      tpu.enqueue_indirect_dma source(%dma_start3A_30 : memref<10240x64xf32, #tpu.memory_space<hbm>>) target(%arg9 : memref<128x64xf32, #tpu.memory_space<vmem>>) offsets(%dma_start3A_23 : memref<128xi32, #tpu.memory_space<vmem>>) semaphore(%arg12 : memref<!tpu.dma_semaphore, #tpu.memory_space<semaphore_mem>>)
      %dma_wait3A = arith.constant 0 : i32
      %dma_wait3A_31 = tpu.memref_slice %arg6[%mul3A_19, %dma_wait3A] : memref<160x128xi32, #tpu.memory_space<vmem>> -> memref<1x128xi32, #tpu.memory_space<vmem>>
      %dma_wait3A_32 = tpu.memref_squeeze %dma_wait3A_31 : memref<1x128xi32, #tpu.memory_space<vmem>> -> memref<128xi32, #tpu.memory_space<vmem>>
      %dma_wait3A_33 = arith.constant 0 : i32
      %dma_wait3A_34 = arith.constant 0 : i32
      %dma_wait3A_35 = tpu.memref_slice %arg4[%arg0, %dma_wait3A_33, %dma_wait3A_34] : memref<2x10240x64xf32, #tpu.memory_space<hbm>> -> memref<1x10240x64xf32, #tpu.memory_space<hbm>>
      %dma_wait3A_36 = tpu.memref_squeeze %dma_wait3A_35 : memref<1x10240x64xf32, #tpu.memory_space<hbm>> -> memref<10240x64xf32, #tpu.memory_space<hbm>>
      %dma_wait3A_37 = arith.constant 0 : i32
      %dma_wait3A_38 = arith.constant 0 : i32
      %dma_wait3A_39 = tpu.memref_slice %dma_wait3A_36[%dma_wait3A_37, %dma_wait3A_38] : memref<10240x64xf32, #tpu.memory_space<hbm>> -> memref<10240x64xf32, #tpu.memory_space<hbm>>
      tpu.wait_indirect_dma semaphore(%arg11 : memref<!tpu.dma_semaphore, #tpu.memory_space<semaphore_mem>>) src(%dma_wait3A_39 : memref<10240x64xf32, #tpu.memory_space<hbm>>) dst(%arg8 : memref<128x64xf32, #tpu.memory_space<vmem>>)
      "tpu.region"() ({
        %run_scoped3A = tpu.sem_alloc : memref<!tpu.dma_semaphore, #tpu.memory_space<semaphore_mem>>
        %dma_start3A_56 = arith.constant 0 : i32
        %dma_start3A_57 = tpu.memref_slice %arg7[%mul3A_19, %dma_start3A_56] : memref<160x128xi32, #tpu.memory_space<vmem>> -> memref<1x128xi32, #tpu.memory_space<vmem>>
        %dma_start3A_58 = tpu.memref_squeeze %dma_start3A_57 : memref<1x128xi32, #tpu.memory_space<vmem>> -> memref<128xi32, #tpu.memory_space<vmem>>
        %dma_start3A_59 = arith.constant 0 : i32
        %dma_start3A_60 = arith.constant 0 : i32
        %dma_start3A_61 = tpu.memref_slice %arg10[%dma_start3A_59, %dma_start3A_60] : memref<10240x64xf32, #tpu.memory_space<vmem_shared>> -> memref<10240x64xf32, #tpu.memory_space<vmem_shared>>
        tpu.enqueue_indirect_dma source(%arg8 : memref<128x64xf32, #tpu.memory_space<vmem>>) target(%dma_start3A_61 : memref<10240x64xf32, #tpu.memory_space<vmem_shared>>) offsets(%dma_start3A_58 : memref<128xi32, #tpu.memory_space<vmem>>) semaphore(%run_scoped3A : memref<!tpu.dma_semaphore, #tpu.memory_space<semaphore_mem>>) {add = true}
        %dma_wait3A_62 = arith.constant 0 : i32
        %dma_wait3A_63 = tpu.memref_slice %arg7[%mul3A_19, %dma_wait3A_62] : memref<160x128xi32, #tpu.memory_space<vmem>> -> memref<1x128xi32, #tpu.memory_space<vmem>>
        %dma_wait3A_64 = tpu.memref_squeeze %dma_wait3A_63 : memref<1x128xi32, #tpu.memory_space<vmem>> -> memref<128xi32, #tpu.memory_space<vmem>>
        %dma_wait3A_65 = arith.constant 0 : i32
        %dma_wait3A_66 = arith.constant 0 : i32
        %dma_wait3A_67 = tpu.memref_slice %arg10[%dma_wait3A_65, %dma_wait3A_66] : memref<10240x64xf32, #tpu.memory_space<vmem_shared>> -> memref<10240x64xf32, #tpu.memory_space<vmem_shared>>
        tpu.wait_indirect_dma semaphore(%run_scoped3A : memref<!tpu.dma_semaphore, #tpu.memory_space<semaphore_mem>>) src(%arg8 : memref<128x64xf32, #tpu.memory_space<vmem>>) dst(%dma_wait3A_67 : memref<10240x64xf32, #tpu.memory_space<vmem_shared>>)
        tpu.yield
      }) : () -> ()
      %lt3A = arith.constant 79 : i32
      %lt3A_40 = arith.cmpi slt, %scan3A_17, %lt3A : i32
      %convert_element_type3A = arith.extui %lt3A_40 : i1 to i32
      %cond3A = arith.constant 0 : i32
      %cond3A_41 = arith.cmpi ne, %convert_element_type3A, %cond3A : i32
      scf.if %cond3A_41 {
        %add3A_56 = arith.constant 2 : i32
        %add3A_57 = arith.addi %mul3A_19, %add3A_56 : i32
        %dma_start3A_58 = arith.constant 0 : i32
        %dma_start3A_59 = tpu.memref_slice %arg6[%add3A_57, %dma_start3A_58] : memref<160x128xi32, #tpu.memory_space<vmem>> -> memref<1x128xi32, #tpu.memory_space<vmem>>
        %dma_start3A_60 = tpu.memref_squeeze %dma_start3A_59 : memref<1x128xi32, #tpu.memory_space<vmem>> -> memref<128xi32, #tpu.memory_space<vmem>>
        %dma_start3A_61 = arith.constant 0 : i32
        %dma_start3A_62 = arith.constant 0 : i32
        %dma_start3A_63 = tpu.memref_slice %arg4[%arg0, %dma_start3A_61, %dma_start3A_62] : memref<2x10240x64xf32, #tpu.memory_space<hbm>> -> memref<1x10240x64xf32, #tpu.memory_space<hbm>>
        %dma_start3A_64 = tpu.memref_squeeze %dma_start3A_63 : memref<1x10240x64xf32, #tpu.memory_space<hbm>> -> memref<10240x64xf32, #tpu.memory_space<hbm>>
        %dma_start3A_65 = arith.constant 0 : i32
        %dma_start3A_66 = arith.constant 0 : i32
        %dma_start3A_67 = tpu.memref_slice %dma_start3A_64[%dma_start3A_65, %dma_start3A_66] : memref<10240x64xf32, #tpu.memory_space<hbm>> -> memref<10240x64xf32, #tpu.memory_space<hbm>>
        tpu.enqueue_indirect_dma source(%dma_start3A_67 : memref<10240x64xf32, #tpu.memory_space<hbm>>) target(%arg8 : memref<128x64xf32, #tpu.memory_space<vmem>>) offsets(%dma_start3A_60 : memref<128xi32, #tpu.memory_space<vmem>>) semaphore(%arg11 : memref<!tpu.dma_semaphore, #tpu.memory_space<semaphore_mem>>)
      } else {
      }
      %add3A_42 = arith.constant 1 : i32
      %add3A_43 = arith.addi %mul3A_19, %add3A_42 : i32
      %dma_wait3A_44 = arith.constant 0 : i32
      %dma_wait3A_45 = tpu.memref_slice %arg6[%add3A_43, %dma_wait3A_44] : memref<160x128xi32, #tpu.memory_space<vmem>> -> memref<1x128xi32, #tpu.memory_space<vmem>>
      %dma_wait3A_46 = tpu.memref_squeeze %dma_wait3A_45 : memref<1x128xi32, #tpu.memory_space<vmem>> -> memref<128xi32, #tpu.memory_space<vmem>>
      %dma_wait3A_47 = arith.constant 0 : i32
      %dma_wait3A_48 = arith.constant 0 : i32
      %dma_wait3A_49 = tpu.memref_slice %arg4[%arg0, %dma_wait3A_47, %dma_wait3A_48] : memref<2x10240x64xf32, #tpu.memory_space<hbm>> -> memref<1x10240x64xf32, #tpu.memory_space<hbm>>
      %dma_wait3A_50 = tpu.memref_squeeze %dma_wait3A_49 : memref<1x10240x64xf32, #tpu.memory_space<hbm>> -> memref<10240x64xf32, #tpu.memory_space<hbm>>
      %dma_wait3A_51 = arith.constant 0 : i32
      %dma_wait3A_52 = arith.constant 0 : i32
      %dma_wait3A_53 = tpu.memref_slice %dma_wait3A_50[%dma_wait3A_51, %dma_wait3A_52] : memref<10240x64xf32, #tpu.memory_space<hbm>> -> memref<10240x64xf32, #tpu.memory_space<hbm>>
      tpu.wait_indirect_dma semaphore(%arg12 : memref<!tpu.dma_semaphore, #tpu.memory_space<semaphore_mem>>) src(%dma_wait3A_53 : memref<10240x64xf32, #tpu.memory_space<hbm>>) dst(%arg9 : memref<128x64xf32, #tpu.memory_space<vmem>>)
      %add3A_54 = arith.constant 1 : i32
      %add3A_55 = arith.addi %mul3A_19, %add3A_54 : i32
      "tpu.region"() ({
        %run_scoped3A = tpu.sem_alloc : memref<!tpu.dma_semaphore, #tpu.memory_space<semaphore_mem>>
        %dma_start3A_56 = arith.constant 0 : i32
        %dma_start3A_57 = tpu.memref_slice %arg7[%add3A_55, %dma_start3A_56] : memref<160x128xi32, #tpu.memory_space<vmem>> -> memref<1x128xi32, #tpu.memory_space<vmem>>
        %dma_start3A_58 = tpu.memref_squeeze %dma_start3A_57 : memref<1x128xi32, #tpu.memory_space<vmem>> -> memref<128xi32, #tpu.memory_space<vmem>>
        %dma_start3A_59 = arith.constant 0 : i32
        %dma_start3A_60 = arith.constant 0 : i32
        %dma_start3A_61 = tpu.memref_slice %arg10[%dma_start3A_59, %dma_start3A_60] : memref<10240x64xf32, #tpu.memory_space<vmem_shared>> -> memref<10240x64xf32, #tpu.memory_space<vmem_shared>>
        tpu.enqueue_indirect_dma source(%arg9 : memref<128x64xf32, #tpu.memory_space<vmem>>) target(%dma_start3A_61 : memref<10240x64xf32, #tpu.memory_space<vmem_shared>>) offsets(%dma_start3A_58 : memref<128xi32, #tpu.memory_space<vmem>>) semaphore(%run_scoped3A : memref<!tpu.dma_semaphore, #tpu.memory_space<semaphore_mem>>) {add = true}
        %dma_wait3A_62 = arith.constant 0 : i32
        %dma_wait3A_63 = tpu.memref_slice %arg7[%add3A_55, %dma_wait3A_62] : memref<160x128xi32, #tpu.memory_space<vmem>> -> memref<1x128xi32, #tpu.memory_space<vmem>>
        %dma_wait3A_64 = tpu.memref_squeeze %dma_wait3A_63 : memref<1x128xi32, #tpu.memory_space<vmem>> -> memref<128xi32, #tpu.memory_space<vmem>>
        %dma_wait3A_65 = arith.constant 0 : i32
        %dma_wait3A_66 = arith.constant 0 : i32
        %dma_wait3A_67 = tpu.memref_slice %arg10[%dma_wait3A_65, %dma_wait3A_66] : memref<10240x64xf32, #tpu.memory_space<vmem_shared>> -> memref<10240x64xf32, #tpu.memory_space<vmem_shared>>
        tpu.wait_indirect_dma semaphore(%run_scoped3A : memref<!tpu.dma_semaphore, #tpu.memory_space<semaphore_mem>>) src(%arg9 : memref<128x64xf32, #tpu.memory_space<vmem>>) dst(%dma_wait3A_67 : memref<10240x64xf32, #tpu.memory_space<vmem_shared>>)
        tpu.yield
      }) : () -> ()
    }
    %scan3A_15 = arith.constant 80 : i32
    %barrier3A_16 = arith.constant 0 : index
    tpu.barrier barrier_id(%barrier3A_16)
    "tpu.region"() ({
      %run_scoped3A = tpu.sem_alloc : memref<!tpu.dma_semaphore, #tpu.memory_space<semaphore_mem>>
      %dma_start3A_17 = arith.constant 0 : i32
      %dma_start3A_18 = tpu.memref_slice %arg5[%arg0, %mul3A_0, %dma_start3A_17] : memref<2x10240x64xf32, #tpu.memory_space<hbm>> -> memref<1x640x64xf32, #tpu.memory_space<hbm>>
      %dma_start3A_19 = tpu.memref_squeeze %dma_start3A_18 : memref<1x640x64xf32, #tpu.memory_space<hbm>> -> memref<640x64xf32, #tpu.memory_space<hbm>>
      %dma_start3A_20 = arith.constant 0 : i32
      %dma_start3A_21 = tpu.memref_slice %arg10[%mul3A_0, %dma_start3A_20] : memref<10240x64xf32, #tpu.memory_space<vmem_shared>> -> memref<640x64xf32, #tpu.memory_space<vmem_shared>>
      tpu.enqueue_dma source(%dma_start3A_21 : memref<640x64xf32, #tpu.memory_space<vmem_shared>>) target(%dma_start3A_19 : memref<640x64xf32, #tpu.memory_space<hbm>>) target_semaphore(%run_scoped3A : memref<!tpu.dma_semaphore, #tpu.memory_space<semaphore_mem>>)
      %dma_wait3A = arith.constant 0 : i32
      %dma_wait3A_22 = tpu.memref_slice %arg5[%arg0, %mul3A_0, %dma_wait3A] : memref<2x10240x64xf32, #tpu.memory_space<hbm>> -> memref<1x640x64xf32, #tpu.memory_space<hbm>>
      %dma_wait3A_23 = tpu.memref_squeeze %dma_wait3A_22 : memref<1x640x64xf32, #tpu.memory_space<hbm>> -> memref<640x64xf32, #tpu.memory_space<hbm>>
      %dma_wait3A_24 = arith.constant 0 : i32
      %dma_wait3A_25 = tpu.memref_slice %arg10[%mul3A_0, %dma_wait3A_24] : memref<10240x64xf32, #tpu.memory_space<vmem_shared>> -> memref<640x64xf32, #tpu.memory_space<vmem_shared>>
      tpu.wait_dma2 semaphore(%run_scoped3A : memref<!tpu.dma_semaphore, #tpu.memory_space<semaphore_mem>>) src(%dma_wait3A_25 : memref<640x64xf32, #tpu.memory_space<vmem_shared>>) dst(%dma_wait3A_23 : memref<640x64xf32, #tpu.memory_space<hbm>>)
      tpu.yield
    }) : () -> ()
    return
  }
}

#map = affine_map<(d0, d1) -> (0, 0, 0)>
#map1 = affine_map<(d0, d1) -> (0, 0)>
module attributes {stable_mosaic.version = 14 : i64} {
  func.func @body(%arg0: i32, %arg1: i32, %arg2: memref<32x80x128xi32, #tpu.memory_space<hbm>>, %arg3: memref<32x80x128xi32, #tpu.memory_space<hbm>>, %arg4: memref<10240x64xf32, #tpu.memory_space<hbm>>, %arg5: memref<10240x64xf32, #tpu.memory_space<hbm>>, %arg6: memref<2x10240x64xf32, #tpu.memory_space<hbm>>, %arg7: memref<80x128xi32, #tpu.memory_space<vmem>>, %arg8: memref<80x128xi32, #tpu.memory_space<vmem>>, %arg9: memref<128x64xf32, #tpu.memory_space<vmem>>, %arg10: memref<128x64xf32, #tpu.memory_space<vmem>>, %arg11: memref<10240x64xf32, #tpu.memory_space<vmem_shared>>, %arg12: memref<!tpu.dma_semaphore, #tpu.memory_space<semaphore_mem>>, %arg13: memref<!tpu.dma_semaphore, #tpu.memory_space<semaphore_mem>>) attributes {dimension_semantics = [#tpu.dimension_semantics<core_parallel>, #tpu.dimension_semantics<subcore_parallel>], iteration_bounds = array<i64: 2, 16>, scalar_prefetch = 0 : i64, scratch_operands = 7 : i64, tpu.core_type = #tpu.core_type<sc_vector_subcore>, window_params = [{transform_indices = #map}, {transform_indices = #map}, {transform_indices = #map1}, {transform_indices = #map1}, {transform_indices = #map}]} {
    %mul3A = arith.constant 16 : i32
    %mul3A_0 = arith.muli %arg0, %mul3A : i32
    %add3A = arith.addi %mul3A_0, %arg1 : i32
    %mul3A_1 = arith.constant 640 : i32
    %mul3A_2 = arith.muli %arg1, %mul3A_1 : i32
    %eq3A = arith.constant 0 : i32
    %eq3A_3 = arith.cmpi eq, %arg0, %eq3A : i32
    %convert_element_type3A = arith.extui %eq3A_3 : i1 to i32
    %cond3A = arith.constant 0 : i32
    %cond3A_4 = arith.cmpi ne, %convert_element_type3A, %cond3A : i32
    scf.if %cond3A_4 {
      "tpu.region"() ({
        %run_scoped3A = tpu.sem_alloc : memref<!tpu.dma_semaphore, #tpu.memory_space<semaphore_mem>>
        %dma_start3A_21 = arith.constant 0 : i32
        %dma_start3A_22 = tpu.memref_slice %arg11[%mul3A_2, %dma_start3A_21] : memref<10240x64xf32, #tpu.memory_space<vmem_shared>> -> memref<640x64xf32, #tpu.memory_space<vmem_shared>>
        %dma_start3A_23 = arith.constant 0 : i32
        %dma_start3A_24 = tpu.memref_slice %arg4[%mul3A_2, %dma_start3A_23] : memref<10240x64xf32, #tpu.memory_space<hbm>> -> memref<640x64xf32, #tpu.memory_space<hbm>>
        tpu.enqueue_dma source(%dma_start3A_24 : memref<640x64xf32, #tpu.memory_space<hbm>>) target(%dma_start3A_22 : memref<640x64xf32, #tpu.memory_space<vmem_shared>>) target_semaphore(%run_scoped3A : memref<!tpu.dma_semaphore, #tpu.memory_space<semaphore_mem>>)
        %dma_wait3A = arith.constant 0 : i32
        %dma_wait3A_25 = tpu.memref_slice %arg11[%mul3A_2, %dma_wait3A] : memref<10240x64xf32, #tpu.memory_space<vmem_shared>> -> memref<640x64xf32, #tpu.memory_space<vmem_shared>>
        %dma_wait3A_26 = arith.constant 0 : i32
        %dma_wait3A_27 = tpu.memref_slice %arg4[%mul3A_2, %dma_wait3A_26] : memref<10240x64xf32, #tpu.memory_space<hbm>> -> memref<640x64xf32, #tpu.memory_space<hbm>>
        tpu.wait_dma2 semaphore(%run_scoped3A : memref<!tpu.dma_semaphore, #tpu.memory_space<semaphore_mem>>) src(%dma_wait3A_27 : memref<640x64xf32, #tpu.memory_space<hbm>>) dst(%dma_wait3A_25 : memref<640x64xf32, #tpu.memory_space<vmem_shared>>)
        tpu.yield
      }) : () -> ()
    } else {
    }
    %ne3A = arith.constant 0 : i32
    %ne3A_5 = arith.cmpi ne, %arg0, %ne3A : i32
    %convert_element_type3A_6 = arith.extui %ne3A_5 : i1 to i32
    %cond3A_7 = arith.constant 0 : i32
    %cond3A_8 = arith.cmpi ne, %convert_element_type3A_6, %cond3A_7 : i32
    scf.if %cond3A_8 {
      "tpu.region"() ({
        %run_scoped3A = tpu.sem_alloc : memref<!tpu.dma_semaphore, #tpu.memory_space<semaphore_mem>>
        %dma_start3A_21 = arith.constant 0 : i32
        %dma_start3A_22 = tpu.memref_slice %arg11[%mul3A_2, %dma_start3A_21] : memref<10240x64xf32, #tpu.memory_space<vmem_shared>> -> memref<640x64xf32, #tpu.memory_space<vmem_shared>>
        %dma_start3A_23 = arith.constant 0 : i32
        %dma_start3A_24 = tpu.memref_slice %arg5[%mul3A_2, %dma_start3A_23] : memref<10240x64xf32, #tpu.memory_space<hbm>> -> memref<640x64xf32, #tpu.memory_space<hbm>>
        tpu.enqueue_dma source(%dma_start3A_24 : memref<640x64xf32, #tpu.memory_space<hbm>>) target(%dma_start3A_22 : memref<640x64xf32, #tpu.memory_space<vmem_shared>>) target_semaphore(%run_scoped3A : memref<!tpu.dma_semaphore, #tpu.memory_space<semaphore_mem>>)
        %dma_wait3A = arith.constant 0 : i32
        %dma_wait3A_25 = tpu.memref_slice %arg11[%mul3A_2, %dma_wait3A] : memref<10240x64xf32, #tpu.memory_space<vmem_shared>> -> memref<640x64xf32, #tpu.memory_space<vmem_shared>>
        %dma_wait3A_26 = arith.constant 0 : i32
        %dma_wait3A_27 = tpu.memref_slice %arg5[%mul3A_2, %dma_wait3A_26] : memref<10240x64xf32, #tpu.memory_space<hbm>> -> memref<640x64xf32, #tpu.memory_space<hbm>>
        tpu.wait_dma2 semaphore(%run_scoped3A : memref<!tpu.dma_semaphore, #tpu.memory_space<semaphore_mem>>) src(%dma_wait3A_27 : memref<640x64xf32, #tpu.memory_space<hbm>>) dst(%dma_wait3A_25 : memref<640x64xf32, #tpu.memory_space<vmem_shared>>)
        tpu.yield
      }) : () -> ()
    } else {
    }
    "tpu.region"() ({
      %run_scoped3A = tpu.sem_alloc : memref<!tpu.dma_semaphore, #tpu.memory_space<semaphore_mem>>
      %dma_start3A_21 = arith.constant 0 : i32
      %dma_start3A_22 = arith.constant 0 : i32
      %dma_start3A_23 = tpu.memref_slice %arg2[%add3A, %dma_start3A_21, %dma_start3A_22] : memref<32x80x128xi32, #tpu.memory_space<hbm>> -> memref<1x80x128xi32, #tpu.memory_space<hbm>>
      %dma_start3A_24 = tpu.memref_squeeze %dma_start3A_23 : memref<1x80x128xi32, #tpu.memory_space<hbm>> -> memref<80x128xi32, #tpu.memory_space<hbm>>
      %dma_start3A_25 = arith.constant 0 : i32
      %dma_start3A_26 = arith.constant 0 : i32
      %dma_start3A_27 = tpu.memref_slice %arg2[%add3A, %dma_start3A_25, %dma_start3A_26] : memref<32x80x128xi32, #tpu.memory_space<hbm>> -> memref<1x80x128xi32, #tpu.memory_space<hbm>>
      %dma_start3A_28 = tpu.memref_squeeze %dma_start3A_27 : memref<1x80x128xi32, #tpu.memory_space<hbm>> -> memref<80x128xi32, #tpu.memory_space<hbm>>
      tpu.enqueue_dma source(%dma_start3A_28 : memref<80x128xi32, #tpu.memory_space<hbm>>) target(%arg7 : memref<80x128xi32, #tpu.memory_space<vmem>>) target_semaphore(%run_scoped3A : memref<!tpu.dma_semaphore, #tpu.memory_space<semaphore_mem>>)
      %dma_wait3A = arith.constant 0 : i32
      %dma_wait3A_29 = arith.constant 0 : i32
      %dma_wait3A_30 = tpu.memref_slice %arg2[%add3A, %dma_wait3A, %dma_wait3A_29] : memref<32x80x128xi32, #tpu.memory_space<hbm>> -> memref<1x80x128xi32, #tpu.memory_space<hbm>>
      %dma_wait3A_31 = tpu.memref_squeeze %dma_wait3A_30 : memref<1x80x128xi32, #tpu.memory_space<hbm>> -> memref<80x128xi32, #tpu.memory_space<hbm>>
      %dma_wait3A_32 = arith.constant 0 : i32
      %dma_wait3A_33 = arith.constant 0 : i32
      %dma_wait3A_34 = tpu.memref_slice %arg2[%add3A, %dma_wait3A_32, %dma_wait3A_33] : memref<32x80x128xi32, #tpu.memory_space<hbm>> -> memref<1x80x128xi32, #tpu.memory_space<hbm>>
      %dma_wait3A_35 = tpu.memref_squeeze %dma_wait3A_34 : memref<1x80x128xi32, #tpu.memory_space<hbm>> -> memref<80x128xi32, #tpu.memory_space<hbm>>
      tpu.wait_dma2 semaphore(%run_scoped3A : memref<!tpu.dma_semaphore, #tpu.memory_space<semaphore_mem>>) src(%dma_wait3A_35 : memref<80x128xi32, #tpu.memory_space<hbm>>) dst(%arg7 : memref<80x128xi32, #tpu.memory_space<vmem>>)
      tpu.yield
    }) : () -> ()
    "tpu.region"() ({
      %run_scoped3A = tpu.sem_alloc : memref<!tpu.dma_semaphore, #tpu.memory_space<semaphore_mem>>
      %dma_start3A_21 = arith.constant 0 : i32
      %dma_start3A_22 = arith.constant 0 : i32
      %dma_start3A_23 = tpu.memref_slice %arg3[%add3A, %dma_start3A_21, %dma_start3A_22] : memref<32x80x128xi32, #tpu.memory_space<hbm>> -> memref<1x80x128xi32, #tpu.memory_space<hbm>>
      %dma_start3A_24 = tpu.memref_squeeze %dma_start3A_23 : memref<1x80x128xi32, #tpu.memory_space<hbm>> -> memref<80x128xi32, #tpu.memory_space<hbm>>
      %dma_start3A_25 = arith.constant 0 : i32
      %dma_start3A_26 = arith.constant 0 : i32
      %dma_start3A_27 = tpu.memref_slice %arg3[%add3A, %dma_start3A_25, %dma_start3A_26] : memref<32x80x128xi32, #tpu.memory_space<hbm>> -> memref<1x80x128xi32, #tpu.memory_space<hbm>>
      %dma_start3A_28 = tpu.memref_squeeze %dma_start3A_27 : memref<1x80x128xi32, #tpu.memory_space<hbm>> -> memref<80x128xi32, #tpu.memory_space<hbm>>
      tpu.enqueue_dma source(%dma_start3A_28 : memref<80x128xi32, #tpu.memory_space<hbm>>) target(%arg8 : memref<80x128xi32, #tpu.memory_space<vmem>>) target_semaphore(%run_scoped3A : memref<!tpu.dma_semaphore, #tpu.memory_space<semaphore_mem>>)
      %dma_wait3A = arith.constant 0 : i32
      %dma_wait3A_29 = arith.constant 0 : i32
      %dma_wait3A_30 = tpu.memref_slice %arg3[%add3A, %dma_wait3A, %dma_wait3A_29] : memref<32x80x128xi32, #tpu.memory_space<hbm>> -> memref<1x80x128xi32, #tpu.memory_space<hbm>>
      %dma_wait3A_31 = tpu.memref_squeeze %dma_wait3A_30 : memref<1x80x128xi32, #tpu.memory_space<hbm>> -> memref<80x128xi32, #tpu.memory_space<hbm>>
      %dma_wait3A_32 = arith.constant 0 : i32
      %dma_wait3A_33 = arith.constant 0 : i32
      %dma_wait3A_34 = tpu.memref_slice %arg3[%add3A, %dma_wait3A_32, %dma_wait3A_33] : memref<32x80x128xi32, #tpu.memory_space<hbm>> -> memref<1x80x128xi32, #tpu.memory_space<hbm>>
      %dma_wait3A_35 = tpu.memref_squeeze %dma_wait3A_34 : memref<1x80x128xi32, #tpu.memory_space<hbm>> -> memref<80x128xi32, #tpu.memory_space<hbm>>
      tpu.wait_dma2 semaphore(%run_scoped3A : memref<!tpu.dma_semaphore, #tpu.memory_space<semaphore_mem>>) src(%dma_wait3A_35 : memref<80x128xi32, #tpu.memory_space<hbm>>) dst(%arg8 : memref<80x128xi32, #tpu.memory_space<vmem>>)
      tpu.yield
    }) : () -> ()
    %barrier3A = arith.constant 0 : index
    tpu.barrier barrier_id(%barrier3A)
    %dma_start3A = arith.constant 0 : i32
    %dma_start3A_9 = arith.constant 0 : i32
    %dma_start3A_10 = tpu.memref_slice %arg7[%dma_start3A, %dma_start3A_9] : memref<80x128xi32, #tpu.memory_space<vmem>> -> memref<1x128xi32, #tpu.memory_space<vmem>>
    %dma_start3A_11 = tpu.memref_squeeze %dma_start3A_10 : memref<1x128xi32, #tpu.memory_space<vmem>> -> memref<128xi32, #tpu.memory_space<vmem>>
    %dma_start3A_12 = arith.constant 0 : i32
    %dma_start3A_13 = arith.constant 0 : i32
    %dma_start3A_14 = tpu.memref_slice %arg4[%dma_start3A_12, %dma_start3A_13] : memref<10240x64xf32, #tpu.memory_space<hbm>> -> memref<10240x64xf32, #tpu.memory_space<hbm>>
    tpu.enqueue_indirect_dma source(%dma_start3A_14 : memref<10240x64xf32, #tpu.memory_space<hbm>>) target(%arg9 : memref<128x64xf32, #tpu.memory_space<vmem>>) offsets(%dma_start3A_11 : memref<128xi32, #tpu.memory_space<vmem>>) semaphore(%arg12 : memref<!tpu.dma_semaphore, #tpu.memory_space<semaphore_mem>>)
    %scan3A = arith.constant 0 : i32
    %scan3A_15 = arith.constant 0 : i32
    %scan3A_16 = arith.constant 40 : i32
    %scan3A_17 = arith.addi %scan3A_15, %scan3A_16 : i32
    %scan3A_18 = arith.constant 1 : i32
    scf.for %scan3A_21 = %scan3A_15 to %scan3A_17 step %scan3A_18  : i32 {
      %mul3A_22 = arith.constant 2 : i32
      %mul3A_23 = arith.muli %mul3A_22, %scan3A_21 : i32
      %add3A_24 = arith.constant 1 : i32
      %add3A_25 = arith.addi %mul3A_23, %add3A_24 : i32
      %dma_start3A_26 = arith.constant 0 : i32
      %dma_start3A_27 = tpu.memref_slice %arg7[%add3A_25, %dma_start3A_26] : memref<80x128xi32, #tpu.memory_space<vmem>> -> memref<1x128xi32, #tpu.memory_space<vmem>>
      %dma_start3A_28 = tpu.memref_squeeze %dma_start3A_27 : memref<1x128xi32, #tpu.memory_space<vmem>> -> memref<128xi32, #tpu.memory_space<vmem>>
      %dma_start3A_29 = arith.constant 0 : i32
      %dma_start3A_30 = arith.constant 0 : i32
      %dma_start3A_31 = tpu.memref_slice %arg4[%dma_start3A_29, %dma_start3A_30] : memref<10240x64xf32, #tpu.memory_space<hbm>> -> memref<10240x64xf32, #tpu.memory_space<hbm>>
      tpu.enqueue_indirect_dma source(%dma_start3A_31 : memref<10240x64xf32, #tpu.memory_space<hbm>>) target(%arg10 : memref<128x64xf32, #tpu.memory_space<vmem>>) offsets(%dma_start3A_28 : memref<128xi32, #tpu.memory_space<vmem>>) semaphore(%arg13 : memref<!tpu.dma_semaphore, #tpu.memory_space<semaphore_mem>>)
      %dma_wait3A = arith.constant 0 : i32
      %dma_wait3A_32 = tpu.memref_slice %arg7[%mul3A_23, %dma_wait3A] : memref<80x128xi32, #tpu.memory_space<vmem>> -> memref<1x128xi32, #tpu.memory_space<vmem>>
      %dma_wait3A_33 = tpu.memref_squeeze %dma_wait3A_32 : memref<1x128xi32, #tpu.memory_space<vmem>> -> memref<128xi32, #tpu.memory_space<vmem>>
      %dma_wait3A_34 = arith.constant 0 : i32
      %dma_wait3A_35 = arith.constant 0 : i32
      %dma_wait3A_36 = tpu.memref_slice %arg4[%dma_wait3A_34, %dma_wait3A_35] : memref<10240x64xf32, #tpu.memory_space<hbm>> -> memref<10240x64xf32, #tpu.memory_space<hbm>>
      tpu.wait_indirect_dma semaphore(%arg12 : memref<!tpu.dma_semaphore, #tpu.memory_space<semaphore_mem>>) src(%dma_wait3A_36 : memref<10240x64xf32, #tpu.memory_space<hbm>>) dst(%arg9 : memref<128x64xf32, #tpu.memory_space<vmem>>)
      "tpu.region"() ({
        %run_scoped3A = tpu.sem_alloc : memref<!tpu.dma_semaphore, #tpu.memory_space<semaphore_mem>>
        %dma_start3A_51 = arith.constant 0 : i32
        %dma_start3A_52 = tpu.memref_slice %arg8[%mul3A_23, %dma_start3A_51] : memref<80x128xi32, #tpu.memory_space<vmem>> -> memref<1x128xi32, #tpu.memory_space<vmem>>
        %dma_start3A_53 = tpu.memref_squeeze %dma_start3A_52 : memref<1x128xi32, #tpu.memory_space<vmem>> -> memref<128xi32, #tpu.memory_space<vmem>>
        %dma_start3A_54 = arith.constant 0 : i32
        %dma_start3A_55 = arith.constant 0 : i32
        %dma_start3A_56 = tpu.memref_slice %arg11[%dma_start3A_54, %dma_start3A_55] : memref<10240x64xf32, #tpu.memory_space<vmem_shared>> -> memref<10240x64xf32, #tpu.memory_space<vmem_shared>>
        tpu.enqueue_indirect_dma source(%arg9 : memref<128x64xf32, #tpu.memory_space<vmem>>) target(%dma_start3A_56 : memref<10240x64xf32, #tpu.memory_space<vmem_shared>>) offsets(%dma_start3A_53 : memref<128xi32, #tpu.memory_space<vmem>>) semaphore(%run_scoped3A : memref<!tpu.dma_semaphore, #tpu.memory_space<semaphore_mem>>) {add = true}
        %dma_wait3A_57 = arith.constant 0 : i32
        %dma_wait3A_58 = tpu.memref_slice %arg8[%mul3A_23, %dma_wait3A_57] : memref<80x128xi32, #tpu.memory_space<vmem>> -> memref<1x128xi32, #tpu.memory_space<vmem>>
        %dma_wait3A_59 = tpu.memref_squeeze %dma_wait3A_58 : memref<1x128xi32, #tpu.memory_space<vmem>> -> memref<128xi32, #tpu.memory_space<vmem>>
        %dma_wait3A_60 = arith.constant 0 : i32
        %dma_wait3A_61 = arith.constant 0 : i32
        %dma_wait3A_62 = tpu.memref_slice %arg11[%dma_wait3A_60, %dma_wait3A_61] : memref<10240x64xf32, #tpu.memory_space<vmem_shared>> -> memref<10240x64xf32, #tpu.memory_space<vmem_shared>>
        tpu.wait_indirect_dma semaphore(%run_scoped3A : memref<!tpu.dma_semaphore, #tpu.memory_space<semaphore_mem>>) src(%arg9 : memref<128x64xf32, #tpu.memory_space<vmem>>) dst(%dma_wait3A_62 : memref<10240x64xf32, #tpu.memory_space<vmem_shared>>)
        tpu.yield
      }) : () -> ()
      %lt3A = arith.constant 39 : i32
      %lt3A_37 = arith.cmpi slt, %scan3A_21, %lt3A : i32
      %convert_element_type3A_38 = arith.extui %lt3A_37 : i1 to i32
      %cond3A_39 = arith.constant 0 : i32
      %cond3A_40 = arith.cmpi ne, %convert_element_type3A_38, %cond3A_39 : i32
      scf.if %cond3A_40 {
        %add3A_51 = arith.constant 2 : i32
        %add3A_52 = arith.addi %mul3A_23, %add3A_51 : i32
        %dma_start3A_53 = arith.constant 0 : i32
        %dma_start3A_54 = tpu.memref_slice %arg7[%add3A_52, %dma_start3A_53] : memref<80x128xi32, #tpu.memory_space<vmem>> -> memref<1x128xi32, #tpu.memory_space<vmem>>
        %dma_start3A_55 = tpu.memref_squeeze %dma_start3A_54 : memref<1x128xi32, #tpu.memory_space<vmem>> -> memref<128xi32, #tpu.memory_space<vmem>>
        %dma_start3A_56 = arith.constant 0 : i32
        %dma_start3A_57 = arith.constant 0 : i32
        %dma_start3A_58 = tpu.memref_slice %arg4[%dma_start3A_56, %dma_start3A_57] : memref<10240x64xf32, #tpu.memory_space<hbm>> -> memref<10240x64xf32, #tpu.memory_space<hbm>>
        tpu.enqueue_indirect_dma source(%dma_start3A_58 : memref<10240x64xf32, #tpu.memory_space<hbm>>) target(%arg9 : memref<128x64xf32, #tpu.memory_space<vmem>>) offsets(%dma_start3A_55 : memref<128xi32, #tpu.memory_space<vmem>>) semaphore(%arg12 : memref<!tpu.dma_semaphore, #tpu.memory_space<semaphore_mem>>)
      } else {
      }
      %add3A_41 = arith.constant 1 : i32
      %add3A_42 = arith.addi %mul3A_23, %add3A_41 : i32
      %dma_wait3A_43 = arith.constant 0 : i32
      %dma_wait3A_44 = tpu.memref_slice %arg7[%add3A_42, %dma_wait3A_43] : memref<80x128xi32, #tpu.memory_space<vmem>> -> memref<1x128xi32, #tpu.memory_space<vmem>>
      %dma_wait3A_45 = tpu.memref_squeeze %dma_wait3A_44 : memref<1x128xi32, #tpu.memory_space<vmem>> -> memref<128xi32, #tpu.memory_space<vmem>>
      %dma_wait3A_46 = arith.constant 0 : i32
      %dma_wait3A_47 = arith.constant 0 : i32
      %dma_wait3A_48 = tpu.memref_slice %arg4[%dma_wait3A_46, %dma_wait3A_47] : memref<10240x64xf32, #tpu.memory_space<hbm>> -> memref<10240x64xf32, #tpu.memory_space<hbm>>
      tpu.wait_indirect_dma semaphore(%arg13 : memref<!tpu.dma_semaphore, #tpu.memory_space<semaphore_mem>>) src(%dma_wait3A_48 : memref<10240x64xf32, #tpu.memory_space<hbm>>) dst(%arg10 : memref<128x64xf32, #tpu.memory_space<vmem>>)
      %add3A_49 = arith.constant 1 : i32
      %add3A_50 = arith.addi %mul3A_23, %add3A_49 : i32
      "tpu.region"() ({
        %run_scoped3A = tpu.sem_alloc : memref<!tpu.dma_semaphore, #tpu.memory_space<semaphore_mem>>
        %dma_start3A_51 = arith.constant 0 : i32
        %dma_start3A_52 = tpu.memref_slice %arg8[%add3A_50, %dma_start3A_51] : memref<80x128xi32, #tpu.memory_space<vmem>> -> memref<1x128xi32, #tpu.memory_space<vmem>>
        %dma_start3A_53 = tpu.memref_squeeze %dma_start3A_52 : memref<1x128xi32, #tpu.memory_space<vmem>> -> memref<128xi32, #tpu.memory_space<vmem>>
        %dma_start3A_54 = arith.constant 0 : i32
        %dma_start3A_55 = arith.constant 0 : i32
        %dma_start3A_56 = tpu.memref_slice %arg11[%dma_start3A_54, %dma_start3A_55] : memref<10240x64xf32, #tpu.memory_space<vmem_shared>> -> memref<10240x64xf32, #tpu.memory_space<vmem_shared>>
        tpu.enqueue_indirect_dma source(%arg10 : memref<128x64xf32, #tpu.memory_space<vmem>>) target(%dma_start3A_56 : memref<10240x64xf32, #tpu.memory_space<vmem_shared>>) offsets(%dma_start3A_53 : memref<128xi32, #tpu.memory_space<vmem>>) semaphore(%run_scoped3A : memref<!tpu.dma_semaphore, #tpu.memory_space<semaphore_mem>>) {add = true}
        %dma_wait3A_57 = arith.constant 0 : i32
        %dma_wait3A_58 = tpu.memref_slice %arg8[%add3A_50, %dma_wait3A_57] : memref<80x128xi32, #tpu.memory_space<vmem>> -> memref<1x128xi32, #tpu.memory_space<vmem>>
        %dma_wait3A_59 = tpu.memref_squeeze %dma_wait3A_58 : memref<1x128xi32, #tpu.memory_space<vmem>> -> memref<128xi32, #tpu.memory_space<vmem>>
        %dma_wait3A_60 = arith.constant 0 : i32
        %dma_wait3A_61 = arith.constant 0 : i32
        %dma_wait3A_62 = tpu.memref_slice %arg11[%dma_wait3A_60, %dma_wait3A_61] : memref<10240x64xf32, #tpu.memory_space<vmem_shared>> -> memref<10240x64xf32, #tpu.memory_space<vmem_shared>>
        tpu.wait_indirect_dma semaphore(%run_scoped3A : memref<!tpu.dma_semaphore, #tpu.memory_space<semaphore_mem>>) src(%arg10 : memref<128x64xf32, #tpu.memory_space<vmem>>) dst(%dma_wait3A_62 : memref<10240x64xf32, #tpu.memory_space<vmem_shared>>)
        tpu.yield
      }) : () -> ()
    }
    %scan3A_19 = arith.constant 40 : i32
    %barrier3A_20 = arith.constant 0 : index
    tpu.barrier barrier_id(%barrier3A_20)
    "tpu.region"() ({
      %run_scoped3A = tpu.sem_alloc : memref<!tpu.dma_semaphore, #tpu.memory_space<semaphore_mem>>
      %dma_start3A_21 = arith.constant 0 : i32
      %dma_start3A_22 = tpu.memref_slice %arg6[%arg0, %mul3A_2, %dma_start3A_21] : memref<2x10240x64xf32, #tpu.memory_space<hbm>> -> memref<1x640x64xf32, #tpu.memory_space<hbm>>
      %dma_start3A_23 = tpu.memref_squeeze %dma_start3A_22 : memref<1x640x64xf32, #tpu.memory_space<hbm>> -> memref<640x64xf32, #tpu.memory_space<hbm>>
      %dma_start3A_24 = arith.constant 0 : i32
      %dma_start3A_25 = tpu.memref_slice %arg11[%mul3A_2, %dma_start3A_24] : memref<10240x64xf32, #tpu.memory_space<vmem_shared>> -> memref<640x64xf32, #tpu.memory_space<vmem_shared>>
      tpu.enqueue_dma source(%dma_start3A_25 : memref<640x64xf32, #tpu.memory_space<vmem_shared>>) target(%dma_start3A_23 : memref<640x64xf32, #tpu.memory_space<hbm>>) target_semaphore(%run_scoped3A : memref<!tpu.dma_semaphore, #tpu.memory_space<semaphore_mem>>)
      %dma_wait3A = arith.constant 0 : i32
      %dma_wait3A_26 = tpu.memref_slice %arg6[%arg0, %mul3A_2, %dma_wait3A] : memref<2x10240x64xf32, #tpu.memory_space<hbm>> -> memref<1x640x64xf32, #tpu.memory_space<hbm>>
      %dma_wait3A_27 = tpu.memref_squeeze %dma_wait3A_26 : memref<1x640x64xf32, #tpu.memory_space<hbm>> -> memref<640x64xf32, #tpu.memory_space<hbm>>
      %dma_wait3A_28 = arith.constant 0 : i32
      %dma_wait3A_29 = tpu.memref_slice %arg11[%mul3A_2, %dma_wait3A_28] : memref<10240x64xf32, #tpu.memory_space<vmem_shared>> -> memref<640x64xf32, #tpu.memory_space<vmem_shared>>
      tpu.wait_dma2 semaphore(%run_scoped3A : memref<!tpu.dma_semaphore, #tpu.memory_space<semaphore_mem>>) src(%dma_wait3A_29 : memref<640x64xf32, #tpu.memory_space<vmem_shared>>) dst(%dma_wait3A_27 : memref<640x64xf32, #tpu.memory_space<hbm>>)
      tpu.yield
    }) : () -> ()
    return
  }
}

#map = affine_map<(d0, d1) -> (0, 0, 0)>
#map1 = affine_map<(d0, d1) -> (0, 0)>
module attributes {stable_mosaic.version = 14 : i64} {
  func.func @body(%arg0: i32, %arg1: i32, %arg2: memref<32x80x128xi32, #tpu.memory_space<hbm>>, %arg3: memref<32x80x128xi32, #tpu.memory_space<hbm>>, %arg4: memref<10240x32xf32, #tpu.memory_space<hbm>>, %arg5: memref<10240x32xf32, #tpu.memory_space<hbm>>, %arg6: memref<2x10240x32xf32, #tpu.memory_space<hbm>>, %arg7: memref<80x128xi32, #tpu.memory_space<vmem>>, %arg8: memref<80x128xi32, #tpu.memory_space<vmem>>, %arg9: memref<128x32xf32, #tpu.memory_space<vmem>>, %arg10: memref<128x32xf32, #tpu.memory_space<vmem>>, %arg11: memref<10240x32xf32, #tpu.memory_space<vmem_shared>>, %arg12: memref<!tpu.dma_semaphore, #tpu.memory_space<semaphore_mem>>, %arg13: memref<!tpu.dma_semaphore, #tpu.memory_space<semaphore_mem>>) attributes {dimension_semantics = [#tpu.dimension_semantics<core_parallel>, #tpu.dimension_semantics<subcore_parallel>], iteration_bounds = array<i64: 2, 16>, scalar_prefetch = 0 : i64, scratch_operands = 7 : i64, tpu.core_type = #tpu.core_type<sc_vector_subcore>, window_params = [{transform_indices = #map}, {transform_indices = #map}, {transform_indices = #map1}, {transform_indices = #map1}, {transform_indices = #map}]} {
    %mul3A = arith.constant 16 : i32
    %mul3A_0 = arith.muli %arg0, %mul3A : i32
    %add3A = arith.addi %mul3A_0, %arg1 : i32
    %mul3A_1 = arith.constant 640 : i32
    %mul3A_2 = arith.muli %arg1, %mul3A_1 : i32
    %eq3A = arith.constant 0 : i32
    %eq3A_3 = arith.cmpi eq, %arg0, %eq3A : i32
    %convert_element_type3A = arith.extui %eq3A_3 : i1 to i32
    %cond3A = arith.constant 0 : i32
    %cond3A_4 = arith.cmpi ne, %convert_element_type3A, %cond3A : i32
    scf.if %cond3A_4 {
      "tpu.region"() ({
        %run_scoped3A = tpu.sem_alloc : memref<!tpu.dma_semaphore, #tpu.memory_space<semaphore_mem>>
        %dma_start3A_21 = arith.constant 0 : i32
        %dma_start3A_22 = tpu.memref_slice %arg11[%mul3A_2, %dma_start3A_21] : memref<10240x32xf32, #tpu.memory_space<vmem_shared>> -> memref<640x32xf32, #tpu.memory_space<vmem_shared>>
        %dma_start3A_23 = arith.constant 0 : i32
        %dma_start3A_24 = tpu.memref_slice %arg4[%mul3A_2, %dma_start3A_23] : memref<10240x32xf32, #tpu.memory_space<hbm>> -> memref<640x32xf32, #tpu.memory_space<hbm>>
        tpu.enqueue_dma source(%dma_start3A_24 : memref<640x32xf32, #tpu.memory_space<hbm>>) target(%dma_start3A_22 : memref<640x32xf32, #tpu.memory_space<vmem_shared>>) target_semaphore(%run_scoped3A : memref<!tpu.dma_semaphore, #tpu.memory_space<semaphore_mem>>)
        %dma_wait3A = arith.constant 0 : i32
        %dma_wait3A_25 = tpu.memref_slice %arg11[%mul3A_2, %dma_wait3A] : memref<10240x32xf32, #tpu.memory_space<vmem_shared>> -> memref<640x32xf32, #tpu.memory_space<vmem_shared>>
        %dma_wait3A_26 = arith.constant 0 : i32
        %dma_wait3A_27 = tpu.memref_slice %arg4[%mul3A_2, %dma_wait3A_26] : memref<10240x32xf32, #tpu.memory_space<hbm>> -> memref<640x32xf32, #tpu.memory_space<hbm>>
        tpu.wait_dma2 semaphore(%run_scoped3A : memref<!tpu.dma_semaphore, #tpu.memory_space<semaphore_mem>>) src(%dma_wait3A_27 : memref<640x32xf32, #tpu.memory_space<hbm>>) dst(%dma_wait3A_25 : memref<640x32xf32, #tpu.memory_space<vmem_shared>>)
        tpu.yield
      }) : () -> ()
    } else {
    }
    %ne3A = arith.constant 0 : i32
    %ne3A_5 = arith.cmpi ne, %arg0, %ne3A : i32
    %convert_element_type3A_6 = arith.extui %ne3A_5 : i1 to i32
    %cond3A_7 = arith.constant 0 : i32
    %cond3A_8 = arith.cmpi ne, %convert_element_type3A_6, %cond3A_7 : i32
    scf.if %cond3A_8 {
      "tpu.region"() ({
        %run_scoped3A = tpu.sem_alloc : memref<!tpu.dma_semaphore, #tpu.memory_space<semaphore_mem>>
        %dma_start3A_21 = arith.constant 0 : i32
        %dma_start3A_22 = tpu.memref_slice %arg11[%mul3A_2, %dma_start3A_21] : memref<10240x32xf32, #tpu.memory_space<vmem_shared>> -> memref<640x32xf32, #tpu.memory_space<vmem_shared>>
        %dma_start3A_23 = arith.constant 0 : i32
        %dma_start3A_24 = tpu.memref_slice %arg5[%mul3A_2, %dma_start3A_23] : memref<10240x32xf32, #tpu.memory_space<hbm>> -> memref<640x32xf32, #tpu.memory_space<hbm>>
        tpu.enqueue_dma source(%dma_start3A_24 : memref<640x32xf32, #tpu.memory_space<hbm>>) target(%dma_start3A_22 : memref<640x32xf32, #tpu.memory_space<vmem_shared>>) target_semaphore(%run_scoped3A : memref<!tpu.dma_semaphore, #tpu.memory_space<semaphore_mem>>)
        %dma_wait3A = arith.constant 0 : i32
        %dma_wait3A_25 = tpu.memref_slice %arg11[%mul3A_2, %dma_wait3A] : memref<10240x32xf32, #tpu.memory_space<vmem_shared>> -> memref<640x32xf32, #tpu.memory_space<vmem_shared>>
        %dma_wait3A_26 = arith.constant 0 : i32
        %dma_wait3A_27 = tpu.memref_slice %arg5[%mul3A_2, %dma_wait3A_26] : memref<10240x32xf32, #tpu.memory_space<hbm>> -> memref<640x32xf32, #tpu.memory_space<hbm>>
        tpu.wait_dma2 semaphore(%run_scoped3A : memref<!tpu.dma_semaphore, #tpu.memory_space<semaphore_mem>>) src(%dma_wait3A_27 : memref<640x32xf32, #tpu.memory_space<hbm>>) dst(%dma_wait3A_25 : memref<640x32xf32, #tpu.memory_space<vmem_shared>>)
        tpu.yield
      }) : () -> ()
    } else {
    }
    "tpu.region"() ({
      %run_scoped3A = tpu.sem_alloc : memref<!tpu.dma_semaphore, #tpu.memory_space<semaphore_mem>>
      %dma_start3A_21 = arith.constant 0 : i32
      %dma_start3A_22 = arith.constant 0 : i32
      %dma_start3A_23 = tpu.memref_slice %arg2[%add3A, %dma_start3A_21, %dma_start3A_22] : memref<32x80x128xi32, #tpu.memory_space<hbm>> -> memref<1x80x128xi32, #tpu.memory_space<hbm>>
      %dma_start3A_24 = tpu.memref_squeeze %dma_start3A_23 : memref<1x80x128xi32, #tpu.memory_space<hbm>> -> memref<80x128xi32, #tpu.memory_space<hbm>>
      %dma_start3A_25 = arith.constant 0 : i32
      %dma_start3A_26 = arith.constant 0 : i32
      %dma_start3A_27 = tpu.memref_slice %arg2[%add3A, %dma_start3A_25, %dma_start3A_26] : memref<32x80x128xi32, #tpu.memory_space<hbm>> -> memref<1x80x128xi32, #tpu.memory_space<hbm>>
      %dma_start3A_28 = tpu.memref_squeeze %dma_start3A_27 : memref<1x80x128xi32, #tpu.memory_space<hbm>> -> memref<80x128xi32, #tpu.memory_space<hbm>>
      tpu.enqueue_dma source(%dma_start3A_28 : memref<80x128xi32, #tpu.memory_space<hbm>>) target(%arg7 : memref<80x128xi32, #tpu.memory_space<vmem>>) target_semaphore(%run_scoped3A : memref<!tpu.dma_semaphore, #tpu.memory_space<semaphore_mem>>)
      %dma_wait3A = arith.constant 0 : i32
      %dma_wait3A_29 = arith.constant 0 : i32
      %dma_wait3A_30 = tpu.memref_slice %arg2[%add3A, %dma_wait3A, %dma_wait3A_29] : memref<32x80x128xi32, #tpu.memory_space<hbm>> -> memref<1x80x128xi32, #tpu.memory_space<hbm>>
      %dma_wait3A_31 = tpu.memref_squeeze %dma_wait3A_30 : memref<1x80x128xi32, #tpu.memory_space<hbm>> -> memref<80x128xi32, #tpu.memory_space<hbm>>
      %dma_wait3A_32 = arith.constant 0 : i32
      %dma_wait3A_33 = arith.constant 0 : i32
      %dma_wait3A_34 = tpu.memref_slice %arg2[%add3A, %dma_wait3A_32, %dma_wait3A_33] : memref<32x80x128xi32, #tpu.memory_space<hbm>> -> memref<1x80x128xi32, #tpu.memory_space<hbm>>
      %dma_wait3A_35 = tpu.memref_squeeze %dma_wait3A_34 : memref<1x80x128xi32, #tpu.memory_space<hbm>> -> memref<80x128xi32, #tpu.memory_space<hbm>>
      tpu.wait_dma2 semaphore(%run_scoped3A : memref<!tpu.dma_semaphore, #tpu.memory_space<semaphore_mem>>) src(%dma_wait3A_35 : memref<80x128xi32, #tpu.memory_space<hbm>>) dst(%arg7 : memref<80x128xi32, #tpu.memory_space<vmem>>)
      tpu.yield
    }) : () -> ()
    "tpu.region"() ({
      %run_scoped3A = tpu.sem_alloc : memref<!tpu.dma_semaphore, #tpu.memory_space<semaphore_mem>>
      %dma_start3A_21 = arith.constant 0 : i32
      %dma_start3A_22 = arith.constant 0 : i32
      %dma_start3A_23 = tpu.memref_slice %arg3[%add3A, %dma_start3A_21, %dma_start3A_22] : memref<32x80x128xi32, #tpu.memory_space<hbm>> -> memref<1x80x128xi32, #tpu.memory_space<hbm>>
      %dma_start3A_24 = tpu.memref_squeeze %dma_start3A_23 : memref<1x80x128xi32, #tpu.memory_space<hbm>> -> memref<80x128xi32, #tpu.memory_space<hbm>>
      %dma_start3A_25 = arith.constant 0 : i32
      %dma_start3A_26 = arith.constant 0 : i32
      %dma_start3A_27 = tpu.memref_slice %arg3[%add3A, %dma_start3A_25, %dma_start3A_26] : memref<32x80x128xi32, #tpu.memory_space<hbm>> -> memref<1x80x128xi32, #tpu.memory_space<hbm>>
      %dma_start3A_28 = tpu.memref_squeeze %dma_start3A_27 : memref<1x80x128xi32, #tpu.memory_space<hbm>> -> memref<80x128xi32, #tpu.memory_space<hbm>>
      tpu.enqueue_dma source(%dma_start3A_28 : memref<80x128xi32, #tpu.memory_space<hbm>>) target(%arg8 : memref<80x128xi32, #tpu.memory_space<vmem>>) target_semaphore(%run_scoped3A : memref<!tpu.dma_semaphore, #tpu.memory_space<semaphore_mem>>)
      %dma_wait3A = arith.constant 0 : i32
      %dma_wait3A_29 = arith.constant 0 : i32
      %dma_wait3A_30 = tpu.memref_slice %arg3[%add3A, %dma_wait3A, %dma_wait3A_29] : memref<32x80x128xi32, #tpu.memory_space<hbm>> -> memref<1x80x128xi32, #tpu.memory_space<hbm>>
      %dma_wait3A_31 = tpu.memref_squeeze %dma_wait3A_30 : memref<1x80x128xi32, #tpu.memory_space<hbm>> -> memref<80x128xi32, #tpu.memory_space<hbm>>
      %dma_wait3A_32 = arith.constant 0 : i32
      %dma_wait3A_33 = arith.constant 0 : i32
      %dma_wait3A_34 = tpu.memref_slice %arg3[%add3A, %dma_wait3A_32, %dma_wait3A_33] : memref<32x80x128xi32, #tpu.memory_space<hbm>> -> memref<1x80x128xi32, #tpu.memory_space<hbm>>
      %dma_wait3A_35 = tpu.memref_squeeze %dma_wait3A_34 : memref<1x80x128xi32, #tpu.memory_space<hbm>> -> memref<80x128xi32, #tpu.memory_space<hbm>>
      tpu.wait_dma2 semaphore(%run_scoped3A : memref<!tpu.dma_semaphore, #tpu.memory_space<semaphore_mem>>) src(%dma_wait3A_35 : memref<80x128xi32, #tpu.memory_space<hbm>>) dst(%arg8 : memref<80x128xi32, #tpu.memory_space<vmem>>)
      tpu.yield
    }) : () -> ()
    %barrier3A = arith.constant 0 : index
    tpu.barrier barrier_id(%barrier3A)
    %dma_start3A = arith.constant 0 : i32
    %dma_start3A_9 = arith.constant 0 : i32
    %dma_start3A_10 = tpu.memref_slice %arg7[%dma_start3A, %dma_start3A_9] : memref<80x128xi32, #tpu.memory_space<vmem>> -> memref<1x128xi32, #tpu.memory_space<vmem>>
    %dma_start3A_11 = tpu.memref_squeeze %dma_start3A_10 : memref<1x128xi32, #tpu.memory_space<vmem>> -> memref<128xi32, #tpu.memory_space<vmem>>
    %dma_start3A_12 = arith.constant 0 : i32
    %dma_start3A_13 = arith.constant 0 : i32
    %dma_start3A_14 = tpu.memref_slice %arg4[%dma_start3A_12, %dma_start3A_13] : memref<10240x32xf32, #tpu.memory_space<hbm>> -> memref<10240x32xf32, #tpu.memory_space<hbm>>
    tpu.enqueue_indirect_dma source(%dma_start3A_14 : memref<10240x32xf32, #tpu.memory_space<hbm>>) target(%arg9 : memref<128x32xf32, #tpu.memory_space<vmem>>) offsets(%dma_start3A_11 : memref<128xi32, #tpu.memory_space<vmem>>) semaphore(%arg12 : memref<!tpu.dma_semaphore, #tpu.memory_space<semaphore_mem>>)
    %scan3A = arith.constant 0 : i32
    %scan3A_15 = arith.constant 0 : i32
    %scan3A_16 = arith.constant 40 : i32
    %scan3A_17 = arith.addi %scan3A_15, %scan3A_16 : i32
    %scan3A_18 = arith.constant 1 : i32
    scf.for %scan3A_21 = %scan3A_15 to %scan3A_17 step %scan3A_18  : i32 {
      %mul3A_22 = arith.constant 2 : i32
      %mul3A_23 = arith.muli %mul3A_22, %scan3A_21 : i32
      %add3A_24 = arith.constant 1 : i32
      %add3A_25 = arith.addi %mul3A_23, %add3A_24 : i32
      %dma_start3A_26 = arith.constant 0 : i32
      %dma_start3A_27 = tpu.memref_slice %arg7[%add3A_25, %dma_start3A_26] : memref<80x128xi32, #tpu.memory_space<vmem>> -> memref<1x128xi32, #tpu.memory_space<vmem>>
      %dma_start3A_28 = tpu.memref_squeeze %dma_start3A_27 : memref<1x128xi32, #tpu.memory_space<vmem>> -> memref<128xi32, #tpu.memory_space<vmem>>
      %dma_start3A_29 = arith.constant 0 : i32
      %dma_start3A_30 = arith.constant 0 : i32
      %dma_start3A_31 = tpu.memref_slice %arg4[%dma_start3A_29, %dma_start3A_30] : memref<10240x32xf32, #tpu.memory_space<hbm>> -> memref<10240x32xf32, #tpu.memory_space<hbm>>
      tpu.enqueue_indirect_dma source(%dma_start3A_31 : memref<10240x32xf32, #tpu.memory_space<hbm>>) target(%arg10 : memref<128x32xf32, #tpu.memory_space<vmem>>) offsets(%dma_start3A_28 : memref<128xi32, #tpu.memory_space<vmem>>) semaphore(%arg13 : memref<!tpu.dma_semaphore, #tpu.memory_space<semaphore_mem>>)
      %dma_wait3A = arith.constant 0 : i32
      %dma_wait3A_32 = tpu.memref_slice %arg7[%mul3A_23, %dma_wait3A] : memref<80x128xi32, #tpu.memory_space<vmem>> -> memref<1x128xi32, #tpu.memory_space<vmem>>
      %dma_wait3A_33 = tpu.memref_squeeze %dma_wait3A_32 : memref<1x128xi32, #tpu.memory_space<vmem>> -> memref<128xi32, #tpu.memory_space<vmem>>
      %dma_wait3A_34 = arith.constant 0 : i32
      %dma_wait3A_35 = arith.constant 0 : i32
      %dma_wait3A_36 = tpu.memref_slice %arg4[%dma_wait3A_34, %dma_wait3A_35] : memref<10240x32xf32, #tpu.memory_space<hbm>> -> memref<10240x32xf32, #tpu.memory_space<hbm>>
      tpu.wait_indirect_dma semaphore(%arg12 : memref<!tpu.dma_semaphore, #tpu.memory_space<semaphore_mem>>) src(%dma_wait3A_36 : memref<10240x32xf32, #tpu.memory_space<hbm>>) dst(%arg9 : memref<128x32xf32, #tpu.memory_space<vmem>>)
      "tpu.region"() ({
        %run_scoped3A = tpu.sem_alloc : memref<!tpu.dma_semaphore, #tpu.memory_space<semaphore_mem>>
        %dma_start3A_51 = arith.constant 0 : i32
        %dma_start3A_52 = tpu.memref_slice %arg8[%mul3A_23, %dma_start3A_51] : memref<80x128xi32, #tpu.memory_space<vmem>> -> memref<1x128xi32, #tpu.memory_space<vmem>>
        %dma_start3A_53 = tpu.memref_squeeze %dma_start3A_52 : memref<1x128xi32, #tpu.memory_space<vmem>> -> memref<128xi32, #tpu.memory_space<vmem>>
        %dma_start3A_54 = arith.constant 0 : i32
        %dma_start3A_55 = arith.constant 0 : i32
        %dma_start3A_56 = tpu.memref_slice %arg11[%dma_start3A_54, %dma_start3A_55] : memref<10240x32xf32, #tpu.memory_space<vmem_shared>> -> memref<10240x32xf32, #tpu.memory_space<vmem_shared>>
        tpu.enqueue_indirect_dma source(%arg9 : memref<128x32xf32, #tpu.memory_space<vmem>>) target(%dma_start3A_56 : memref<10240x32xf32, #tpu.memory_space<vmem_shared>>) offsets(%dma_start3A_53 : memref<128xi32, #tpu.memory_space<vmem>>) semaphore(%run_scoped3A : memref<!tpu.dma_semaphore, #tpu.memory_space<semaphore_mem>>) {add = true}
        %dma_wait3A_57 = arith.constant 0 : i32
        %dma_wait3A_58 = tpu.memref_slice %arg8[%mul3A_23, %dma_wait3A_57] : memref<80x128xi32, #tpu.memory_space<vmem>> -> memref<1x128xi32, #tpu.memory_space<vmem>>
        %dma_wait3A_59 = tpu.memref_squeeze %dma_wait3A_58 : memref<1x128xi32, #tpu.memory_space<vmem>> -> memref<128xi32, #tpu.memory_space<vmem>>
        %dma_wait3A_60 = arith.constant 0 : i32
        %dma_wait3A_61 = arith.constant 0 : i32
        %dma_wait3A_62 = tpu.memref_slice %arg11[%dma_wait3A_60, %dma_wait3A_61] : memref<10240x32xf32, #tpu.memory_space<vmem_shared>> -> memref<10240x32xf32, #tpu.memory_space<vmem_shared>>
        tpu.wait_indirect_dma semaphore(%run_scoped3A : memref<!tpu.dma_semaphore, #tpu.memory_space<semaphore_mem>>) src(%arg9 : memref<128x32xf32, #tpu.memory_space<vmem>>) dst(%dma_wait3A_62 : memref<10240x32xf32, #tpu.memory_space<vmem_shared>>)
        tpu.yield
      }) : () -> ()
      %lt3A = arith.constant 39 : i32
      %lt3A_37 = arith.cmpi slt, %scan3A_21, %lt3A : i32
      %convert_element_type3A_38 = arith.extui %lt3A_37 : i1 to i32
      %cond3A_39 = arith.constant 0 : i32
      %cond3A_40 = arith.cmpi ne, %convert_element_type3A_38, %cond3A_39 : i32
      scf.if %cond3A_40 {
        %add3A_51 = arith.constant 2 : i32
        %add3A_52 = arith.addi %mul3A_23, %add3A_51 : i32
        %dma_start3A_53 = arith.constant 0 : i32
        %dma_start3A_54 = tpu.memref_slice %arg7[%add3A_52, %dma_start3A_53] : memref<80x128xi32, #tpu.memory_space<vmem>> -> memref<1x128xi32, #tpu.memory_space<vmem>>
        %dma_start3A_55 = tpu.memref_squeeze %dma_start3A_54 : memref<1x128xi32, #tpu.memory_space<vmem>> -> memref<128xi32, #tpu.memory_space<vmem>>
        %dma_start3A_56 = arith.constant 0 : i32
        %dma_start3A_57 = arith.constant 0 : i32
        %dma_start3A_58 = tpu.memref_slice %arg4[%dma_start3A_56, %dma_start3A_57] : memref<10240x32xf32, #tpu.memory_space<hbm>> -> memref<10240x32xf32, #tpu.memory_space<hbm>>
        tpu.enqueue_indirect_dma source(%dma_start3A_58 : memref<10240x32xf32, #tpu.memory_space<hbm>>) target(%arg9 : memref<128x32xf32, #tpu.memory_space<vmem>>) offsets(%dma_start3A_55 : memref<128xi32, #tpu.memory_space<vmem>>) semaphore(%arg12 : memref<!tpu.dma_semaphore, #tpu.memory_space<semaphore_mem>>)
      } else {
      }
      %add3A_41 = arith.constant 1 : i32
      %add3A_42 = arith.addi %mul3A_23, %add3A_41 : i32
      %dma_wait3A_43 = arith.constant 0 : i32
      %dma_wait3A_44 = tpu.memref_slice %arg7[%add3A_42, %dma_wait3A_43] : memref<80x128xi32, #tpu.memory_space<vmem>> -> memref<1x128xi32, #tpu.memory_space<vmem>>
      %dma_wait3A_45 = tpu.memref_squeeze %dma_wait3A_44 : memref<1x128xi32, #tpu.memory_space<vmem>> -> memref<128xi32, #tpu.memory_space<vmem>>
      %dma_wait3A_46 = arith.constant 0 : i32
      %dma_wait3A_47 = arith.constant 0 : i32
      %dma_wait3A_48 = tpu.memref_slice %arg4[%dma_wait3A_46, %dma_wait3A_47] : memref<10240x32xf32, #tpu.memory_space<hbm>> -> memref<10240x32xf32, #tpu.memory_space<hbm>>
      tpu.wait_indirect_dma semaphore(%arg13 : memref<!tpu.dma_semaphore, #tpu.memory_space<semaphore_mem>>) src(%dma_wait3A_48 : memref<10240x32xf32, #tpu.memory_space<hbm>>) dst(%arg10 : memref<128x32xf32, #tpu.memory_space<vmem>>)
      %add3A_49 = arith.constant 1 : i32
      %add3A_50 = arith.addi %mul3A_23, %add3A_49 : i32
      "tpu.region"() ({
        %run_scoped3A = tpu.sem_alloc : memref<!tpu.dma_semaphore, #tpu.memory_space<semaphore_mem>>
        %dma_start3A_51 = arith.constant 0 : i32
        %dma_start3A_52 = tpu.memref_slice %arg8[%add3A_50, %dma_start3A_51] : memref<80x128xi32, #tpu.memory_space<vmem>> -> memref<1x128xi32, #tpu.memory_space<vmem>>
        %dma_start3A_53 = tpu.memref_squeeze %dma_start3A_52 : memref<1x128xi32, #tpu.memory_space<vmem>> -> memref<128xi32, #tpu.memory_space<vmem>>
        %dma_start3A_54 = arith.constant 0 : i32
        %dma_start3A_55 = arith.constant 0 : i32
        %dma_start3A_56 = tpu.memref_slice %arg11[%dma_start3A_54, %dma_start3A_55] : memref<10240x32xf32, #tpu.memory_space<vmem_shared>> -> memref<10240x32xf32, #tpu.memory_space<vmem_shared>>
        tpu.enqueue_indirect_dma source(%arg10 : memref<128x32xf32, #tpu.memory_space<vmem>>) target(%dma_start3A_56 : memref<10240x32xf32, #tpu.memory_space<vmem_shared>>) offsets(%dma_start3A_53 : memref<128xi32, #tpu.memory_space<vmem>>) semaphore(%run_scoped3A : memref<!tpu.dma_semaphore, #tpu.memory_space<semaphore_mem>>) {add = true}
        %dma_wait3A_57 = arith.constant 0 : i32
        %dma_wait3A_58 = tpu.memref_slice %arg8[%add3A_50, %dma_wait3A_57] : memref<80x128xi32, #tpu.memory_space<vmem>> -> memref<1x128xi32, #tpu.memory_space<vmem>>
        %dma_wait3A_59 = tpu.memref_squeeze %dma_wait3A_58 : memref<1x128xi32, #tpu.memory_space<vmem>> -> memref<128xi32, #tpu.memory_space<vmem>>
        %dma_wait3A_60 = arith.constant 0 : i32
        %dma_wait3A_61 = arith.constant 0 : i32
        %dma_wait3A_62 = tpu.memref_slice %arg11[%dma_wait3A_60, %dma_wait3A_61] : memref<10240x32xf32, #tpu.memory_space<vmem_shared>> -> memref<10240x32xf32, #tpu.memory_space<vmem_shared>>
        tpu.wait_indirect_dma semaphore(%run_scoped3A : memref<!tpu.dma_semaphore, #tpu.memory_space<semaphore_mem>>) src(%arg10 : memref<128x32xf32, #tpu.memory_space<vmem>>) dst(%dma_wait3A_62 : memref<10240x32xf32, #tpu.memory_space<vmem_shared>>)
        tpu.yield
      }) : () -> ()
    }
    %scan3A_19 = arith.constant 40 : i32
    %barrier3A_20 = arith.constant 0 : index
    tpu.barrier barrier_id(%barrier3A_20)
    "tpu.region"() ({
      %run_scoped3A = tpu.sem_alloc : memref<!tpu.dma_semaphore, #tpu.memory_space<semaphore_mem>>
      %dma_start3A_21 = arith.constant 0 : i32
      %dma_start3A_22 = tpu.memref_slice %arg6[%arg0, %mul3A_2, %dma_start3A_21] : memref<2x10240x32xf32, #tpu.memory_space<hbm>> -> memref<1x640x32xf32, #tpu.memory_space<hbm>>
      %dma_start3A_23 = tpu.memref_squeeze %dma_start3A_22 : memref<1x640x32xf32, #tpu.memory_space<hbm>> -> memref<640x32xf32, #tpu.memory_space<hbm>>
      %dma_start3A_24 = arith.constant 0 : i32
      %dma_start3A_25 = tpu.memref_slice %arg11[%mul3A_2, %dma_start3A_24] : memref<10240x32xf32, #tpu.memory_space<vmem_shared>> -> memref<640x32xf32, #tpu.memory_space<vmem_shared>>
      tpu.enqueue_dma source(%dma_start3A_25 : memref<640x32xf32, #tpu.memory_space<vmem_shared>>) target(%dma_start3A_23 : memref<640x32xf32, #tpu.memory_space<hbm>>) target_semaphore(%run_scoped3A : memref<!tpu.dma_semaphore, #tpu.memory_space<semaphore_mem>>)
      %dma_wait3A = arith.constant 0 : i32
      %dma_wait3A_26 = tpu.memref_slice %arg6[%arg0, %mul3A_2, %dma_wait3A] : memref<2x10240x32xf32, #tpu.memory_space<hbm>> -> memref<1x640x32xf32, #tpu.memory_space<hbm>>
      %dma_wait3A_27 = tpu.memref_squeeze %dma_wait3A_26 : memref<1x640x32xf32, #tpu.memory_space<hbm>> -> memref<640x32xf32, #tpu.memory_space<hbm>>
      %dma_wait3A_28 = arith.constant 0 : i32
      %dma_wait3A_29 = tpu.memref_slice %arg11[%mul3A_2, %dma_wait3A_28] : memref<10240x32xf32, #tpu.memory_space<vmem_shared>> -> memref<640x32xf32, #tpu.memory_space<vmem_shared>>
      tpu.wait_dma2 semaphore(%run_scoped3A : memref<!tpu.dma_semaphore, #tpu.memory_space<semaphore_mem>>) src(%dma_wait3A_29 : memref<640x32xf32, #tpu.memory_space<vmem_shared>>) dst(%dma_wait3A_27 : memref<640x32xf32, #tpu.memory_space<hbm>>)
      tpu.yield
    }) : () -> ()
    return
  }
}

module attributes {stable_mosaic.version = 14 : i64} {
  func.func @_tc_pre_body(%arg0: i32, %arg1: memref<32x1024xf32, #tpu.memory_space<vmem>>, %arg2: memref<1024x128xf32, #tpu.memory_space<vmem>>, %arg3: memref<128x128xf32, #tpu.memory_space<vmem>>, %arg4: memref<1024x1xf32, #tpu.memory_space<vmem>>, %arg5: memref<2x1024x64xf32, #tpu.memory_space<vmem>>) attributes {dimension_semantics = [#tpu.dimension_semantics<arbitrary>], iteration_bounds = array<i64: 10>, scalar_prefetch = 0 : i64, scratch_operands = 0 : i64, tpu.core_type = #tpu.core_type<tc>, window_params = [{transform_indices = @transform_0, window_bounds = array<i64: 32, 1024>}, {transform_indices = @transform_1, window_bounds = array<i64: 1024, 128>}, {pipeline_mode = #tpu.pipeline_mode<synchronous>, transform_indices = @transform_2, window_bounds = array<i64: 128, 128>}, {transform_indices = @transform_3, window_bounds = array<i64: 1024, 1>}, {transform_indices = @transform_4, window_bounds = array<i64: 2, 1024, 64>}]} {
    %get3A = arith.constant 0 : index
    %get3A_0 = arith.constant 0 : index
    %get3A_1 = vector.load %arg1[%get3A, %get3A_0] : memref<32x1024xf32, #tpu.memory_space<vmem>>, vector<32x1024xf32>
    %reduce_sum3A = arith.constant dense<0.000000e+00> : vector<1024xf32>
    %reduce_sum3A_2 = vector.multi_reduction <add>, %get3A_1, %reduce_sum3A [0] : vector<32x1024xf32> to vector<1024xf32>
    %broadcast_in_dim3A = vector.shape_cast %reduce_sum3A_2 : vector<1024xf32> to vector<1024x1xf32>
    %add3A = arith.constant 1.000000e+00 : f32
    %add3A_3 = vector.broadcast %add3A : f32 to vector<1024x1xf32>
    %add3A_4 = arith.addf %broadcast_in_dim3A, %add3A_3 : vector<1024x1xf32>
    %rsqrt3A = math.rsqrt %add3A_4 : vector<1024x1xf32>
    %swap3A = arith.constant 0 : index
    %swap3A_5 = arith.constant 0 : index
    %swap3A_6 = vector.load %arg4[%swap3A, %swap3A_5] : memref<1024x1xf32, #tpu.memory_space<vmem>>, vector<1024x1xf32>
    tpu.vector_store %arg4[%swap3A, %swap3A_5], %rsqrt3A {strides = array<i32>} : memref<1024x1xf32, #tpu.memory_space<vmem>>, vector<1024x1xf32>,
    %get3A_7 = arith.constant 0 : index
    %get3A_8 = arith.constant 0 : index
    %get3A_9 = vector.load %arg2[%get3A_7, %get3A_8] : memref<1024x128xf32, #tpu.memory_space<vmem>>, vector<1024x128xf32>
    %get3A_10 = arith.constant 0 : index
    %get3A_11 = arith.constant 0 : index
    %get3A_12 = vector.load %arg3[%get3A_10, %get3A_11] : memref<128x128xf32, #tpu.memory_space<vmem>>, vector<128x128xf32>
    %dot_general3A = arith.constant dense<0.000000e+00> : vector<1024x128xf32>
    %dot_general3A_13 = tpu.matmul %get3A_9, %get3A_12, %dot_general3A {dimension_numbers = #tpu.dot_dimension_numbers<[1], [0], [0], [1], [0, 0, 1, 1], [], []>, transpose_lhs_hint = false} : vector<1024x128xf32>, vector<128x128xf32>, vector<1024x128xf32> -> vector<1024x128xf32>
    %mul3A = vector.broadcast %rsqrt3A : vector<1024x1xf32> to vector<1024x128xf32>
    %mul3A_14 = arith.mulf %mul3A, %dot_general3A_13 : vector<1024x128xf32>
    %slice3A = vector.extract_strided_slice %mul3A_14 {offsets = [0, 0], sizes = [1024, 64], strides = [1, 1]} : vector<1024x128xf32> to vector<1024x64xf32>
    %swap3A_15 = arith.constant 0 : index
    %swap3A_16 = arith.constant 0 : index
    %swap3A_17 = arith.constant 0 : index
    %swap3A_18 = vector.load %arg5[%swap3A_15, %swap3A_16, %swap3A_17] : memref<2x1024x64xf32, #tpu.memory_space<vmem>>, vector<1x1024x64xf32>
    %swap3A_19 = vector.shape_cast %swap3A_18 : vector<1x1024x64xf32> to vector<1024x64xf32>
    %swap3A_20 = vector.shape_cast %slice3A : vector<1024x64xf32> to vector<1x1024x64xf32>
    tpu.vector_store %arg5[%swap3A_15, %swap3A_16, %swap3A_17], %swap3A_20 {strides = array<i32>} : memref<2x1024x64xf32, #tpu.memory_space<vmem>>, vector<1x1024x64xf32>,
    %slice3A_21 = vector.extract_strided_slice %mul3A_14 {offsets = [0, 64], sizes = [1024, 64], strides = [1, 1]} : vector<1024x128xf32> to vector<1024x64xf32>
    %swap3A_22 = arith.constant 1 : index
    %swap3A_23 = arith.constant 0 : index
    %swap3A_24 = arith.constant 0 : index
    %swap3A_25 = vector.load %arg5[%swap3A_22, %swap3A_23, %swap3A_24] : memref<2x1024x64xf32, #tpu.memory_space<vmem>>, vector<1x1024x64xf32>
    %swap3A_26 = vector.shape_cast %swap3A_25 : vector<1x1024x64xf32> to vector<1024x64xf32>
    %swap3A_27 = vector.shape_cast %slice3A_21 : vector<1024x64xf32> to vector<1x1024x64xf32>
    tpu.vector_store %arg5[%swap3A_22, %swap3A_23, %swap3A_24], %swap3A_27 {strides = array<i32>} : memref<2x1024x64xf32, #tpu.memory_space<vmem>>, vector<1x1024x64xf32>,
    return
  }
  func.func @transform_0(%arg0: i32) -> (i32, i32) {
    %c0_i32 = arith.constant 0 : i32
    %c0_i32_0 = arith.constant 0 : i32
    return %c0_i32, %arg0 : i32, i32
  }
  func.func @transform_1(%arg0: i32) -> (i32, i32) {
    %c0_i32 = arith.constant 0 : i32
    %c0_i32_0 = arith.constant 0 : i32
    return %arg0, %c0_i32 : i32, i32
  }
  func.func @transform_2(%arg0: i32) -> (i32, i32) {
    %c0_i32 = arith.constant 0 : i32
    %c0_i32_0 = arith.constant 0 : i32
    %c0_i32_1 = arith.constant 0 : i32
    return %c0_i32, %c0_i32_0 : i32, i32
  }
  func.func @transform_3(%arg0: i32) -> (i32, i32) {
    %c0_i32 = arith.constant 0 : i32
    %c0_i32_0 = arith.constant 0 : i32
    return %arg0, %c0_i32 : i32, i32
  }
  func.func @transform_4(%arg0: i32) -> (i32, i32, i32) {
    %c0_i32 = arith.constant 0 : i32
    %c0_i32_0 = arith.constant 0 : i32
    %c0_i32_1 = arith.constant 0 : i32
    return %c0_i32, %arg0, %c0_i32_0 : i32, i32, i32
  }
}

module attributes {stable_mosaic.version = 14 : i64} {
  func.func @body(%arg0: i32, %arg1: memref<2x1024x64xf32, #tpu.memory_space<vmem>>, %arg2: memref<1024x1xf32, #tpu.memory_space<vmem>>, %arg3: memref<1x128xf32, #tpu.memory_space<vmem>>, %arg4: memref<128x128xf32, #tpu.memory_space<vmem>>, %arg5: memref<2x1024x64xf32, #tpu.memory_space<vmem>>) attributes {dimension_semantics = [#tpu.dimension_semantics<arbitrary>], iteration_bounds = array<i64: 10>, scalar_prefetch = 0 : i64, scratch_operands = 0 : i64, tpu.core_type = #tpu.core_type<tc>, window_params = [{transform_indices = @transform_0, window_bounds = array<i64: 2, 1024, 64>}, {transform_indices = @transform_1, window_bounds = array<i64: 1024, 1>}, {pipeline_mode = #tpu.pipeline_mode<synchronous>, transform_indices = @transform_2, window_bounds = array<i64: 1, 128>}, {pipeline_mode = #tpu.pipeline_mode<synchronous>, transform_indices = @transform_3, window_bounds = array<i64: 128, 128>}, {transform_indices = @transform_4, window_bounds = array<i64: 2, 1024, 64>}]} {
    %get3A = arith.constant 0 : index
    %get3A_0 = arith.constant 0 : index
    %get3A_1 = arith.constant 0 : index
    %get3A_2 = vector.load %arg1[%get3A, %get3A_0, %get3A_1] : memref<2x1024x64xf32, #tpu.memory_space<vmem>>, vector<2x1024x64xf32>
    %get3A_3 = arith.constant 0 : index
    %get3A_4 = arith.constant 0 : index
    %get3A_5 = vector.load %arg2[%get3A_3, %get3A_4] : memref<1024x1xf32, #tpu.memory_space<vmem>>, vector<1024x1xf32>
    %slice3A = vector.extract_strided_slice %get3A_2 {offsets = [0, 0, 0], sizes = [1, 1024, 64], strides = [1, 1, 1]} : vector<2x1024x64xf32> to vector<1x1024x64xf32>
    %squeeze3A = vector.shape_cast %slice3A : vector<1x1024x64xf32> to vector<1024x64xf32>
    %slice3A_6 = vector.extract_strided_slice %get3A_2 {offsets = [1, 0, 0], sizes = [1, 1024, 64], strides = [1, 1, 1]} : vector<2x1024x64xf32> to vector<1x1024x64xf32>
    %squeeze3A_7 = vector.shape_cast %slice3A_6 : vector<1x1024x64xf32> to vector<1024x64xf32>
    %concatenate3A = tpu.concatenate %squeeze3A, %squeeze3A_7 in 1 : vector<1024x64xf32>, vector<1024x64xf32> -> vector<1024x128xf32>
    %mul3A = vector.broadcast %get3A_5 : vector<1024x1xf32> to vector<1024x128xf32>
    %mul3A_8 = arith.mulf %mul3A, %concatenate3A : vector<1024x128xf32>
    %get3A_9 = arith.constant 0 : index
    %get3A_10 = arith.constant 0 : index
    %get3A_11 = vector.load %arg3[%get3A_9, %get3A_10] : memref<1x128xf32, #tpu.memory_space<vmem>>, vector<1x128xf32>
    %add3A = vector.broadcast %get3A_11 : vector<1x128xf32> to vector<1024x128xf32>
    %add3A_12 = arith.addf %mul3A_8, %add3A : vector<1024x128xf32>
    %max3A = arith.constant 0.000000e+00 : f32
    %max3A_13 = vector.broadcast %max3A : f32 to vector<1024x128xf32>
    %max3A_14 = arith.maximumf %add3A_12, %max3A_13 : vector<1024x128xf32>
    %get3A_15 = arith.constant 0 : index
    %get3A_16 = arith.constant 0 : index
    %get3A_17 = vector.load %arg4[%get3A_15, %get3A_16] : memref<128x128xf32, #tpu.memory_space<vmem>>, vector<128x128xf32>
    %dot_general3A = arith.constant dense<0.000000e+00> : vector<1024x128xf32>
    %dot_general3A_18 = tpu.matmul %max3A_14, %get3A_17, %dot_general3A {dimension_numbers = #tpu.dot_dimension_numbers<[1], [0], [0], [1], [0, 0, 1, 1], [], []>, transpose_lhs_hint = false} : vector<1024x128xf32>, vector<128x128xf32>, vector<1024x128xf32> -> vector<1024x128xf32>
    %mul3A_19 = vector.broadcast %get3A_5 : vector<1024x1xf32> to vector<1024x128xf32>
    %mul3A_20 = arith.mulf %mul3A_19, %dot_general3A_18 : vector<1024x128xf32>
    %slice3A_21 = vector.extract_strided_slice %mul3A_20 {offsets = [0, 0], sizes = [1024, 64], strides = [1, 1]} : vector<1024x128xf32> to vector<1024x64xf32>
    %swap3A = arith.constant 0 : index
    %swap3A_22 = arith.constant 0 : index
    %swap3A_23 = arith.constant 0 : index
    %swap3A_24 = vector.load %arg5[%swap3A, %swap3A_22, %swap3A_23] : memref<2x1024x64xf32, #tpu.memory_space<vmem>>, vector<1x1024x64xf32>
    %swap3A_25 = vector.shape_cast %swap3A_24 : vector<1x1024x64xf32> to vector<1024x64xf32>
    %swap3A_26 = vector.shape_cast %slice3A_21 : vector<1024x64xf32> to vector<1x1024x64xf32>
    tpu.vector_store %arg5[%swap3A, %swap3A_22, %swap3A_23], %swap3A_26 {strides = array<i32>} : memref<2x1024x64xf32, #tpu.memory_space<vmem>>, vector<1x1024x64xf32>,
    %slice3A_27 = vector.extract_strided_slice %mul3A_20 {offsets = [0, 64], sizes = [1024, 64], strides = [1, 1]} : vector<1024x128xf32> to vector<1024x64xf32>
    %swap3A_28 = arith.constant 1 : index
    %swap3A_29 = arith.constant 0 : index
    %swap3A_30 = arith.constant 0 : index
    %swap3A_31 = vector.load %arg5[%swap3A_28, %swap3A_29, %swap3A_30] : memref<2x1024x64xf32, #tpu.memory_space<vmem>>, vector<1x1024x64xf32>
    %swap3A_32 = vector.shape_cast %swap3A_31 : vector<1x1024x64xf32> to vector<1024x64xf32>
    %swap3A_33 = vector.shape_cast %slice3A_27 : vector<1024x64xf32> to vector<1x1024x64xf32>
    tpu.vector_store %arg5[%swap3A_28, %swap3A_29, %swap3A_30], %swap3A_33 {strides = array<i32>} : memref<2x1024x64xf32, #tpu.memory_space<vmem>>, vector<1x1024x64xf32>,
    return
  }
  func.func @transform_0(%arg0: i32) -> (i32, i32, i32) {
    %c0_i32 = arith.constant 0 : i32
    %c0_i32_0 = arith.constant 0 : i32
    %c0_i32_1 = arith.constant 0 : i32
    return %c0_i32, %arg0, %c0_i32_0 : i32, i32, i32
  }
  func.func @transform_1(%arg0: i32) -> (i32, i32) {
    %c0_i32 = arith.constant 0 : i32
    %c0_i32_0 = arith.constant 0 : i32
    return %arg0, %c0_i32 : i32, i32
  }
  func.func @transform_2(%arg0: i32) -> (i32, i32) {
    %c0_i32 = arith.constant 0 : i32
    %c0_i32_0 = arith.constant 0 : i32
    %c0_i32_1 = arith.constant 0 : i32
    return %c0_i32, %c0_i32_0 : i32, i32
  }
  func.func @transform_3(%arg0: i32) -> (i32, i32) {
    %c0_i32 = arith.constant 0 : i32
    %c0_i32_0 = arith.constant 0 : i32
    %c0_i32_1 = arith.constant 0 : i32
    return %c0_i32, %c0_i32_0 : i32, i32
  }
  func.func @transform_4(%arg0: i32) -> (i32, i32, i32) {
    %c0_i32 = arith.constant 0 : i32
    %c0_i32_0 = arith.constant 0 : i32
    %c0_i32_1 = arith.constant 0 : i32
    return %c0_i32, %arg0, %c0_i32_0 : i32, i32, i32
  }
}

module attributes {stable_mosaic.version = 14 : i64} {
  func.func @body(%arg0: i32, %arg1: memref<2x1024x64xf32, #tpu.memory_space<vmem>>, %arg2: memref<1024x1xf32, #tpu.memory_space<vmem>>, %arg3: memref<1x128xf32, #tpu.memory_space<vmem>>, %arg4: memref<128x64xf32, #tpu.memory_space<vmem>>, %arg5: memref<1024x64xf32, #tpu.memory_space<vmem>>) attributes {dimension_semantics = [#tpu.dimension_semantics<arbitrary>], iteration_bounds = array<i64: 10>, scalar_prefetch = 0 : i64, scratch_operands = 0 : i64, tpu.core_type = #tpu.core_type<tc>, window_params = [{transform_indices = @transform_0, window_bounds = array<i64: 2, 1024, 64>}, {transform_indices = @transform_1, window_bounds = array<i64: 1024, 1>}, {pipeline_mode = #tpu.pipeline_mode<synchronous>, transform_indices = @transform_2, window_bounds = array<i64: 1, 128>}, {pipeline_mode = #tpu.pipeline_mode<synchronous>, transform_indices = @transform_3, window_bounds = array<i64: 128, 64>}, {transform_indices = @transform_4, window_bounds = array<i64: 1024, 64>}]} {
    %get3A = arith.constant 0 : index
    %get3A_0 = arith.constant 0 : index
    %get3A_1 = arith.constant 0 : index
    %get3A_2 = vector.load %arg1[%get3A, %get3A_0, %get3A_1] : memref<2x1024x64xf32, #tpu.memory_space<vmem>>, vector<2x1024x64xf32>
    %get3A_3 = arith.constant 0 : index
    %get3A_4 = arith.constant 0 : index
    %get3A_5 = vector.load %arg2[%get3A_3, %get3A_4] : memref<1024x1xf32, #tpu.memory_space<vmem>>, vector<1024x1xf32>
    %slice3A = vector.extract_strided_slice %get3A_2 {offsets = [0, 0, 0], sizes = [1, 1024, 64], strides = [1, 1, 1]} : vector<2x1024x64xf32> to vector<1x1024x64xf32>
    %squeeze3A = vector.shape_cast %slice3A : vector<1x1024x64xf32> to vector<1024x64xf32>
    %slice3A_6 = vector.extract_strided_slice %get3A_2 {offsets = [1, 0, 0], sizes = [1, 1024, 64], strides = [1, 1, 1]} : vector<2x1024x64xf32> to vector<1x1024x64xf32>
    %squeeze3A_7 = vector.shape_cast %slice3A_6 : vector<1x1024x64xf32> to vector<1024x64xf32>
    %concatenate3A = tpu.concatenate %squeeze3A, %squeeze3A_7 in 1 : vector<1024x64xf32>, vector<1024x64xf32> -> vector<1024x128xf32>
    %mul3A = vector.broadcast %get3A_5 : vector<1024x1xf32> to vector<1024x128xf32>
    %mul3A_8 = arith.mulf %mul3A, %concatenate3A : vector<1024x128xf32>
    %get3A_9 = arith.constant 0 : index
    %get3A_10 = arith.constant 0 : index
    %get3A_11 = vector.load %arg3[%get3A_9, %get3A_10] : memref<1x128xf32, #tpu.memory_space<vmem>>, vector<1x128xf32>
    %add3A = vector.broadcast %get3A_11 : vector<1x128xf32> to vector<1024x128xf32>
    %add3A_12 = arith.addf %mul3A_8, %add3A : vector<1024x128xf32>
    %max3A = arith.constant 0.000000e+00 : f32
    %max3A_13 = vector.broadcast %max3A : f32 to vector<1024x128xf32>
    %max3A_14 = arith.maximumf %add3A_12, %max3A_13 : vector<1024x128xf32>
    %get3A_15 = arith.constant 0 : index
    %get3A_16 = arith.constant 0 : index
    %get3A_17 = vector.load %arg4[%get3A_15, %get3A_16] : memref<128x64xf32, #tpu.memory_space<vmem>>, vector<128x64xf32>
    %dot_general3A = arith.constant dense<0.000000e+00> : vector<1024x64xf32>
    %dot_general3A_18 = tpu.matmul %max3A_14, %get3A_17, %dot_general3A {dimension_numbers = #tpu.dot_dimension_numbers<[1], [0], [0], [1], [0, 0, 1, 1], [], []>, transpose_lhs_hint = false} : vector<1024x128xf32>, vector<128x64xf32>, vector<1024x64xf32> -> vector<1024x64xf32>
    %mul3A_19 = vector.broadcast %get3A_5 : vector<1024x1xf32> to vector<1024x64xf32>
    %mul3A_20 = arith.mulf %mul3A_19, %dot_general3A_18 : vector<1024x64xf32>
    %swap3A = arith.constant 0 : index
    %swap3A_21 = arith.constant 0 : index
    %swap3A_22 = vector.load %arg5[%swap3A, %swap3A_21] : memref<1024x64xf32, #tpu.memory_space<vmem>>, vector<1024x64xf32>
    tpu.vector_store %arg5[%swap3A, %swap3A_21], %mul3A_20 {strides = array<i32>} : memref<1024x64xf32, #tpu.memory_space<vmem>>, vector<1024x64xf32>,
    return
  }
  func.func @transform_0(%arg0: i32) -> (i32, i32, i32) {
    %c0_i32 = arith.constant 0 : i32
    %c0_i32_0 = arith.constant 0 : i32
    %c0_i32_1 = arith.constant 0 : i32
    return %c0_i32, %arg0, %c0_i32_0 : i32, i32, i32
  }
  func.func @transform_1(%arg0: i32) -> (i32, i32) {
    %c0_i32 = arith.constant 0 : i32
    %c0_i32_0 = arith.constant 0 : i32
    return %arg0, %c0_i32 : i32, i32
  }
  func.func @transform_2(%arg0: i32) -> (i32, i32) {
    %c0_i32 = arith.constant 0 : i32
    %c0_i32_0 = arith.constant 0 : i32
    %c0_i32_1 = arith.constant 0 : i32
    return %c0_i32, %c0_i32_0 : i32, i32
  }
  func.func @transform_3(%arg0: i32) -> (i32, i32) {
    %c0_i32 = arith.constant 0 : i32
    %c0_i32_0 = arith.constant 0 : i32
    %c0_i32_1 = arith.constant 0 : i32
    return %c0_i32, %c0_i32_0 : i32, i32
  }
  func.func @transform_4(%arg0: i32) -> (i32, i32) {
    %c0_i32 = arith.constant 0 : i32
    %c0_i32_0 = arith.constant 0 : i32
    return %arg0, %c0_i32 : i32, i32
  }
}

module attributes {stable_mosaic.version = 14 : i64} {
  func.func @_tc_mid1_body(%arg0: i32, %arg1: memref<2x1024x64xf32, #tpu.memory_space<vmem>>, %arg2: memref<1024x1xf32, #tpu.memory_space<vmem>>, %arg3: memref<1x64xf32, #tpu.memory_space<vmem>>, %arg4: memref<64x32xf32, #tpu.memory_space<vmem>>, %arg5: memref<1024x32xf32, #tpu.memory_space<vmem>>) attributes {dimension_semantics = [#tpu.dimension_semantics<arbitrary>], iteration_bounds = array<i64: 10>, scalar_prefetch = 0 : i64, scratch_operands = 0 : i64, tpu.core_type = #tpu.core_type<tc>, window_params = [{transform_indices = @transform_0, window_bounds = array<i64: 2, 1024, 64>}, {transform_indices = @transform_1, window_bounds = array<i64: 1024, 1>}, {pipeline_mode = #tpu.pipeline_mode<synchronous>, transform_indices = @transform_2, window_bounds = array<i64: 1, 64>}, {pipeline_mode = #tpu.pipeline_mode<synchronous>, transform_indices = @transform_3, window_bounds = array<i64: 64, 32>}, {transform_indices = @transform_4, window_bounds = array<i64: 1024, 32>}]} {
    %get3A = arith.constant 0 : index
    %get3A_0 = arith.constant 0 : index
    %get3A_1 = arith.constant 0 : index
    %get3A_2 = vector.load %arg1[%get3A, %get3A_0, %get3A_1] : memref<2x1024x64xf32, #tpu.memory_space<vmem>>, vector<2x1024x64xf32>
    %get3A_3 = arith.constant 0 : index
    %get3A_4 = arith.constant 0 : index
    %get3A_5 = vector.load %arg2[%get3A_3, %get3A_4] : memref<1024x1xf32, #tpu.memory_space<vmem>>, vector<1024x1xf32>
    %slice3A = vector.extract_strided_slice %get3A_2 {offsets = [0, 0, 0], sizes = [1, 1024, 64], strides = [1, 1, 1]} : vector<2x1024x64xf32> to vector<1x1024x64xf32>
    %squeeze3A = vector.shape_cast %slice3A : vector<1x1024x64xf32> to vector<1024x64xf32>
    %slice3A_6 = vector.extract_strided_slice %get3A_2 {offsets = [1, 0, 0], sizes = [1, 1024, 64], strides = [1, 1, 1]} : vector<2x1024x64xf32> to vector<1x1024x64xf32>
    %squeeze3A_7 = vector.shape_cast %slice3A_6 : vector<1x1024x64xf32> to vector<1024x64xf32>
    %add3A = arith.addf %squeeze3A, %squeeze3A_7 : vector<1024x64xf32>
    %mul3A = vector.broadcast %get3A_5 : vector<1024x1xf32> to vector<1024x64xf32>
    %mul3A_8 = arith.mulf %mul3A, %add3A : vector<1024x64xf32>
    %get3A_9 = arith.constant 0 : index
    %get3A_10 = arith.constant 0 : index
    %get3A_11 = vector.load %arg3[%get3A_9, %get3A_10] : memref<1x64xf32, #tpu.memory_space<vmem>>, vector<1x64xf32>
    %add3A_12 = vector.broadcast %get3A_11 : vector<1x64xf32> to vector<1024x64xf32>
    %add3A_13 = arith.addf %mul3A_8, %add3A_12 : vector<1024x64xf32>
    %max3A = arith.constant 0.000000e+00 : f32
    %max3A_14 = vector.broadcast %max3A : f32 to vector<1024x64xf32>
    %max3A_15 = arith.maximumf %add3A_13, %max3A_14 : vector<1024x64xf32>
    %get3A_16 = arith.constant 0 : index
    %get3A_17 = arith.constant 0 : index
    %get3A_18 = vector.load %arg4[%get3A_16, %get3A_17] : memref<64x32xf32, #tpu.memory_space<vmem>>, vector<64x32xf32>
    %dot_general3A = arith.constant dense<0.000000e+00> : vector<1024x32xf32>
    %dot_general3A_19 = tpu.matmul %max3A_15, %get3A_18, %dot_general3A {dimension_numbers = #tpu.dot_dimension_numbers<[1], [0], [0], [1], [0, 0, 1, 1], [], []>, transpose_lhs_hint = false} : vector<1024x64xf32>, vector<64x32xf32>, vector<1024x32xf32> -> vector<1024x32xf32>
    %mul3A_20 = vector.broadcast %get3A_5 : vector<1024x1xf32> to vector<1024x32xf32>
    %mul3A_21 = arith.mulf %mul3A_20, %dot_general3A_19 : vector<1024x32xf32>
    %swap3A = arith.constant 0 : index
    %swap3A_22 = arith.constant 0 : index
    %swap3A_23 = vector.load %arg5[%swap3A, %swap3A_22] : memref<1024x32xf32, #tpu.memory_space<vmem>>, vector<1024x32xf32>
    tpu.vector_store %arg5[%swap3A, %swap3A_22], %mul3A_21 {strides = array<i32>} : memref<1024x32xf32, #tpu.memory_space<vmem>>, vector<1024x32xf32>,
    return
  }
  func.func @transform_0(%arg0: i32) -> (i32, i32, i32) {
    %c0_i32 = arith.constant 0 : i32
    %c0_i32_0 = arith.constant 0 : i32
    %c0_i32_1 = arith.constant 0 : i32
    return %c0_i32, %arg0, %c0_i32_0 : i32, i32, i32
  }
  func.func @transform_1(%arg0: i32) -> (i32, i32) {
    %c0_i32 = arith.constant 0 : i32
    %c0_i32_0 = arith.constant 0 : i32
    return %arg0, %c0_i32 : i32, i32
  }
  func.func @transform_2(%arg0: i32) -> (i32, i32) {
    %c0_i32 = arith.constant 0 : i32
    %c0_i32_0 = arith.constant 0 : i32
    %c0_i32_1 = arith.constant 0 : i32
    return %c0_i32, %c0_i32_0 : i32, i32
  }
  func.func @transform_3(%arg0: i32) -> (i32, i32) {
    %c0_i32 = arith.constant 0 : i32
    %c0_i32_0 = arith.constant 0 : i32
    %c0_i32_1 = arith.constant 0 : i32
    return %c0_i32, %c0_i32_0 : i32, i32
  }
  func.func @transform_4(%arg0: i32) -> (i32, i32) {
    %c0_i32 = arith.constant 0 : i32
    %c0_i32_0 = arith.constant 0 : i32
    return %arg0, %c0_i32 : i32, i32
  }
}

module attributes {stable_mosaic.version = 14 : i64} {
  func.func @_tc_final_body(%arg0: memref<2x10240x32xf32, #tpu.memory_space<vmem>>, %arg1: memref<10240x1xf32, #tpu.memory_space<vmem>>, %arg2: memref<1x32xf32, #tpu.memory_space<vmem>>, %arg3: memref<10240x1xi32, #tpu.memory_space<vmem>>, %arg4: memref<32x10xf32, #tpu.memory_space<vmem>>, %arg5: memref<1x10xf32, #tpu.memory_space<vmem>>, %arg6: memref<64x10xf32, #tpu.memory_space<vmem>>) attributes {dimension_semantics = [], scalar_prefetch = 0 : i64, scratch_operands = 0 : i64, tpu.core_type = #tpu.core_type<tc>} {
    %get3A = arith.constant 0 : index
    %get3A_0 = arith.constant 0 : index
    %get3A_1 = arith.constant 0 : index
    %get3A_2 = vector.load %arg0[%get3A, %get3A_0, %get3A_1] : memref<2x10240x32xf32, #tpu.memory_space<vmem>>, vector<2x10240x32xf32>
    %get3A_3 = arith.constant 0 : index
    %get3A_4 = arith.constant 0 : index
    %get3A_5 = vector.load %arg1[%get3A_3, %get3A_4] : memref<10240x1xf32, #tpu.memory_space<vmem>>, vector<10240x1xf32>
    %slice3A = vector.extract_strided_slice %get3A_2 {offsets = [0, 0, 0], sizes = [1, 10240, 32], strides = [1, 1, 1]} : vector<2x10240x32xf32> to vector<1x10240x32xf32>
    %squeeze3A = vector.shape_cast %slice3A : vector<1x10240x32xf32> to vector<10240x32xf32>
    %slice3A_6 = vector.extract_strided_slice %get3A_2 {offsets = [1, 0, 0], sizes = [1, 10240, 32], strides = [1, 1, 1]} : vector<2x10240x32xf32> to vector<1x10240x32xf32>
    %squeeze3A_7 = vector.shape_cast %slice3A_6 : vector<1x10240x32xf32> to vector<10240x32xf32>
    %add3A = arith.addf %squeeze3A, %squeeze3A_7 : vector<10240x32xf32>
    %mul3A = vector.broadcast %get3A_5 : vector<10240x1xf32> to vector<10240x32xf32>
    %mul3A_8 = arith.mulf %mul3A, %add3A : vector<10240x32xf32>
    %get3A_9 = arith.constant 0 : index
    %get3A_10 = arith.constant 0 : index
    %get3A_11 = vector.load %arg2[%get3A_9, %get3A_10] : memref<1x32xf32, #tpu.memory_space<vmem>>, vector<1x32xf32>
    %add3A_12 = vector.broadcast %get3A_11 : vector<1x32xf32> to vector<10240x32xf32>
    %add3A_13 = arith.addf %mul3A_8, %add3A_12 : vector<10240x32xf32>
    %max3A = arith.constant 0.000000e+00 : f32
    %max3A_14 = vector.broadcast %max3A : f32 to vector<10240x32xf32>
    %max3A_15 = arith.maximumf %add3A_13, %max3A_14 : vector<10240x32xf32>
    %iota3A = tpu.iota {dimensions = array<i32: 1>} : vector<10240x64xi32>
    %get3A_16 = arith.constant 0 : index
    %get3A_17 = arith.constant 0 : index
    %get3A_18 = vector.load %arg3[%get3A_16, %get3A_17] : memref<10240x1xi32, #tpu.memory_space<vmem>>, vector<10240x1xi32>
    %eq3A = vector.broadcast %get3A_18 : vector<10240x1xi32> to vector<10240x64xi32>
    %eq3A_19 = arith.cmpi eq, %eq3A, %iota3A : vector<10240x64xi32>
    %convert_element_type3A = arith.extui %eq3A_19 : vector<10240x64xi1> to vector<10240x64xi32>
    %convert_element_type3A_20 = arith.sitofp %convert_element_type3A : vector<10240x64xi32> to vector<10240x64xf32>
    %dot_general3A = arith.constant dense<0.000000e+00> : vector<64x32xf32>
    %dot_general3A_21 = tpu.matmul %convert_element_type3A_20, %max3A_15, %dot_general3A {dimension_numbers = #tpu.dot_dimension_numbers<[0], [0], [1], [1], [0, 1, 1, 1], [], []>, transpose_lhs_hint = false} : vector<10240x64xf32>, vector<10240x32xf32>, vector<64x32xf32> -> vector<64x32xf32>
    %reduce_sum3A = arith.constant dense<0.000000e+00> : vector<64xf32>
    %reduce_sum3A_22 = vector.multi_reduction <add>, %convert_element_type3A_20, %reduce_sum3A [0] : vector<10240x64xf32> to vector<64xf32>
    %max3A_23 = arith.constant 1.000000e+00 : f32
    %max3A_24 = vector.broadcast %max3A_23 : f32 to vector<64xf32>
    %max3A_25 = arith.maximumf %reduce_sum3A_22, %max3A_24 : vector<64xf32>
    %broadcast_in_dim3A = vector.shape_cast %max3A_25 : vector<64xf32> to vector<64x1xf32>
    %div3A = vector.broadcast %broadcast_in_dim3A : vector<64x1xf32> to vector<64x32xf32>
    %div3A_26 = arith.divf %dot_general3A_21, %div3A : vector<64x32xf32>
    %get3A_27 = arith.constant 0 : index
    %get3A_28 = arith.constant 0 : index
    %get3A_29 = vector.load %arg4[%get3A_27, %get3A_28] : memref<32x10xf32, #tpu.memory_space<vmem>>, vector<32x10xf32>
    %dot_general3A_30 = arith.constant dense<0.000000e+00> : vector<64x10xf32>
    %dot_general3A_31 = tpu.matmul %div3A_26, %get3A_29, %dot_general3A_30 {dimension_numbers = #tpu.dot_dimension_numbers<[1], [0], [0], [1], [0, 0, 1, 1], [], []>, transpose_lhs_hint = false} : vector<64x32xf32>, vector<32x10xf32>, vector<64x10xf32> -> vector<64x10xf32>
    %get3A_32 = arith.constant 0 : index
    %get3A_33 = arith.constant 0 : index
    %get3A_34 = vector.load %arg5[%get3A_32, %get3A_33] : memref<1x10xf32, #tpu.memory_space<vmem>>, vector<1x10xf32>
    %add3A_35 = vector.broadcast %get3A_34 : vector<1x10xf32> to vector<64x10xf32>
    %add3A_36 = arith.addf %dot_general3A_31, %add3A_35 : vector<64x10xf32>
    %swap3A = arith.constant 0 : index
    %swap3A_37 = arith.constant 0 : index
    %swap3A_38 = vector.load %arg6[%swap3A, %swap3A_37] : memref<64x10xf32, #tpu.memory_space<vmem>>, vector<64x10xf32>
    tpu.vector_store %arg6[%swap3A, %swap3A_37], %add3A_36 {strides = array<i32>} : memref<64x10xf32, #tpu.memory_space<vmem>>, vector<64x10xf32>,
    return
  }
}

</mosaic_0001>

<sc_bundles>
// kernel: kernel.14.cloned.1.call-start
scs
__scs_entry_jumppad:
0x0: {  	(pc) =	sbr.rel $0x88, $3  }
0x1: {  	(tag) =	ssettag $0x0;
	lr =	simm.s32 $0x1  }
0x2: {  	[smem:$0x3F92] =	sst lr;
	_ =	strace $0xD0000000  }
0x3: {  	_ = 	snop  }
0x4: {  	_ = 	snop  }
0x5: {  	_ = 	snop  }
0x6: {  	_ = 	snop  }
0x7: {  	_ = 	snop  }
__scs_overlays_trampoline_lowered:
0x8: {  	[smem:$0x3FA1] =	sst s0  }
0x9: {  	[smem:$0x3FA2] =	sst s1  }
0xa: {  	[smem:$0x3FA3] =	sst s2  }
0xb: {  	[smem:$0x3FA4] =	sst s3  }
0xc: {  	[smem:$0x3FA5] =	sst s4  }
0xd: {  	[smem:$0x3FA6] =	sst s5  }
0xe: {  	[smem:$0x3FA7] =	sst s6  }
0xf: {  	[smem:$0x3FA8] =	sst s7  }
0x10: {  	[smem:$0x3FA9] =	sst s8  }
0x11: {  	[smem:$0x3FAA] =	sst s9;
	s0 =	simm.s32 @!p0 $0x0  }
0x12: {  	s1 =	sld [smem:$0x3F90];
	s0 =	simm.s32 @p0 $0x1  }
0x13: {  	[smem:$0x3FAB] =	sst s0;
	s0 =	simm.s32 @!p1 $0x0  }
0x14: {  	s2 =	sld [smem:$0x3F8F];
	s0 =	simm.s32 @p1 $0x1  }
0x15: {  	[smem:$0x3FAC] =	sst s0;
	s0 =	simm.s32 @!p2 $0x0  }
0x16: {  	s3 =	sld [smem:$0x3FDB];
	s0 =	simm.s32 @p2 $0x1  }
0x17: {  	s4 =	simm.s32 $0x1BF5;
	[smem:$0x3FAE] =	sst s0  }
0x18: {  	s0 =	sld [smem:$0x3F91];
	_ =	swait.ge [sflag:s4], $0x0  }
0x19: {  	s7 =	sld [smem:$0x3F92]  }
0x1a: {  	s8 =	sadd.s32 $0xFFFFE003, lr  }
0x1b: {  	s9 =	sadd.s32 $0xFFFFFEF7, lr;
	s5 =	simm.s32 $0xFFFFFFFF;
	p2 =	slt.u32 s8, $0xFFFFF086  }
0x1c: {  	p1 =	slt.u32 s9, $0xF7A;
	s5 =	simm.s32 @!p2 $0x0  }
0x1d: {  	s5 =	simm.s32 @p1 $0x1;
	p0 =	seq.s32 s7, s2  }
0x1e: {  	s7 =	smul.u32 @!p0 $0xF7A, s2;
	p2 =	seq.s32 @!p0 s5, $0x0  }
0x1f: {  	s9 =	smul.u32 $0xF7A, s1;
	s8 =	simm.s32 @!p0 $0x1BF5;
	p2 =	por !p2, p0  }
0x20: {  	[sflag:s8] =	ssyncset.s32 @!p0 $0xFFFFF086;
	s6 =	sadd.s32 @!p0 s3, s7;
	s7 =	simm.s32 @!p0 $0x108  }
0x21: {  	s3 =	sadd.s32 s3, s9;
	s6 =	sadd.s32 @!p0 $0x88, s6;
	s7 =	simm.s32 @p2 $0x1082  }
0x22: {  	[simem:s7], [sflag:s8] =	dma.local @!p0 [hbm:s6], $0xF7A  }
0x23: {  	s9 =	sor.u32 $0xD0000000, s2;
	s6 =	simm.s32 $0x108;
	_ =	swait.ge @!p0 [sflag:s8], $0x0  }
0x24: {  	s3 =	sadd.s32 $0x88, s3;
	s6 =	simm.s32 @!p1 $0x1082;
	[sflag:s4] =	ssyncset.s32 $0xFFFFF086  }
0x25: {  	[simem:s6], [sflag:s4] =	dma.local [hbm:s3], $0xF7A  }
0x26: {  	[smem:$0x3F92] =	sst s1;
	(tag) =	ssettag s2;
	_ =	strace s9  }
0x27: {  	s1 =	sld [smem:$0x3FA2]  }
0x28: {  	s2 =	sld [smem:$0x3FA3]  }
0x29: {  	s4 =	sld [smem:$0x3FA5]  }
0x2a: {  	p0 =	seq.s32 s5, $0x0;
	s5 =	sld [smem:$0x3FA6]  }
0x2b: {  	s6 =	sld [smem:$0x3FA7]  }
0x2c: {  	s7 =	sld [smem:$0x3FA8]  }
0x2d: {  	s3 =	simm.s32 $0x108;
	s8 =	sld [smem:$0x3FA9]  }
0x2e: {  	s3 =	simm.s32 @!p0 $0x1082;
	s9 =	sld [smem:$0x3FAA]  }
0x2f: {  	lr =	sadd.s32 s0, s3;
	s0 =	sld [smem:$0x3FA1]  }
0x30: {  	s3 =	sld [smem:$0x3FA4]  }
0x31: {  	[smem:$0x3FAD] =	sst s10  }
0x32: {  	s10 =	sld [smem:$0x3FAB];
	_ =	sdelay $0x3  }
0x33: {  	p0 =	seq.s32 s10, $0x1;
	s10 =	sld [smem:$0x3FAD];
	_ =	sdelay $0x3  }
0x34: {  	[smem:$0x3FAD] =	sst s10  }
0x35: {  	s10 =	sld [smem:$0x3FAC];
	_ =	sdelay $0x3  }
0x36: {  	p1 =	seq.s32 s10, $0x1;
	s10 =	sld [smem:$0x3FAD];
	_ =	sdelay $0x3  }
0x37: {  	[smem:$0x3FAD] =	sst s10  }
0x38: {  	s10 =	sld [smem:$0x3FAE]  }
0x39: {  	_ = 	snop;
	(pc) =	sbr.ind lr, $3  }
0x3a: {  	_ = 	snop  }
0x3b: {  	_ = 	snop  }
0x3c: {  	p2 =	seq.s32 s10, $0x1;
	s10 =	sld [smem:$0x3FAD]  }
0x3d: {  	_ =	shalt  }
0x3e: {  	_ =	shalt  }
0x3f: {  	_ =	shalt  }
0x40: {  	_ =	shalt  }
0x41: {  	_ =	shalt  }
0x42: {  	_ =	shalt  }
0x43: {  	_ =	shalt  }
0x44: {  	_ =	shalt  }
0x45: {  	_ =	shalt  }
0x46: {  	_ =	shalt  }
0x47: {  	_ =	shalt  }
0x48: {  	_ =	shalt  }
0x49: {  	_ =	shalt  }
0x4a: {  	_ =	shalt  }
0x4b: {  	_ =	shalt  }
0x4c: {  	_ =	shalt  }
0x4d: {  	_ =	shalt  }
0x4e: {  	_ =	shalt  }
0x4f: {  	_ =	shalt  }
0x50: {  	_ =	shalt  }
0x51: {  	_ =	shalt  }
0x52: {  	_ =	shalt  }
0x53: {  	_ =	shalt  }
0x54: {  	_ =	shalt  }
0x55: {  	_ =	shalt  }
0x56: {  	_ =	shalt  }
0x57: {  	_ =	shalt  }
0x58: {  	_ =	shalt  }
0x59: {  	_ =	shalt  }
0x5a: {  	_ =	shalt  }
0x5b: {  	_ =	shalt  }
0x5c: {  	_ =	shalt  }
0x5d: {  	_ =	shalt  }
0x5e: {  	_ =	shalt  }
0x5f: {  	_ =	shalt  }
0x60: {  	_ =	shalt  }
0x61: {  	_ =	shalt  }
0x62: {  	_ =	shalt  }
0x63: {  	_ =	shalt  }
0x64: {  	_ =	shalt  }
0x65: {  	_ =	shalt  }
0x66: {  	_ =	shalt  }
0x67: {  	_ =	shalt  }
0x68: {  	_ =	shalt  }
0x69: {  	_ =	shalt  }
0x6a: {  	_ =	shalt  }
0x6b: {  	_ =	shalt  }
0x6c: {  	_ =	shalt  }
0x6d: {  	_ =	shalt  }
0x6e: {  	_ =	shalt  }
0x6f: {  	_ =	shalt  }
0x70: {  	_ =	shalt  }
0x71: {  	_ =	shalt  }
0x72: {  	_ =	shalt  }
0x73: {  	_ =	shalt  }
0x74: {  	_ =	shalt  }
0x75: {  	_ =	shalt  }
0x76: {  	_ =	shalt  }
0x77: {  	_ =	shalt  }
0x78: {  	_ =	shalt  }
0x79: {  	_ =	shalt  }
0x7a: {  	_ =	shalt  }
0x7b: {  	_ =	shalt  }
0x7c: {  	_ =	shalt  }
0x7d: {  	_ =	shalt  }
0x7e: {  	_ =	shalt  }
0x7f: {  	_ =	shalt  }
0x80: {  	_ =	shalt  }
0x81: {  	_ =	shalt  }
0x82: {  	_ =	shalt  }
0x83: {  	_ =	shalt  }
0x84: {  	_ =	shalt  }
0x85: {  	_ =	shalt  }
0x86: {  	_ =	shalt  }
0x87: {  	_ =	shalt  }
.Lfunc_end0:
.L_simem_size_0:
called_computation_lowered:
.L_overlay_start_0:
0x88: {  	s2 =	sld [smem:$0x3FD9]  }
0x89: {  	s3 =	sld [smem:$0x3FFE];
	_ =	sdelay $0x1  }
0x8a: {  	s1 =	srdreg.scid  }
0x8b: {  	s0 =	sand.u32 $0x1, s1  }
0x8c: {  	s16 =	sshll.u32 s0, $0xA;
	s2 =	sadd.s32 s3, s2  }
0x8d: {  	s2 =	sadd.s32 s2, s16  }
0x8e: {  	[smem:$0x3FB9] =	sst s2  }
0x8f: {  	_ = 	snop  }
0x90: {  	(tm) =	ssettm $0x1  }
0x91: {  	s17 =	sld [smem:$0x3FFB];
	_ =	sdelay $0x3  }
0x92: {  	_ =	strace s17  }
0x93: {  	s2 =	sld [smem:$0x3FFC];
	_ =	sdelay $0x3  }
0x94: {  	_ =	strace s2  }
0x95: {  	s2 =	sld [smem:$0x3FFD];
	_ =	sdelay $0x3  }
0x96: {  	_ =	strace s2  }
0x97: {  	_ =	strace $0x8FFFFFFF  }
0x98: {  	s18 =	sld [smem:$0x3FDB];
	_ =	sdelay $0x1  }
0x99: {  	s19 =	simm.s32 $_scs_section_size  }
0x9a: {  	s4 =	simm.s32 $_size__tile_overlayer_lowered;
	s5 =	simm.s32 $_tile_overlayer_lowered  }
0x9b: {  	s22 =	simm.s32 $0x1BFF;
	s21 =	sshll.u32 s5, $0x1;
	s2 =	sadd.s32 s19, s18  }
0x9c: {  	s6 =	simm.s32 $0x0;
	s20 =	sshll.u32 s4, $0x1;
	s4 =	sadd.s32 s21, s2  }
0x9d: {  	[timem:s6], [sflag:s22] =	dma.local [hbm:s4], s20  }
0x9e: {  	_ =	swait.ge [sflag:s22], s20  }
0x9f: {  	s3 =	ssub.s32 $0x0, s20;
	[sflag:s22] =	ssyncset.done $0x0  }
0xa0: {  	[sflag:s22] =	ssyncadd.s32 s3;
	_ =	sdelay $0x1  }
0xa1: {  	s23 =	simm.s32 $0x1B8B  }
0xa2: {  	_ =	swait.ge [sflag:s23], $0x1  }
0xa3: {  	[sflag:s23] =	ssyncset.done $0x0  }
0xa4: {  	s25 =	simm.s32 $0x1B8E;
	s24 =	sld [smem:$0x3FFE];
	[sflag:s23] =	ssyncadd.s32 $0xFFFFFFFF  }
0xa5: {  	s26 =	simm.s32 $execute0_lowered;
	[smem:$0x3FD2] =	sst s25  }
0xa6: {  	s4 =	sshll.u32 s26, $0x1;
	_ =	strace $0x80000046;
	[dreg:$0x1] =	wrdreg $0xFFFFFFFF  }
0xa7: {  	s28 =	simm.s32 $_size_execute0_lowered;
	s2 =	sadd.s32 s2, s4;
	[dreg:$0x0] =	wrdreg $0x0  }
0xa8: {  	s4 =	sshll.u32 s28, $0x1;
	[dreg:$0x2] =	wrdreg s2  }
0xa9: {  	[dreg:$0x3] =	wrdreg s4  }
0xaa: {  	[dreg:$0x4] =	wrdreg $0xC0  }
0xab: {  	_ =	task [dreg:s6], $0x5FFFF  }
0xac: {  	[dreg:$0x1] =	wrdreg $0xFFFFFFFF  }
0xad: {  	[dreg:$0x0] =	wrdreg $0x60  }
0xae: {  	[dreg:$0x2] =	wrdreg s24  }
0xaf: {  	[dreg:$0x3] =	wrdreg $0x9  }
0xb0: {  	_ =	task.clear_ibuf [dreg:s6], $0x4FFFF;
	_ =	strace $0x90000046  }
0xb1: {  	s29 =	simm.s32 $0x9;
	_ =	strace $0x80000048  }
0xb2: {  	_ =	swait.ge [sflag:s29], $0x1  }
0xb3: {  	[sflag:s29] =	ssyncadd.s32 $0xFFFFFFFF  }
0xb4: {  	_ =	strace $0x90000048  }
0xb5: {  	_ =	sfence  }
0xb6: {  	s30 =	sld [smem:$0x0];
	_ =	sdelay $0x2  }
0xb7: {  	s31 =	sshll.u32 s1, $0xD;
	s1 =	sshrl.u32 s1, $0x2  }
0xb8: {  	s3 =	sand.u32 $0x4000, s31;
	s1 =	sadd.s32 s1, s30  }
0xb9: {  	s0 =	sor.u32 s3, s0;
	s1 =	sshll.u32 s1, $0x11  }
0xba: {  	s0 =	sor.u32 s1, s0  }
0xbb: {  	s0 =	sadd.s32 $0x8F2B, s0  }
0xbc: {  	[sflag:s0] =	ssyncadd.remote.s32 $0x1  }
0xbd: {  	_ =	sfence.sel $0xFFFF  }
0xbe: {  	[dreg:$0x0] =	wrdreg $0xFFFFFFFF;
	(pc) =	sbr.abs _section_cstart, $3  }
0xbf: {  	[dreg:$0x1] =	wrdreg $0xFFFFFFFF  }
0xc0: {  	_ =	task.clear_ibuf [dreg:s6], $0x2FFFF;
	_ =	strace $0x9FFFFFFF  }
0xc1: {  	(tm) =	ssettm $0x7FFFFFFF  }
tec
execute0_lowered:
.L_overlay_start_1:
0x0: {  	(tag) =	ssettag $0x1  }
0x1: {  	s0 =	srdreg.scid  }
0x2: {  	s4 =	rddreg [dreg:$0x0];
	s3 =	sand.u32 $0x1, s0  }
0x3: {  	s1 =	stileid.u32;
	s7 =	simm.s32 $0x2800;
	s2 =	sshll.u32 s3, $0x4  }
0x4: {  	s0 =	rddreg [dreg:$0x1];
	s3 =	ssub.s32 $0x2, s3;
	s5 =	sor.u32 s1, s2  }
0x5: {  	s2 =	simm.s32 $0x0;
	s6 =	sshrl.u32 s3, $0x1;
	s5 =	smul.u32 $0x500, s5  }
0x6: {  	s8 =	simm.s32 $0x0;
	[smem:$0x7FF] =	sst s2;
	s31 =	ssub.s32 s3, s6  }
0x7: {  	s6 =	simm.s32 $0x1;
	_ =	strace $0x80000047;
	s4 =	sadd.s32 s5, s4  }
0x8: {  	v0 =	vimm.f32 $0.0e+00;
	v1 =	vimm.f32 $1.000000000e+00;
	s5 =	smax.u32 s31, $0x1;
	s3 =	sadd.s32 $0x3400, s4;
	s4 =	sadd.s32 $0xD400, s4  }
.LBB2_1:
0x9: {  	[tilespmem:s2], [sflag:$0x1] =	stream.linear.gather [hbm4b:s3+s2], $0x2800, $0x38;
	[tilespmem:$0x5000] =	vst v63  }
0xa: {  	_ =	swait.ge [sflag:s6], $0x2800  }
0xb: {  	[sflag:s6] =	ssyncset.done $0x0  }
0xc: {  	s9 =	simm.s32 $0x0;
	[sflag:s6] =	ssyncadd.s32 $0xFFFFD800  }
.LBB2_2:
0xd: {  	p0 =	sne.s32 s9, $0x9FC0  }
.Ltmp0:
0xe: {  	_ = 	snop;
	(pc) =	sbr.rel @p0 .LBB2_2-.Ltmp0, $3  }
0xf: {  	_ =	sdelay $0x1  }
0x10: {  	s10 =	sshra.s32 s9, $0x2  }
0x11: {  	s9 =	sadd.s32 $0x40, s9;
	[tilespmem:s10+$0x2800] =	vst v0  }
0x12: {  	s10 =	simm.s32 $0x0;
	s9 =	simm.s32 $0x40  }
.LBB2_4:
0x13: {  	p0 =	sne.s32 s9, $0x9FC0;
	v2 =	vld [tilespmem:s10+$0x0];
	_ =	sdelay $0x3  }
.Ltmp1:
0x14: {  	(pc) =	sbr.rel @p0 .LBB2_4-.Ltmp1, $2  }
0x15: {  	_ =	sdelay $0x2  }
0x16: {  	s10 =	sshra.s32 s9, $0x2;
	s9 =	sadd.s32 $0x40, s9;
	[tilespmem:v2+s7+$0x0] =	vst.idx.add.f32.msk $0xffff, v1  }
0x17: {  	v2 =	vld [tilespmem:s10+$0x0];
	_ =	sdelay $0x5  }
0x18: {  	s8 =	sadd.s32 $0x1, s8  }
0x19: {  	p0 =	sne.s32 s8, s5  }
.Ltmp2:
0x1a: {  	[tilespmem:v2+s7+$0x0] =	vst.idx.add.f32.msk $0xffff, v1;
	(pc) =	sbr.rel @p0 .LBB2_1-.Ltmp2, $4  }
0x1b: {  	[hbm4b:s4+s2] =	stream.linear.scatter [tilespmem:s7], [sflag:$0x1], $0x2800, $0x38;
	[tilespmem:$0x5000] =	vst v63  }
0x1c: {  	_ =	swait.ge [sflag:s6], $0x2800  }
0x1d: {  	[sflag:s6] =	ssyncset.done $0x0  }
0x1e: {  	[sflag:s6] =	ssyncadd.s32 $0xFFFFD800  }
0x1f: {  	_ =	sfence.sel $0x180000  }
0x20: {  	[bflag:$0x0] =	sbarrier.arrive $0xFFFF  }
0x21: {  	p0 =	sne.s32 s1, $0x0;
	_ =	strace $0x90000047  }
0x22: {  	s0 =	sadd.s32 @!p0 $0x100000, s0;
	[bflag:$0x2] =	sbarrier.arrive $0xFFFF  }
0x23: {  	[sflag:s0] =	ssyncadd.tile.s32 @!p0 $0x1;
	_ =	shalt  }
.Lfunc_end2:
_tile_overlayer_lowered:
.L_overlay_start_2:
0x24: {  	(tag) =	ssettag $0x2  }
0x25: {  	s0 =	rddreg [dreg:$0x0];
	s2 =	stileid.u32  }
0x26: {  	s1 =	rddreg [dreg:$0x1];
	p0 =	sne.s32 s2, $0x0  }
0x27: {  	s3 =	rddreg [dreg:$0x2];
	[bflag:$0x3] =	sbarrier.arrive $0xFFFF;
	s2 =	simm.s32 @!p0 $0x1C01  }
0x28: {  	[timem:s3], [sflag:s2] =	dma.local @!p0 [hbm:s0], s1  }
0x29: {  	s0 =	simm.s32 @!p0 $0x1  }
0x2a: {  	_ =	swait.ge @!p0 [sflag:s0], s1  }
0x2b: {  	s1 =	ssub.s32 @!p0 $0x0, s1;
	[sflag:s0] =	ssyncset.done @!p0 $0x0  }
0x2c: {  	[sflag:s0] =	ssyncadd.s32 @!p0 s1  }
0x2d: {  	[bflag:$0x3] =	sbarrier.arrive $0xFFFF  }
0x2e: {  	_ =	shalt  }

// kernel: kernel.17.cloned.1.call-start
scs
__scs_entry_jumppad:
0x0: {  	(pc) =	sbr.rel $0x88, $3  }
0x1: {  	(tag) =	ssettag $0x0;
	lr =	simm.s32 $0x1  }
0x2: {  	[smem:$0x3F92] =	sst lr;
	_ =	strace $0xD0000000  }
0x3: {  	_ = 	snop  }
0x4: {  	_ = 	snop  }
0x5: {  	_ = 	snop  }
0x6: {  	_ = 	snop  }
0x7: {  	_ = 	snop  }
__scs_overlays_trampoline_lowered:
0x8: {  	[smem:$0x3FA1] =	sst s0  }
0x9: {  	[smem:$0x3FA2] =	sst s1  }
0xa: {  	[smem:$0x3FA3] =	sst s2  }
0xb: {  	[smem:$0x3FA4] =	sst s3  }
0xc: {  	[smem:$0x3FA5] =	sst s4  }
0xd: {  	[smem:$0x3FA6] =	sst s5  }
0xe: {  	[smem:$0x3FA7] =	sst s6  }
0xf: {  	[smem:$0x3FA8] =	sst s7  }
0x10: {  	[smem:$0x3FA9] =	sst s8  }
0x11: {  	[smem:$0x3FAA] =	sst s9;
	s0 =	simm.s32 @!p0 $0x0  }
0x12: {  	s1 =	sld [smem:$0x3F90];
	s0 =	simm.s32 @p0 $0x1  }
0x13: {  	[smem:$0x3FAB] =	sst s0;
	s0 =	simm.s32 @!p1 $0x0  }
0x14: {  	s2 =	sld [smem:$0x3F8F];
	s0 =	simm.s32 @p1 $0x1  }
0x15: {  	[smem:$0x3FAC] =	sst s0;
	s0 =	simm.s32 @!p2 $0x0  }
0x16: {  	s3 =	sld [smem:$0x3FDB];
	s0 =	simm.s32 @p2 $0x1  }
0x17: {  	s4 =	simm.s32 $0x1BF5;
	[smem:$0x3FAE] =	sst s0  }
0x18: {  	s0 =	sld [smem:$0x3F91];
	_ =	swait.ge [sflag:s4], $0x0  }
0x19: {  	s7 =	sld [smem:$0x3F92]  }
0x1a: {  	s8 =	sadd.s32 $0xFFFFE003, lr  }
0x1b: {  	s9 =	sadd.s32 $0xFFFFFEF7, lr;
	s5 =	simm.s32 $0xFFFFFFFF;
	p2 =	slt.u32 s8, $0xFFFFF086  }
0x1c: {  	p1 =	slt.u32 s9, $0xF7A;
	s5 =	simm.s32 @!p2 $0x0  }
0x1d: {  	s5 =	simm.s32 @p1 $0x1;
	p0 =	seq.s32 s7, s2  }
0x1e: {  	s7 =	smul.u32 @!p0 $0xF7A, s2;
	p2 =	seq.s32 @!p0 s5, $0x0  }
0x1f: {  	s9 =	smul.u32 $0xF7A, s1;
	s8 =	simm.s32 @!p0 $0x1BF5;
	p2 =	por !p2, p0  }
0x20: {  	[sflag:s8] =	ssyncset.s32 @!p0 $0xFFFFF086;
	s6 =	sadd.s32 @!p0 s3, s7;
	s7 =	simm.s32 @!p0 $0x108  }
0x21: {  	s3 =	sadd.s32 s3, s9;
	s6 =	sadd.s32 @!p0 $0x88, s6;
	s7 =	simm.s32 @p2 $0x1082  }
0x22: {  	[simem:s7], [sflag:s8] =	dma.local @!p0 [hbm:s6], $0xF7A  }
0x23: {  	s9 =	sor.u32 $0xD0000000, s2;
	s6 =	simm.s32 $0x108;
	_ =	swait.ge @!p0 [sflag:s8], $0x0  }
0x24: {  	s3 =	sadd.s32 $0x88, s3;
	s6 =	simm.s32 @!p1 $0x1082;
	[sflag:s4] =	ssyncset.s32 $0xFFFFF086  }
0x25: {  	[simem:s6], [sflag:s4] =	dma.local [hbm:s3], $0xF7A  }
0x26: {  	[smem:$0x3F92] =	sst s1;
	(tag) =	ssettag s2;
	_ =	strace s9  }
0x27: {  	s1 =	sld [smem:$0x3FA2]  }
0x28: {  	s2 =	sld [smem:$0x3FA3]  }
0x29: {  	s4 =	sld [smem:$0x3FA5]  }
0x2a: {  	p0 =	seq.s32 s5, $0x0;
	s5 =	sld [smem:$0x3FA6]  }
0x2b: {  	s6 =	sld [smem:$0x3FA7]  }
0x2c: {  	s7 =	sld [smem:$0x3FA8]  }
0x2d: {  	s3 =	simm.s32 $0x108;
	s8 =	sld [smem:$0x3FA9]  }
0x2e: {  	s3 =	simm.s32 @!p0 $0x1082;
	s9 =	sld [smem:$0x3FAA]  }
0x2f: {  	lr =	sadd.s32 s0, s3;
	s0 =	sld [smem:$0x3FA1]  }
0x30: {  	s3 =	sld [smem:$0x3FA4]  }
0x31: {  	[smem:$0x3FAD] =	sst s10  }
0x32: {  	s10 =	sld [smem:$0x3FAB];
	_ =	sdelay $0x3  }
0x33: {  	p0 =	seq.s32 s10, $0x1;
	s10 =	sld [smem:$0x3FAD];
	_ =	sdelay $0x3  }
0x34: {  	[smem:$0x3FAD] =	sst s10  }
0x35: {  	s10 =	sld [smem:$0x3FAC];
	_ =	sdelay $0x3  }
0x36: {  	p1 =	seq.s32 s10, $0x1;
	s10 =	sld [smem:$0x3FAD];
	_ =	sdelay $0x3  }
0x37: {  	[smem:$0x3FAD] =	sst s10  }
0x38: {  	s10 =	sld [smem:$0x3FAE]  }
0x39: {  	_ = 	snop;
	(pc) =	sbr.ind lr, $3  }
0x3a: {  	_ = 	snop  }
0x3b: {  	_ = 	snop  }
0x3c: {  	p2 =	seq.s32 s10, $0x1;
	s10 =	sld [smem:$0x3FAD]  }
0x3d: {  	_ =	shalt  }
0x3e: {  	_ =	shalt  }
0x3f: {  	_ =	shalt  }
0x40: {  	_ =	shalt  }
0x41: {  	_ =	shalt  }
0x42: {  	_ =	shalt  }
0x43: {  	_ =	shalt  }
0x44: {  	_ =	shalt  }
0x45: {  	_ =	shalt  }
0x46: {  	_ =	shalt  }
0x47: {  	_ =	shalt  }
0x48: {  	_ =	shalt  }
0x49: {  	_ =	shalt  }
0x4a: {  	_ =	shalt  }
0x4b: {  	_ =	shalt  }
0x4c: {  	_ =	shalt  }
0x4d: {  	_ =	shalt  }
0x4e: {  	_ =	shalt  }
0x4f: {  	_ =	shalt  }
0x50: {  	_ =	shalt  }
0x51: {  	_ =	shalt  }
0x52: {  	_ =	shalt  }
0x53: {  	_ =	shalt  }
0x54: {  	_ =	shalt  }
0x55: {  	_ =	shalt  }
0x56: {  	_ =	shalt  }
0x57: {  	_ =	shalt  }
0x58: {  	_ =	shalt  }
0x59: {  	_ =	shalt  }
0x5a: {  	_ =	shalt  }
0x5b: {  	_ =	shalt  }
0x5c: {  	_ =	shalt  }
0x5d: {  	_ =	shalt  }
0x5e: {  	_ =	shalt  }
0x5f: {  	_ =	shalt  }
0x60: {  	_ =	shalt  }
0x61: {  	_ =	shalt  }
0x62: {  	_ =	shalt  }
0x63: {  	_ =	shalt  }
0x64: {  	_ =	shalt  }
0x65: {  	_ =	shalt  }
0x66: {  	_ =	shalt  }
0x67: {  	_ =	shalt  }
0x68: {  	_ =	shalt  }
0x69: {  	_ =	shalt  }
0x6a: {  	_ =	shalt  }
0x6b: {  	_ =	shalt  }
0x6c: {  	_ =	shalt  }
0x6d: {  	_ =	shalt  }
0x6e: {  	_ =	shalt  }
0x6f: {  	_ =	shalt  }
0x70: {  	_ =	shalt  }
0x71: {  	_ =	shalt  }
0x72: {  	_ =	shalt  }
0x73: {  	_ =	shalt  }
0x74: {  	_ =	shalt  }
0x75: {  	_ =	shalt  }
0x76: {  	_ =	shalt  }
0x77: {  	_ =	shalt  }
0x78: {  	_ =	shalt  }
0x79: {  	_ =	shalt  }
0x7a: {  	_ =	shalt  }
0x7b: {  	_ =	shalt  }
0x7c: {  	_ =	shalt  }
0x7d: {  	_ =	shalt  }
0x7e: {  	_ =	shalt  }
0x7f: {  	_ =	shalt  }
0x80: {  	_ =	shalt  }
0x81: {  	_ =	shalt  }
0x82: {  	_ =	shalt  }
0x83: {  	_ =	shalt  }
0x84: {  	_ =	shalt  }
0x85: {  	_ =	shalt  }
0x86: {  	_ =	shalt  }
0x87: {  	_ =	shalt  }
.Lfunc_end0:
.L_simem_size_0:
called_computation.1_lowered:
.L_overlay_start_0:
0x88: {  	s2 =	sld [smem:$0x3FD9]  }
0x89: {  	s3 =	sld [smem:$0x3FFE];
	_ =	sdelay $0x1  }
0x8a: {  	s1 =	srdreg.scid  }
0x8b: {  	s0 =	sand.u32 $0x1, s1  }
0x8c: {  	s16 =	sshll.u32 s0, $0xA;
	s2 =	sadd.s32 s3, s2  }
0x8d: {  	s2 =	sadd.s32 s2, s16  }
0x8e: {  	[smem:$0x3FB9] =	sst s2  }
0x8f: {  	_ = 	snop  }
0x90: {  	(tm) =	ssettm $0x1  }
0x91: {  	s17 =	sld [smem:$0x3FFB];
	_ =	sdelay $0x3  }
0x92: {  	_ =	strace s17  }
0x93: {  	s2 =	sld [smem:$0x3FFC];
	_ =	sdelay $0x3  }
0x94: {  	_ =	strace s2  }
0x95: {  	s2 =	sld [smem:$0x3FFD];
	_ =	sdelay $0x3  }
0x96: {  	_ =	strace s2  }
0x97: {  	_ =	strace $0x8FFFFFFF  }
0x98: {  	s18 =	sld [smem:$0x3FDB];
	_ =	sdelay $0x1  }
0x99: {  	s19 =	simm.s32 $_scs_section_size  }
0x9a: {  	s4 =	simm.s32 $_size__tile_overlayer_lowered;
	s5 =	simm.s32 $_tile_overlayer_lowered  }
0x9b: {  	s22 =	simm.s32 $0x1BFF;
	s21 =	sshll.u32 s5, $0x1;
	s2 =	sadd.s32 s19, s18  }
0x9c: {  	s6 =	simm.s32 $0x0;
	s20 =	sshll.u32 s4, $0x1;
	s4 =	sadd.s32 s21, s2  }
0x9d: {  	[timem:s6], [sflag:s22] =	dma.local [hbm:s4], s20  }
0x9e: {  	_ =	swait.ge [sflag:s22], s20  }
0x9f: {  	s3 =	ssub.s32 $0x0, s20;
	[sflag:s22] =	ssyncset.done $0x0  }
0xa0: {  	[sflag:s22] =	ssyncadd.s32 s3;
	_ =	sdelay $0x1  }
0xa1: {  	s23 =	simm.s32 $0x1B8B  }
0xa2: {  	_ =	swait.ge [sflag:s23], $0x1  }
0xa3: {  	[sflag:s23] =	ssyncset.done $0x0  }
0xa4: {  	s25 =	simm.s32 $0x1B8E;
	s24 =	sld [smem:$0x3FFE];
	[sflag:s23] =	ssyncadd.s32 $0xFFFFFFFF  }
0xa5: {  	s26 =	simm.s32 $execute0_lowered;
	[smem:$0x3FD2] =	sst s25  }
0xa6: {  	s4 =	sshll.u32 s26, $0x1;
	_ =	strace $0x80000049;
	[dreg:$0x1] =	wrdreg $0xFFFFFFFF  }
0xa7: {  	s28 =	simm.s32 $_size_execute0_lowered;
	s2 =	sadd.s32 s2, s4;
	[dreg:$0x0] =	wrdreg $0x0  }
0xa8: {  	s4 =	sshll.u32 s28, $0x1;
	[dreg:$0x2] =	wrdreg s2  }
0xa9: {  	[dreg:$0x3] =	wrdreg s4  }
0xaa: {  	[dreg:$0x4] =	wrdreg $0xC0  }
0xab: {  	_ =	task [dreg:s6], $0x5FFFF  }
0xac: {  	[dreg:$0x1] =	wrdreg $0xFFFFFFFF  }
0xad: {  	[dreg:$0x0] =	wrdreg $0x60  }
0xae: {  	[dreg:$0x2] =	wrdreg s24  }
0xaf: {  	[dreg:$0x3] =	wrdreg $0xE0000  }
0xb0: {  	[dreg:$0x4] =	wrdreg $0x9  }
0xb1: {  	_ =	task.clear_ibuf [dreg:s6], $0x5FFFF;
	_ =	strace $0x90000049  }
0xb2: {  	s29 =	simm.s32 $0x9;
	_ =	strace $0x8000004B  }
0xb3: {  	_ =	swait.ge [sflag:s29], $0x1  }
0xb4: {  	[sflag:s29] =	ssyncadd.s32 $0xFFFFFFFF  }
0xb5: {  	_ =	strace $0x9000004B  }
0xb6: {  	_ =	sfence  }
0xb7: {  	s30 =	sld [smem:$0x0];
	_ =	sdelay $0x2  }
0xb8: {  	s31 =	sshll.u32 s1, $0xD;
	s1 =	sshrl.u32 s1, $0x2  }
0xb9: {  	s3 =	sand.u32 $0x4000, s31;
	s1 =	sadd.s32 s1, s30  }
0xba: {  	s0 =	sor.u32 s3, s0;
	s1 =	sshll.u32 s1, $0x11  }
0xbb: {  	s0 =	sor.u32 s1, s0  }
0xbc: {  	s0 =	sadd.s32 $0x8F2B, s0  }
0xbd: {  	[sflag:s0] =	ssyncadd.remote.s32 $0x1  }
0xbe: {  	_ =	sfence.sel $0xFFFF  }
0xbf: {  	[dreg:$0x0] =	wrdreg $0xFFFFFFFF;
	(pc) =	sbr.abs _section_cstart, $3  }
0xc0: {  	[dreg:$0x1] =	wrdreg $0xFFFFFFFF  }
0xc1: {  	_ =	task.clear_ibuf [dreg:s6], $0x2FFFF;
	_ =	strace $0x9FFFFFFF  }
0xc2: {  	(tm) =	ssettm $0x7FFFFFFF  }
0xc3: {  	_ =	shalt  }
tec
execute0_lowered:
.L_overlay_start_1:
0x0: {  	(tag) =	ssettag $0x1  }
0x1: {  	s4 =	rddreg [dreg:$0x0]  }
0x2: {  	s2 =	rddreg [dreg:$0x1]  }
0x3: {  	s0 =	rddreg [dreg:$0x2]  }
0x4: {  	s1 =	stileid.u32;
	s6 =	srdreg.scid;
	s3 =	simm.s32 $0x0  }
0x5: {  	s14 =	simm.s32 $0x80;
	s15 =	simm.s32 $0xA000;
	s16 =	simm.s32 $0xC000  }
0x6: {  	s17 =	simm.s32 $0x1;
	s18 =	simm.s32 $0x2;
	s19 =	simm.s32 $0x4F80  }
0x7: {  	s20 =	simm.s32 $0x9F00;
	s21 =	simm.s32 $0x9F80;
	s5 =	smul.u32 $0xA00, s1  }
0x8: {  	s22 =	simm.s32 $0x0;
	s6 =	sand.u32 $0x1, s6;
	s7 =	smul.u32 $0xA000, s1  }
0x9: {  	[smem:$0x7FF] =	sst s3;
	s10 =	sadd.s32 $0x21400, s4;
	s31 =	sshll.u32 s1, $0x6  }
0xa: {  	s8 =	smul.u32 $0xA0000, s6;
	_ =	strace $0x8000004A;
	s6 =	ssub.s32 $0x2, s6  }
0xb: {  	s9 =	sadd.s32 s5, s4;
	s11 =	sshrl.u32 s6, $0x1;
	s13 =	sadd.s32 s7, s2  }
0xc: {  	s30 =	sadd.s32 s7, s8;
	s11 =	ssub.s32 s6, s11;
	s6 =	sadd.s32 $0x17400, s9  }
0xd: {  	s7 =	sadd.s32 $0x3400, s9;
	s8 =	sshrl.u32 s8, $0x3;
	s5 =	sshrl.u32 s30, $0x3  }
0xe: {  	s8 =	sadd.s32 s10, s8;
	s12 =	sadd.s32 s5, s4;
	s4 =	sadd.s32 s10, s5  }
0xf: {  	s5 =	sor.u32 $0x1C03, s31;
	s10 =	smax.u32 s11, $0x1;
	s11 =	sshrl.u32 s13, $0x3  }
0x10: {  	s13 =	simm.s32 $0x5000;
	s9 =	sadd.s32 $0x49400, s12;
	s12 =	simm.s32 $0x3  }
.LBB2_1:
0x11: {  	[spmem:s11], [sflag:s5] =	dma.local [hbm:s4], $0x1400  }
0x12: {  	_ =	swait.ge [sflag:s12], $0x1400  }
0x13: {  	[sflag:s12] =	ssyncset.done $0x0  }
0x14: {  	[sflag:s12] =	ssyncadd.s32 $0xFFFFEC00  }
0x15: {  	[tilespmem:s3], [sflag:$0x3] =	stream.linear.gather [hbm4b:s6+s3], $0x5000, $0x38;
	[tilespmem:$0x18000] =	vst v63  }
0x16: {  	_ =	swait.ge [sflag:s12], $0x5000  }
0x17: {  	[sflag:s12] =	ssyncset.done $0x0  }
0x18: {  	[sflag:s12] =	ssyncadd.s32 $0xFFFFB000  }
0x19: {  	[tilespmem:s13], [sflag:$0x3] =	stream.linear.gather [hbm4b:s7+s3], $0x5000, $0x38;
	[tilespmem:$0x18000] =	vst v63  }
0x1a: {  	_ =	swait.ge [sflag:s12], $0x5000  }
0x1b: {  	[sflag:s12] =	ssyncset.done $0x0  }
0x1c: {  	[sflag:s12] =	ssyncadd.s32 $0xFFFFB000  }
0x1d: {  	[bflag:$0x0] =	sbarrier.arrive $0xFFFF  }
0x1e: {  	[tilespmem:s15], [sflag:$0x1] =	stream.indirect.gather [hbm4b:s8+s14], $0x40, s3, s14, $0xb8;
	[tilespmem:$0x18000] =	vst v63  }
0x1f: {  	s23 =	simm.s32 $0x80  }
0x20: {  	[tilespmem:s16], [sflag:$0x2] =	stream.indirect.gather [hbm4b:s8+s14], $0x40, s23, s14, $0xb8;
	[tilespmem:$0x18000] =	vst v63  }
0x21: {  	_ =	swait.ge [sflag:s17], $0x2000  }
0x22: {  	[sflag:s17] =	ssyncset.done $0x0  }
0x23: {  	s29 =	simm.s32 $0x5000;
	[sflag:s17] =	ssyncadd.s32 $0xFFFFE000  }
0x24: {  	[spmem:s2] =	stream.indirect.scatter.add.f32 [tilespmem:s15], [sflag:$0x3], $0x40, s29, s14, $0xb8;
	[tilespmem:$0x18000] =	vst v63  }
0x25: {  	_ =	swait.ge [sflag:s12], $0x2000  }
0x26: {  	[sflag:s12] =	ssyncset.done $0x0  }
0x27: {  	s30 =	simm.s32 $0x100;
	[sflag:s12] =	ssyncadd.s32 $0xFFFFE000  }
0x28: {  	[tilespmem:s15], [sflag:$0x1] =	stream.indirect.gather [hbm4b:s8+s14], $0x40, s30, s14, $0xb8;
	[tilespmem:$0x18000] =	vst v63  }
0x29: {  	_ =	swait.ge [sflag:s18], $0x2000  }
0x2a: {  	[sflag:s18] =	ssyncset.done $0x0  }
0x2b: {  	s31 =	simm.s32 $0x5080;
	[sflag:s18] =	ssyncadd.s32 $0xFFFFE000  }
0x2c: {  	[spmem:s2] =	stream.indirect.scatter.add.f32 [tilespmem:s16], [sflag:$0x3], $0x40, s31, s14, $0xb8;
	[tilespmem:$0x18000] =	vst v63  }
0x2d: {  	_ =	swait.ge [sflag:s12], $0x2000  }
0x2e: {  	s24 =	simm.s32 $0x800;
	s23 =	simm.s32 $0x100;
	[sflag:s12] =	ssyncset.done $0x0  }
.LBB2_2:
0x2f: {  	s25 =	sadd.s32 $0x80, s23  }
0x30: {  	[sflag:s12] =	ssyncadd.s32 $0xFFFFE000;
	s26 =	smov.u32 s24;
	s28 =	sadd.s32 $0x400, s24  }
0x31: {  	[tilespmem:s16], [sflag:$0x2] =	stream.indirect.gather [hbm4b:s8+s14], $0x40, s25, s14, $0xb8;
	[tilespmem:$0x18000] =	vst v63  }
0x32: {  	p0 =	sne.s32 s24, $0x13800;
	_ =	swait.ge [sflag:s17], $0x2000  }
0x33: {  	[sflag:s17] =	ssyncset.done $0x0  }
0x34: {  	s24 =	sadd.s32 $0x5000, s23;
	[sflag:s17] =	ssyncadd.s32 $0xFFFFE000  }
0x35: {  	[spmem:s2] =	stream.indirect.scatter.add.f32 [tilespmem:s15], [sflag:$0x3], $0x40, s24, s14, $0xb8;
	[tilespmem:$0x18000] =	vst v63  }
0x36: {  	_ =	swait.ge [sflag:s12], $0x2000  }
0x37: {  	[sflag:s12] =	ssyncset.done $0x0  }
0x38: {  	s24 =	sadd.s32 $0x100, s23;
	[sflag:s12] =	ssyncadd.s32 $0xFFFFE000  }
0x39: {  	[tilespmem:s15], [sflag:$0x1] =	stream.indirect.gather [hbm4b:s8+s14], $0x40, s24, s14, $0xb8;
	[tilespmem:$0x18000] =	vst v63  }
0x3a: {  	_ =	swait.ge [sflag:s18], $0x2000  }
.Ltmp0:
0x3b: {  	[sflag:s18] =	ssyncset.done $0x0;
	(pc) =	sbr.rel @p0 .LBB2_2-.Ltmp0, $4  }
0x3c: {  	s23 =	sadd.s32 $0x5080, s23;
	[sflag:s18] =	ssyncadd.s32 $0xFFFFE000  }
0x3d: {  	[spmem:s2] =	stream.indirect.scatter.add.f32 [tilespmem:s16], [sflag:$0x3], $0x40, s23, s14, $0xb8;
	[tilespmem:$0x18000] =	vst v63  }
0x3e: {  	_ =	swait.ge [sflag:s12], $0x2000  }
0x3f: {  	s24 =	smov.u32 s28;
	s23 =	sshra.s32 s26, $0x2;
	[sflag:s12] =	ssyncset.done $0x0  }
0x40: {  	s24 =	sadd.s32 $0x80, s23;
	[sflag:s12] =	ssyncadd.s32 $0xFFFFE000  }
0x41: {  	[tilespmem:s16], [sflag:$0x2] =	stream.indirect.gather [hbm4b:s8+s14], $0x40, s24, s14, $0xb8;
	[tilespmem:$0x18000] =	vst v63  }
0x42: {  	_ =	swait.ge [sflag:s17], $0x2000  }
0x43: {  	[sflag:s17] =	ssyncset.done $0x0  }
0x44: {  	s29 =	sadd.s32 $0x5000, s23;
	[sflag:s17] =	ssyncadd.s32 $0xFFFFE000  }
0x45: {  	[spmem:s2] =	stream.indirect.scatter.add.f32 [tilespmem:s15], [sflag:$0x3], $0x40, s29, s14, $0xb8;
	[tilespmem:$0x18000] =	vst v63  }
0x46: {  	_ =	swait.ge [sflag:s12], $0x2000  }
0x47: {  	[sflag:s12] =	ssyncset.done $0x0  }
0x48: {  	s30 =	sadd.s32 $0x100, s23;
	[sflag:s12] =	ssyncadd.s32 $0xFFFFE000  }
0x49: {  	[tilespmem:s15], [sflag:$0x1] =	stream.indirect.gather [hbm4b:s8+s14], $0x40, s30, s14, $0xb8;
	[tilespmem:$0x18000] =	vst v63  }
0x4a: {  	_ =	swait.ge [sflag:s18], $0x2000  }
0x4b: {  	[sflag:s18] =	ssyncset.done $0x0  }
0x4c: {  	s31 =	sadd.s32 $0x5080, s23;
	[sflag:s18] =	ssyncadd.s32 $0xFFFFE000  }
0x4d: {  	[spmem:s2] =	stream.indirect.scatter.add.f32 [tilespmem:s16], [sflag:$0x3], $0x40, s31, s14, $0xb8;
	[tilespmem:$0x18000] =	vst v63  }
0x4e: {  	_ =	swait.ge [sflag:s12], $0x2000  }
0x4f: {  	[sflag:s12] =	ssyncset.done $0x0  }
0x50: {  	[sflag:s12] =	ssyncadd.s32 $0xFFFFE000  }
0x51: {  	[tilespmem:s16], [sflag:$0x2] =	stream.indirect.gather [hbm4b:s8+s14], $0x40, s19, s14, $0xb8;
	[tilespmem:$0x18000] =	vst v63  }
0x52: {  	_ =	swait.ge [sflag:s17], $0x2000  }
0x53: {  	[sflag:s17] =	ssyncset.done $0x0  }
0x54: {  	[sflag:s17] =	ssyncadd.s32 $0xFFFFE000  }
0x55: {  	[spmem:s2] =	stream.indirect.scatter.add.f32 [tilespmem:s15], [sflag:$0x3], $0x40, s20, s14, $0xb8;
	[tilespmem:$0x18000] =	vst v63  }
0x56: {  	_ =	swait.ge [sflag:s12], $0x2000  }
0x57: {  	[sflag:s12] =	ssyncset.done $0x0  }
0x58: {  	[sflag:s12] =	ssyncadd.s32 $0xFFFFE000  }
0x59: {  	_ =	swait.ge [sflag:s18], $0x2000  }
0x5a: {  	[sflag:s18] =	ssyncset.done $0x0  }
0x5b: {  	[sflag:s18] =	ssyncadd.s32 $0xFFFFE000  }
0x5c: {  	[spmem:s2] =	stream.indirect.scatter.add.f32 [tilespmem:s16], [sflag:$0x3], $0x40, s21, s14, $0xb8;
	[tilespmem:$0x18000] =	vst v63  }
0x5d: {  	_ =	swait.ge [sflag:s12], $0x2000  }
0x5e: {  	s22 =	sadd.s32 $0x1, s22;
	[sflag:s12] =	ssyncset.done $0x0  }
0x5f: {  	p0 =	sne.s32 s22, s10;
	[sflag:s12] =	ssyncadd.s32 $0xFFFFE000  }
.Ltmp1:
0x60: {  	[bflag:$0x0] =	sbarrier.arrive $0xFFFF;
	(pc) =	sbr.rel @p0 .LBB2_1-.Ltmp1, $4  }
0x61: {  	[hbm:s9], [sflag:s5] =	dma.local [spmem:s11], $0x1400  }
0x62: {  	_ =	swait.ge [sflag:s12], $0x1400  }
0x63: {  	[sflag:s12] =	ssyncset.done $0x0  }
0x64: {  	[sflag:s12] =	ssyncadd.s32 $0xFFFFEC00  }
0x65: {  	_ =	sfence.sel $0x180000  }
0x66: {  	[bflag:$0x0] =	sbarrier.arrive $0xFFFF  }
0x67: {  	p0 =	sne.s32 s1, $0x0;
	_ =	strace $0x9000004A  }
0x68: {  	s0 =	sadd.s32 @!p0 $0x100000, s0;
	[bflag:$0x2] =	sbarrier.arrive $0xFFFF  }
0x69: {  	[sflag:s0] =	ssyncadd.tile.s32 @!p0 $0x1;
	_ =	shalt  }
.Lfunc_end2:
_tile_overlayer_lowered:
.L_overlay_start_2:
0x6a: {  	(tag) =	ssettag $0x2  }
0x6b: {  	s0 =	rddreg [dreg:$0x0];
	s2 =	stileid.u32  }
0x6c: {  	s1 =	rddreg [dreg:$0x1];
	p0 =	sne.s32 s2, $0x0  }
0x6d: {  	s3 =	rddreg [dreg:$0x2];
	[bflag:$0x3] =	sbarrier.arrive $0xFFFF;
	s2 =	simm.s32 @!p0 $0x1C03  }
0x6e: {  	[timem:s3], [sflag:s2] =	dma.local @!p0 [hbm:s0], s1  }
0x6f: {  	s0 =	simm.s32 @!p0 $0x3  }
0x70: {  	_ =	swait.ge @!p0 [sflag:s0], s1  }
0x71: {  	s1 =	ssub.s32 @!p0 $0x0, s1;
	[sflag:s0] =	ssyncset.done @!p0 $0x0  }
0x72: {  	[sflag:s0] =	ssyncadd.s32 @!p0 s1  }
0x73: {  	[bflag:$0x3] =	sbarrier.arrive $0xFFFF  }
0x74: {  	_ =	shalt  }

// kernel: kernel.20.cloned.1.call-start
scs
__scs_entry_jumppad:
0x0: {  	(pc) =	sbr.rel $0x88, $3  }
0x1: {  	(tag) =	ssettag $0x0;
	lr =	simm.s32 $0x1  }
0x2: {  	[smem:$0x3F92] =	sst lr;
	_ =	strace $0xD0000000  }
0x3: {  	_ = 	snop  }
0x4: {  	_ = 	snop  }
0x5: {  	_ = 	snop  }
0x6: {  	_ = 	snop  }
0x7: {  	_ = 	snop  }
__scs_overlays_trampoline_lowered:
0x8: {  	[smem:$0x3FA1] =	sst s0  }
0x9: {  	[smem:$0x3FA2] =	sst s1  }
0xa: {  	[smem:$0x3FA3] =	sst s2  }
0xb: {  	[smem:$0x3FA4] =	sst s3  }
0xc: {  	[smem:$0x3FA5] =	sst s4  }
0xd: {  	[smem:$0x3FA6] =	sst s5  }
0xe: {  	[smem:$0x3FA7] =	sst s6  }
0xf: {  	[smem:$0x3FA8] =	sst s7  }
0x10: {  	[smem:$0x3FA9] =	sst s8  }
0x11: {  	[smem:$0x3FAA] =	sst s9;
	s0 =	simm.s32 @!p0 $0x0  }
0x12: {  	s1 =	sld [smem:$0x3F90];
	s0 =	simm.s32 @p0 $0x1  }
0x13: {  	[smem:$0x3FAB] =	sst s0;
	s0 =	simm.s32 @!p1 $0x0  }
0x14: {  	s2 =	sld [smem:$0x3F8F];
	s0 =	simm.s32 @p1 $0x1  }
0x15: {  	[smem:$0x3FAC] =	sst s0;
	s0 =	simm.s32 @!p2 $0x0  }
0x16: {  	s3 =	sld [smem:$0x3FDB];
	s0 =	simm.s32 @p2 $0x1  }
0x17: {  	s4 =	simm.s32 $0x1BF5;
	[smem:$0x3FAE] =	sst s0  }
0x18: {  	s0 =	sld [smem:$0x3F91];
	_ =	swait.ge [sflag:s4], $0x0  }
0x19: {  	s7 =	sld [smem:$0x3F92]  }
0x1a: {  	s8 =	sadd.s32 $0xFFFFE003, lr  }
0x1b: {  	s9 =	sadd.s32 $0xFFFFFEF7, lr;
	s5 =	simm.s32 $0xFFFFFFFF;
	p2 =	slt.u32 s8, $0xFFFFF086  }
0x1c: {  	p1 =	slt.u32 s9, $0xF7A;
	s5 =	simm.s32 @!p2 $0x0  }
0x1d: {  	s5 =	simm.s32 @p1 $0x1;
	p0 =	seq.s32 s7, s2  }
0x1e: {  	s7 =	smul.u32 @!p0 $0xF7A, s2;
	p2 =	seq.s32 @!p0 s5, $0x0  }
0x1f: {  	s9 =	smul.u32 $0xF7A, s1;
	s8 =	simm.s32 @!p0 $0x1BF5;
	p2 =	por !p2, p0  }
0x20: {  	[sflag:s8] =	ssyncset.s32 @!p0 $0xFFFFF086;
	s6 =	sadd.s32 @!p0 s3, s7;
	s7 =	simm.s32 @!p0 $0x108  }
0x21: {  	s3 =	sadd.s32 s3, s9;
	s6 =	sadd.s32 @!p0 $0x88, s6;
	s7 =	simm.s32 @p2 $0x1082  }
0x22: {  	[simem:s7], [sflag:s8] =	dma.local @!p0 [hbm:s6], $0xF7A  }
0x23: {  	s9 =	sor.u32 $0xD0000000, s2;
	s6 =	simm.s32 $0x108;
	_ =	swait.ge @!p0 [sflag:s8], $0x0  }
0x24: {  	s3 =	sadd.s32 $0x88, s3;
	s6 =	simm.s32 @!p1 $0x1082;
	[sflag:s4] =	ssyncset.s32 $0xFFFFF086  }
0x25: {  	[simem:s6], [sflag:s4] =	dma.local [hbm:s3], $0xF7A  }
0x26: {  	[smem:$0x3F92] =	sst s1;
	(tag) =	ssettag s2;
	_ =	strace s9  }
0x27: {  	s1 =	sld [smem:$0x3FA2]  }
0x28: {  	s2 =	sld [smem:$0x3FA3]  }
0x29: {  	s4 =	sld [smem:$0x3FA5]  }
0x2a: {  	p0 =	seq.s32 s5, $0x0;
	s5 =	sld [smem:$0x3FA6]  }
0x2b: {  	s6 =	sld [smem:$0x3FA7]  }
0x2c: {  	s7 =	sld [smem:$0x3FA8]  }
0x2d: {  	s3 =	simm.s32 $0x108;
	s8 =	sld [smem:$0x3FA9]  }
0x2e: {  	s3 =	simm.s32 @!p0 $0x1082;
	s9 =	sld [smem:$0x3FAA]  }
0x2f: {  	lr =	sadd.s32 s0, s3;
	s0 =	sld [smem:$0x3FA1]  }
0x30: {  	s3 =	sld [smem:$0x3FA4]  }
0x31: {  	[smem:$0x3FAD] =	sst s10  }
0x32: {  	s10 =	sld [smem:$0x3FAB];
	_ =	sdelay $0x3  }
0x33: {  	p0 =	seq.s32 s10, $0x1;
	s10 =	sld [smem:$0x3FAD];
	_ =	sdelay $0x3  }
0x34: {  	[smem:$0x3FAD] =	sst s10  }
0x35: {  	s10 =	sld [smem:$0x3FAC];
	_ =	sdelay $0x3  }
0x36: {  	p1 =	seq.s32 s10, $0x1;
	s10 =	sld [smem:$0x3FAD];
	_ =	sdelay $0x3  }
0x37: {  	[smem:$0x3FAD] =	sst s10  }
0x38: {  	s10 =	sld [smem:$0x3FAE]  }
0x39: {  	_ = 	snop;
	(pc) =	sbr.ind lr, $3  }
0x3a: {  	_ = 	snop  }
0x3b: {  	_ = 	snop  }
0x3c: {  	p2 =	seq.s32 s10, $0x1;
	s10 =	sld [smem:$0x3FAD]  }
0x3d: {  	_ =	shalt  }
0x3e: {  	_ =	shalt  }
0x3f: {  	_ =	shalt  }
0x40: {  	_ =	shalt  }
0x41: {  	_ =	shalt  }
0x42: {  	_ =	shalt  }
0x43: {  	_ =	shalt  }
0x44: {  	_ =	shalt  }
0x45: {  	_ =	shalt  }
0x46: {  	_ =	shalt  }
0x47: {  	_ =	shalt  }
0x48: {  	_ =	shalt  }
0x49: {  	_ =	shalt  }
0x4a: {  	_ =	shalt  }
0x4b: {  	_ =	shalt  }
0x4c: {  	_ =	shalt  }
0x4d: {  	_ =	shalt  }
0x4e: {  	_ =	shalt  }
0x4f: {  	_ =	shalt  }
0x50: {  	_ =	shalt  }
0x51: {  	_ =	shalt  }
0x52: {  	_ =	shalt  }
0x53: {  	_ =	shalt  }
0x54: {  	_ =	shalt  }
0x55: {  	_ =	shalt  }
0x56: {  	_ =	shalt  }
0x57: {  	_ =	shalt  }
0x58: {  	_ =	shalt  }
0x59: {  	_ =	shalt  }
0x5a: {  	_ =	shalt  }
0x5b: {  	_ =	shalt  }
0x5c: {  	_ =	shalt  }
0x5d: {  	_ =	shalt  }
0x5e: {  	_ =	shalt  }
0x5f: {  	_ =	shalt  }
0x60: {  	_ =	shalt  }
0x61: {  	_ =	shalt  }
0x62: {  	_ =	shalt  }
0x63: {  	_ =	shalt  }
0x64: {  	_ =	shalt  }
0x65: {  	_ =	shalt  }
0x66: {  	_ =	shalt  }
0x67: {  	_ =	shalt  }
0x68: {  	_ =	shalt  }
0x69: {  	_ =	shalt  }
0x6a: {  	_ =	shalt  }
0x6b: {  	_ =	shalt  }
0x6c: {  	_ =	shalt  }
0x6d: {  	_ =	shalt  }
0x6e: {  	_ =	shalt  }
0x6f: {  	_ =	shalt  }
0x70: {  	_ =	shalt  }
0x71: {  	_ =	shalt  }
0x72: {  	_ =	shalt  }
0x73: {  	_ =	shalt  }
0x74: {  	_ =	shalt  }
0x75: {  	_ =	shalt  }
0x76: {  	_ =	shalt  }
0x77: {  	_ =	shalt  }
0x78: {  	_ =	shalt  }
0x79: {  	_ =	shalt  }
0x7a: {  	_ =	shalt  }
0x7b: {  	_ =	shalt  }
0x7c: {  	_ =	shalt  }
0x7d: {  	_ =	shalt  }
0x7e: {  	_ =	shalt  }
0x7f: {  	_ =	shalt  }
0x80: {  	_ =	shalt  }
0x81: {  	_ =	shalt  }
0x82: {  	_ =	shalt  }
0x83: {  	_ =	shalt  }
0x84: {  	_ =	shalt  }
0x85: {  	_ =	shalt  }
0x86: {  	_ =	shalt  }
0x87: {  	_ =	shalt  }
.Lfunc_end0:
.L_simem_size_0:
called_computation.2_lowered:
.L_overlay_start_0:
0x88: {  	s2 =	sld [smem:$0x3FD9]  }
0x89: {  	s3 =	sld [smem:$0x3FFE];
	_ =	sdelay $0x1  }
0x8a: {  	s1 =	srdreg.scid  }
0x8b: {  	s0 =	sand.u32 $0x1, s1  }
0x8c: {  	s16 =	sshll.u32 s0, $0xA;
	s2 =	sadd.s32 s3, s2  }
0x8d: {  	s2 =	sadd.s32 s2, s16  }
0x8e: {  	[smem:$0x3FB9] =	sst s2  }
0x8f: {  	_ = 	snop  }
0x90: {  	(tm) =	ssettm $0x1  }
0x91: {  	s17 =	sld [smem:$0x3FFB];
	_ =	sdelay $0x3  }
0x92: {  	_ =	strace s17  }
0x93: {  	s2 =	sld [smem:$0x3FFC];
	_ =	sdelay $0x3  }
0x94: {  	_ =	strace s2  }
0x95: {  	s2 =	sld [smem:$0x3FFD];
	_ =	sdelay $0x3  }
0x96: {  	_ =	strace s2  }
0x97: {  	_ =	strace $0x8FFFFFFF  }
0x98: {  	s18 =	sld [smem:$0x3FDB];
	_ =	sdelay $0x1  }
0x99: {  	s19 =	simm.s32 $_scs_section_size  }
0x9a: {  	s4 =	simm.s32 $_size__tile_overlayer_lowered;
	s5 =	simm.s32 $_tile_overlayer_lowered  }
0x9b: {  	s22 =	simm.s32 $0x1BFF;
	s21 =	sshll.u32 s5, $0x1;
	s2 =	sadd.s32 s19, s18  }
0x9c: {  	s6 =	simm.s32 $0x0;
	s20 =	sshll.u32 s4, $0x1;
	s4 =	sadd.s32 s21, s2  }
0x9d: {  	[timem:s6], [sflag:s22] =	dma.local [hbm:s4], s20  }
0x9e: {  	_ =	swait.ge [sflag:s22], s20  }
0x9f: {  	s3 =	ssub.s32 $0x0, s20;
	[sflag:s22] =	ssyncset.done $0x0  }
0xa0: {  	[sflag:s22] =	ssyncadd.s32 s3;
	_ =	sdelay $0x1  }
0xa1: {  	s23 =	simm.s32 $0x1B8B  }
0xa2: {  	_ =	swait.ge [sflag:s23], $0x1  }
0xa3: {  	[sflag:s23] =	ssyncset.done $0x0  }
0xa4: {  	s25 =	simm.s32 $0x1B8E;
	s24 =	sld [smem:$0x3FFE];
	[sflag:s23] =	ssyncadd.s32 $0xFFFFFFFF  }
0xa5: {  	s26 =	simm.s32 $execute0_lowered;
	[smem:$0x3FD2] =	sst s25  }
0xa6: {  	s4 =	sshll.u32 s26, $0x1;
	_ =	strace $0x8000004C;
	[dreg:$0x1] =	wrdreg $0xFFFFFFFF  }
0xa7: {  	s28 =	simm.s32 $_size_execute0_lowered;
	s2 =	sadd.s32 s2, s4;
	[dreg:$0x0] =	wrdreg $0x0  }
0xa8: {  	s4 =	sshll.u32 s28, $0x1;
	[dreg:$0x2] =	wrdreg s2  }
0xa9: {  	[dreg:$0x3] =	wrdreg s4  }
0xaa: {  	[dreg:$0x4] =	wrdreg $0xC0  }
0xab: {  	_ =	task [dreg:s6], $0x5FFFF  }
0xac: {  	[dreg:$0x1] =	wrdreg $0xFFFFFFFF  }
0xad: {  	[dreg:$0x0] =	wrdreg $0x60  }
0xae: {  	[dreg:$0x2] =	wrdreg s24  }
0xaf: {  	[dreg:$0x3] =	wrdreg $0xE0000  }
0xb0: {  	[dreg:$0x4] =	wrdreg $0x9  }
0xb1: {  	_ =	task.clear_ibuf [dreg:s6], $0x5FFFF;
	_ =	strace $0x9000004C  }
0xb2: {  	s29 =	simm.s32 $0x9;
	_ =	strace $0x8000004E  }
0xb3: {  	_ =	swait.ge [sflag:s29], $0x1  }
0xb4: {  	[sflag:s29] =	ssyncadd.s32 $0xFFFFFFFF  }
0xb5: {  	_ =	strace $0x9000004E  }
0xb6: {  	_ =	sfence  }
0xb7: {  	s30 =	sld [smem:$0x0];
	_ =	sdelay $0x2  }
0xb8: {  	s31 =	sshll.u32 s1, $0xD;
	s1 =	sshrl.u32 s1, $0x2  }
0xb9: {  	s3 =	sand.u32 $0x4000, s31;
	s1 =	sadd.s32 s1, s30  }
0xba: {  	s0 =	sor.u32 s3, s0;
	s1 =	sshll.u32 s1, $0x11  }
0xbb: {  	s0 =	sor.u32 s1, s0  }
0xbc: {  	s0 =	sadd.s32 $0x8F2B, s0  }
0xbd: {  	[sflag:s0] =	ssyncadd.remote.s32 $0x1  }
0xbe: {  	_ =	sfence.sel $0xFFFF  }
0xbf: {  	[dreg:$0x0] =	wrdreg $0xFFFFFFFF;
	(pc) =	sbr.abs _section_cstart, $3  }
0xc0: {  	[dreg:$0x1] =	wrdreg $0xFFFFFFFF  }
0xc1: {  	_ =	task.clear_ibuf [dreg:s6], $0x2FFFF;
	_ =	strace $0x9FFFFFFF  }
0xc2: {  	(tm) =	ssettm $0x7FFFFFFF  }
0xc3: {  	_ =	shalt  }
tec
execute0_lowered:
.L_overlay_start_1:
0x0: {  	(tag) =	ssettag $0x1  }
0x1: {  	s4 =	rddreg [dreg:$0x0]  }
0x2: {  	s2 =	rddreg [dreg:$0x1]  }
0x3: {  	s0 =	rddreg [dreg:$0x2]  }
0x4: {  	s1 =	stileid.u32;
	s6 =	srdreg.scid;
	s3 =	simm.s32 $0x0  }
0x5: {  	s14 =	simm.s32 $0x80;
	s15 =	simm.s32 $0xA000;
	s16 =	simm.s32 $0xC000  }
0x6: {  	s17 =	simm.s32 $0x1;
	s18 =	simm.s32 $0x2;
	s19 =	simm.s32 $0x4F80  }
0x7: {  	s20 =	simm.s32 $0x9F00;
	s21 =	simm.s32 $0x9F80;
	s5 =	smul.u32 $0xA00, s1  }
0x8: {  	s22 =	simm.s32 $0x0;
	s6 =	sand.u32 $0x1, s6;
	s7 =	smul.u32 $0xA000, s1  }
0x9: {  	[smem:$0x7FF] =	sst s3;
	s10 =	sadd.s32 $0x21400, s4;
	s31 =	sshll.u32 s1, $0x6  }
0xa: {  	s8 =	smul.u32 $0xA0000, s6;
	_ =	strace $0x8000004D;
	s6 =	ssub.s32 $0x2, s6  }
0xb: {  	s9 =	sadd.s32 s5, s4;
	s11 =	sshrl.u32 s6, $0x1;
	s13 =	sadd.s32 s7, s2  }
0xc: {  	s30 =	sadd.s32 s7, s8;
	s11 =	ssub.s32 s6, s11;
	s6 =	sadd.s32 $0x17400, s9  }
0xd: {  	s7 =	sadd.s32 $0x3400, s9;
	s8 =	sshrl.u32 s8, $0x3;
	s5 =	sshrl.u32 s30, $0x3  }
0xe: {  	s8 =	sadd.s32 s10, s8;
	s12 =	sadd.s32 s5, s4;
	s4 =	sadd.s32 s10, s5  }
0xf: {  	s5 =	sor.u32 $0x1C03, s31;
	s10 =	smax.u32 s11, $0x1;
	s11 =	sshrl.u32 s13, $0x3  }
0x10: {  	s13 =	simm.s32 $0x5000;
	s9 =	sadd.s32 $0x49400, s12;
	s12 =	simm.s32 $0x3  }
.LBB2_1:
0x11: {  	[spmem:s11], [sflag:s5] =	dma.local [hbm:s4], $0x1400  }
0x12: {  	_ =	swait.ge [sflag:s12], $0x1400  }
0x13: {  	[sflag:s12] =	ssyncset.done $0x0  }
0x14: {  	[sflag:s12] =	ssyncadd.s32 $0xFFFFEC00  }
0x15: {  	[tilespmem:s3], [sflag:$0x3] =	stream.linear.gather [hbm4b:s6+s3], $0x5000, $0x38;
	[tilespmem:$0x18000] =	vst v63  }
0x16: {  	_ =	swait.ge [sflag:s12], $0x5000  }
0x17: {  	[sflag:s12] =	ssyncset.done $0x0  }
0x18: {  	[sflag:s12] =	ssyncadd.s32 $0xFFFFB000  }
0x19: {  	[tilespmem:s13], [sflag:$0x3] =	stream.linear.gather [hbm4b:s7+s3], $0x5000, $0x38;
	[tilespmem:$0x18000] =	vst v63  }
0x1a: {  	_ =	swait.ge [sflag:s12], $0x5000  }
0x1b: {  	[sflag:s12] =	ssyncset.done $0x0  }
0x1c: {  	[sflag:s12] =	ssyncadd.s32 $0xFFFFB000  }
0x1d: {  	[bflag:$0x0] =	sbarrier.arrive $0xFFFF  }
0x1e: {  	[tilespmem:s15], [sflag:$0x1] =	stream.indirect.gather [hbm4b:s8+s14], $0x40, s3, s14, $0xb8;
	[tilespmem:$0x18000] =	vst v63  }
0x1f: {  	s23 =	simm.s32 $0x80  }
0x20: {  	[tilespmem:s16], [sflag:$0x2] =	stream.indirect.gather [hbm4b:s8+s14], $0x40, s23, s14, $0xb8;
	[tilespmem:$0x18000] =	vst v63  }
0x21: {  	_ =	swait.ge [sflag:s17], $0x2000  }
0x22: {  	[sflag:s17] =	ssyncset.done $0x0  }
0x23: {  	s29 =	simm.s32 $0x5000;
	[sflag:s17] =	ssyncadd.s32 $0xFFFFE000  }
0x24: {  	[spmem:s2] =	stream.indirect.scatter.add.f32 [tilespmem:s15], [sflag:$0x3], $0x40, s29, s14, $0xb8;
	[tilespmem:$0x18000] =	vst v63  }
0x25: {  	_ =	swait.ge [sflag:s12], $0x2000  }
0x26: {  	[sflag:s12] =	ssyncset.done $0x0  }
0x27: {  	s30 =	simm.s32 $0x100;
	[sflag:s12] =	ssyncadd.s32 $0xFFFFE000  }
0x28: {  	[tilespmem:s15], [sflag:$0x1] =	stream.indirect.gather [hbm4b:s8+s14], $0x40, s30, s14, $0xb8;
	[tilespmem:$0x18000] =	vst v63  }
0x29: {  	_ =	swait.ge [sflag:s18], $0x2000  }
0x2a: {  	[sflag:s18] =	ssyncset.done $0x0  }
0x2b: {  	s31 =	simm.s32 $0x5080;
	[sflag:s18] =	ssyncadd.s32 $0xFFFFE000  }
0x2c: {  	[spmem:s2] =	stream.indirect.scatter.add.f32 [tilespmem:s16], [sflag:$0x3], $0x40, s31, s14, $0xb8;
	[tilespmem:$0x18000] =	vst v63  }
0x2d: {  	_ =	swait.ge [sflag:s12], $0x2000  }
0x2e: {  	s24 =	simm.s32 $0x800;
	s23 =	simm.s32 $0x100;
	[sflag:s12] =	ssyncset.done $0x0  }
.LBB2_2:
0x2f: {  	s25 =	sadd.s32 $0x80, s23  }
0x30: {  	[sflag:s12] =	ssyncadd.s32 $0xFFFFE000;
	s26 =	smov.u32 s24;
	s28 =	sadd.s32 $0x400, s24  }
0x31: {  	[tilespmem:s16], [sflag:$0x2] =	stream.indirect.gather [hbm4b:s8+s14], $0x40, s25, s14, $0xb8;
	[tilespmem:$0x18000] =	vst v63  }
0x32: {  	p0 =	sne.s32 s24, $0x13800;
	_ =	swait.ge [sflag:s17], $0x2000  }
0x33: {  	[sflag:s17] =	ssyncset.done $0x0  }
0x34: {  	s24 =	sadd.s32 $0x5000, s23;
	[sflag:s17] =	ssyncadd.s32 $0xFFFFE000  }
0x35: {  	[spmem:s2] =	stream.indirect.scatter.add.f32 [tilespmem:s15], [sflag:$0x3], $0x40, s24, s14, $0xb8;
	[tilespmem:$0x18000] =	vst v63  }
0x36: {  	_ =	swait.ge [sflag:s12], $0x2000  }
0x37: {  	[sflag:s12] =	ssyncset.done $0x0  }
0x38: {  	s24 =	sadd.s32 $0x100, s23;
	[sflag:s12] =	ssyncadd.s32 $0xFFFFE000  }
0x39: {  	[tilespmem:s15], [sflag:$0x1] =	stream.indirect.gather [hbm4b:s8+s14], $0x40, s24, s14, $0xb8;
	[tilespmem:$0x18000] =	vst v63  }
0x3a: {  	_ =	swait.ge [sflag:s18], $0x2000  }
.Ltmp0:
0x3b: {  	[sflag:s18] =	ssyncset.done $0x0;
	(pc) =	sbr.rel @p0 .LBB2_2-.Ltmp0, $4  }
0x3c: {  	s23 =	sadd.s32 $0x5080, s23;
	[sflag:s18] =	ssyncadd.s32 $0xFFFFE000  }
0x3d: {  	[spmem:s2] =	stream.indirect.scatter.add.f32 [tilespmem:s16], [sflag:$0x3], $0x40, s23, s14, $0xb8;
	[tilespmem:$0x18000] =	vst v63  }
0x3e: {  	_ =	swait.ge [sflag:s12], $0x2000  }
0x3f: {  	s24 =	smov.u32 s28;
	s23 =	sshra.s32 s26, $0x2;
	[sflag:s12] =	ssyncset.done $0x0  }
0x40: {  	s24 =	sadd.s32 $0x80, s23;
	[sflag:s12] =	ssyncadd.s32 $0xFFFFE000  }
0x41: {  	[tilespmem:s16], [sflag:$0x2] =	stream.indirect.gather [hbm4b:s8+s14], $0x40, s24, s14, $0xb8;
	[tilespmem:$0x18000] =	vst v63  }
0x42: {  	_ =	swait.ge [sflag:s17], $0x2000  }
0x43: {  	[sflag:s17] =	ssyncset.done $0x0  }
0x44: {  	s29 =	sadd.s32 $0x5000, s23;
	[sflag:s17] =	ssyncadd.s32 $0xFFFFE000  }
0x45: {  	[spmem:s2] =	stream.indirect.scatter.add.f32 [tilespmem:s15], [sflag:$0x3], $0x40, s29, s14, $0xb8;
	[tilespmem:$0x18000] =	vst v63  }
0x46: {  	_ =	swait.ge [sflag:s12], $0x2000  }
0x47: {  	[sflag:s12] =	ssyncset.done $0x0  }
0x48: {  	s30 =	sadd.s32 $0x100, s23;
	[sflag:s12] =	ssyncadd.s32 $0xFFFFE000  }
0x49: {  	[tilespmem:s15], [sflag:$0x1] =	stream.indirect.gather [hbm4b:s8+s14], $0x40, s30, s14, $0xb8;
	[tilespmem:$0x18000] =	vst v63  }
0x4a: {  	_ =	swait.ge [sflag:s18], $0x2000  }
0x4b: {  	[sflag:s18] =	ssyncset.done $0x0  }
0x4c: {  	s31 =	sadd.s32 $0x5080, s23;
	[sflag:s18] =	ssyncadd.s32 $0xFFFFE000  }
0x4d: {  	[spmem:s2] =	stream.indirect.scatter.add.f32 [tilespmem:s16], [sflag:$0x3], $0x40, s31, s14, $0xb8;
	[tilespmem:$0x18000] =	vst v63  }
0x4e: {  	_ =	swait.ge [sflag:s12], $0x2000  }
0x4f: {  	[sflag:s12] =	ssyncset.done $0x0  }
0x50: {  	[sflag:s12] =	ssyncadd.s32 $0xFFFFE000  }
0x51: {  	[tilespmem:s16], [sflag:$0x2] =	stream.indirect.gather [hbm4b:s8+s14], $0x40, s19, s14, $0xb8;
	[tilespmem:$0x18000] =	vst v63  }
0x52: {  	_ =	swait.ge [sflag:s17], $0x2000  }
0x53: {  	[sflag:s17] =	ssyncset.done $0x0  }
0x54: {  	[sflag:s17] =	ssyncadd.s32 $0xFFFFE000  }
0x55: {  	[spmem:s2] =	stream.indirect.scatter.add.f32 [tilespmem:s15], [sflag:$0x3], $0x40, s20, s14, $0xb8;
	[tilespmem:$0x18000] =	vst v63  }
0x56: {  	_ =	swait.ge [sflag:s12], $0x2000  }
0x57: {  	[sflag:s12] =	ssyncset.done $0x0  }
0x58: {  	[sflag:s12] =	ssyncadd.s32 $0xFFFFE000  }
0x59: {  	_ =	swait.ge [sflag:s18], $0x2000  }
0x5a: {  	[sflag:s18] =	ssyncset.done $0x0  }
0x5b: {  	[sflag:s18] =	ssyncadd.s32 $0xFFFFE000  }
0x5c: {  	[spmem:s2] =	stream.indirect.scatter.add.f32 [tilespmem:s16], [sflag:$0x3], $0x40, s21, s14, $0xb8;
	[tilespmem:$0x18000] =	vst v63  }
0x5d: {  	_ =	swait.ge [sflag:s12], $0x2000  }
0x5e: {  	s22 =	sadd.s32 $0x1, s22;
	[sflag:s12] =	ssyncset.done $0x0  }
0x5f: {  	p0 =	sne.s32 s22, s10;
	[sflag:s12] =	ssyncadd.s32 $0xFFFFE000  }
.Ltmp1:
0x60: {  	[bflag:$0x0] =	sbarrier.arrive $0xFFFF;
	(pc) =	sbr.rel @p0 .LBB2_1-.Ltmp1, $4  }
0x61: {  	[hbm:s9], [sflag:s5] =	dma.local [spmem:s11], $0x1400  }
0x62: {  	_ =	swait.ge [sflag:s12], $0x1400  }
0x63: {  	[sflag:s12] =	ssyncset.done $0x0  }
0x64: {  	[sflag:s12] =	ssyncadd.s32 $0xFFFFEC00  }
0x65: {  	_ =	sfence.sel $0x180000  }
0x66: {  	[bflag:$0x0] =	sbarrier.arrive $0xFFFF  }
0x67: {  	p0 =	sne.s32 s1, $0x0;
	_ =	strace $0x9000004D  }
0x68: {  	s0 =	sadd.s32 @!p0 $0x100000, s0;
	[bflag:$0x2] =	sbarrier.arrive $0xFFFF  }
0x69: {  	[sflag:s0] =	ssyncadd.tile.s32 @!p0 $0x1;
	_ =	shalt  }
.Lfunc_end2:
_tile_overlayer_lowered:
.L_overlay_start_2:
0x6a: {  	(tag) =	ssettag $0x2  }
0x6b: {  	s0 =	rddreg [dreg:$0x0];
	s2 =	stileid.u32  }
0x6c: {  	s1 =	rddreg [dreg:$0x1];
	p0 =	sne.s32 s2, $0x0  }
0x6d: {  	s3 =	rddreg [dreg:$0x2];
	[bflag:$0x3] =	sbarrier.arrive $0xFFFF;
	s2 =	simm.s32 @!p0 $0x1C03  }
0x6e: {  	[timem:s3], [sflag:s2] =	dma.local @!p0 [hbm:s0], s1  }
0x6f: {  	s0 =	simm.s32 @!p0 $0x3  }
0x70: {  	_ =	swait.ge @!p0 [sflag:s0], s1  }
0x71: {  	s1 =	ssub.s32 @!p0 $0x0, s1;
	[sflag:s0] =	ssyncset.done @!p0 $0x0  }
0x72: {  	[sflag:s0] =	ssyncadd.s32 @!p0 s1  }
0x73: {  	[bflag:$0x3] =	sbarrier.arrive $0xFFFF  }
0x74: {  	_ =	shalt  }

// kernel: kernel.23.cloned.1.call-start
scs
__scs_entry_jumppad:
0x0: {  	(pc) =	sbr.rel $0x88, $3  }
0x1: {  	(tag) =	ssettag $0x0;
	lr =	simm.s32 $0x1  }
0x2: {  	[smem:$0x3F92] =	sst lr;
	_ =	strace $0xD0000000  }
0x3: {  	_ = 	snop  }
0x4: {  	_ = 	snop  }
0x5: {  	_ = 	snop  }
0x6: {  	_ = 	snop  }
0x7: {  	_ = 	snop  }
__scs_overlays_trampoline_lowered:
0x8: {  	[smem:$0x3FA1] =	sst s0  }
0x9: {  	[smem:$0x3FA2] =	sst s1  }
0xa: {  	[smem:$0x3FA3] =	sst s2  }
0xb: {  	[smem:$0x3FA4] =	sst s3  }
0xc: {  	[smem:$0x3FA5] =	sst s4  }
0xd: {  	[smem:$0x3FA6] =	sst s5  }
0xe: {  	[smem:$0x3FA7] =	sst s6  }
0xf: {  	[smem:$0x3FA8] =	sst s7  }
0x10: {  	[smem:$0x3FA9] =	sst s8  }
0x11: {  	[smem:$0x3FAA] =	sst s9;
	s0 =	simm.s32 @!p0 $0x0  }
0x12: {  	s1 =	sld [smem:$0x3F90];
	s0 =	simm.s32 @p0 $0x1  }
0x13: {  	[smem:$0x3FAB] =	sst s0;
	s0 =	simm.s32 @!p1 $0x0  }
0x14: {  	s2 =	sld [smem:$0x3F8F];
	s0 =	simm.s32 @p1 $0x1  }
0x15: {  	[smem:$0x3FAC] =	sst s0;
	s0 =	simm.s32 @!p2 $0x0  }
0x16: {  	s3 =	sld [smem:$0x3FDB];
	s0 =	simm.s32 @p2 $0x1  }
0x17: {  	s4 =	simm.s32 $0x1BF5;
	[smem:$0x3FAE] =	sst s0  }
0x18: {  	s0 =	sld [smem:$0x3F91];
	_ =	swait.ge [sflag:s4], $0x0  }
0x19: {  	s7 =	sld [smem:$0x3F92]  }
0x1a: {  	s8 =	sadd.s32 $0xFFFFE003, lr  }
0x1b: {  	s9 =	sadd.s32 $0xFFFFFEF7, lr;
	s5 =	simm.s32 $0xFFFFFFFF;
	p2 =	slt.u32 s8, $0xFFFFF086  }
0x1c: {  	p1 =	slt.u32 s9, $0xF7A;
	s5 =	simm.s32 @!p2 $0x0  }
0x1d: {  	s5 =	simm.s32 @p1 $0x1;
	p0 =	seq.s32 s7, s2  }
0x1e: {  	s7 =	smul.u32 @!p0 $0xF7A, s2;
	p2 =	seq.s32 @!p0 s5, $0x0  }
0x1f: {  	s9 =	smul.u32 $0xF7A, s1;
	s8 =	simm.s32 @!p0 $0x1BF5;
	p2 =	por !p2, p0  }
0x20: {  	[sflag:s8] =	ssyncset.s32 @!p0 $0xFFFFF086;
	s6 =	sadd.s32 @!p0 s3, s7;
	s7 =	simm.s32 @!p0 $0x108  }
0x21: {  	s3 =	sadd.s32 s3, s9;
	s6 =	sadd.s32 @!p0 $0x88, s6;
	s7 =	simm.s32 @p2 $0x1082  }
0x22: {  	[simem:s7], [sflag:s8] =	dma.local @!p0 [hbm:s6], $0xF7A  }
0x23: {  	s9 =	sor.u32 $0xD0000000, s2;
	s6 =	simm.s32 $0x108;
	_ =	swait.ge @!p0 [sflag:s8], $0x0  }
0x24: {  	s3 =	sadd.s32 $0x88, s3;
	s6 =	simm.s32 @!p1 $0x1082;
	[sflag:s4] =	ssyncset.s32 $0xFFFFF086  }
0x25: {  	[simem:s6], [sflag:s4] =	dma.local [hbm:s3], $0xF7A  }
0x26: {  	[smem:$0x3F92] =	sst s1;
	(tag) =	ssettag s2;
	_ =	strace s9  }
0x27: {  	s1 =	sld [smem:$0x3FA2]  }
0x28: {  	s2 =	sld [smem:$0x3FA3]  }
0x29: {  	s4 =	sld [smem:$0x3FA5]  }
0x2a: {  	p0 =	seq.s32 s5, $0x0;
	s5 =	sld [smem:$0x3FA6]  }
0x2b: {  	s6 =	sld [smem:$0x3FA7]  }
0x2c: {  	s7 =	sld [smem:$0x3FA8]  }
0x2d: {  	s3 =	simm.s32 $0x108;
	s8 =	sld [smem:$0x3FA9]  }
0x2e: {  	s3 =	simm.s32 @!p0 $0x1082;
	s9 =	sld [smem:$0x3FAA]  }
0x2f: {  	lr =	sadd.s32 s0, s3;
	s0 =	sld [smem:$0x3FA1]  }
0x30: {  	s3 =	sld [smem:$0x3FA4]  }
0x31: {  	[smem:$0x3FAD] =	sst s10  }
0x32: {  	s10 =	sld [smem:$0x3FAB];
	_ =	sdelay $0x3  }
0x33: {  	p0 =	seq.s32 s10, $0x1;
	s10 =	sld [smem:$0x3FAD];
	_ =	sdelay $0x3  }
0x34: {  	[smem:$0x3FAD] =	sst s10  }
0x35: {  	s10 =	sld [smem:$0x3FAC];
	_ =	sdelay $0x3  }
0x36: {  	p1 =	seq.s32 s10, $0x1;
	s10 =	sld [smem:$0x3FAD];
	_ =	sdelay $0x3  }
0x37: {  	[smem:$0x3FAD] =	sst s10  }
0x38: {  	s10 =	sld [smem:$0x3FAE]  }
0x39: {  	_ = 	snop;
	(pc) =	sbr.ind lr, $3  }
0x3a: {  	_ = 	snop  }
0x3b: {  	_ = 	snop  }
0x3c: {  	p2 =	seq.s32 s10, $0x1;
	s10 =	sld [smem:$0x3FAD]  }
0x3d: {  	_ =	shalt  }
0x3e: {  	_ =	shalt  }
0x3f: {  	_ =	shalt  }
0x40: {  	_ =	shalt  }
0x41: {  	_ =	shalt  }
0x42: {  	_ =	shalt  }
0x43: {  	_ =	shalt  }
0x44: {  	_ =	shalt  }
0x45: {  	_ =	shalt  }
0x46: {  	_ =	shalt  }
0x47: {  	_ =	shalt  }
0x48: {  	_ =	shalt  }
0x49: {  	_ =	shalt  }
0x4a: {  	_ =	shalt  }
0x4b: {  	_ =	shalt  }
0x4c: {  	_ =	shalt  }
0x4d: {  	_ =	shalt  }
0x4e: {  	_ =	shalt  }
0x4f: {  	_ =	shalt  }
0x50: {  	_ =	shalt  }
0x51: {  	_ =	shalt  }
0x52: {  	_ =	shalt  }
0x53: {  	_ =	shalt  }
0x54: {  	_ =	shalt  }
0x55: {  	_ =	shalt  }
0x56: {  	_ =	shalt  }
0x57: {  	_ =	shalt  }
0x58: {  	_ =	shalt  }
0x59: {  	_ =	shalt  }
0x5a: {  	_ =	shalt  }
0x5b: {  	_ =	shalt  }
0x5c: {  	_ =	shalt  }
0x5d: {  	_ =	shalt  }
0x5e: {  	_ =	shalt  }
0x5f: {  	_ =	shalt  }
0x60: {  	_ =	shalt  }
0x61: {  	_ =	shalt  }
0x62: {  	_ =	shalt  }
0x63: {  	_ =	shalt  }
0x64: {  	_ =	shalt  }
0x65: {  	_ =	shalt  }
0x66: {  	_ =	shalt  }
0x67: {  	_ =	shalt  }
0x68: {  	_ =	shalt  }
0x69: {  	_ =	shalt  }
0x6a: {  	_ =	shalt  }
0x6b: {  	_ =	shalt  }
0x6c: {  	_ =	shalt  }
0x6d: {  	_ =	shalt  }
0x6e: {  	_ =	shalt  }
0x6f: {  	_ =	shalt  }
0x70: {  	_ =	shalt  }
0x71: {  	_ =	shalt  }
0x72: {  	_ =	shalt  }
0x73: {  	_ =	shalt  }
0x74: {  	_ =	shalt  }
0x75: {  	_ =	shalt  }
0x76: {  	_ =	shalt  }
0x77: {  	_ =	shalt  }
0x78: {  	_ =	shalt  }
0x79: {  	_ =	shalt  }
0x7a: {  	_ =	shalt  }
0x7b: {  	_ =	shalt  }
0x7c: {  	_ =	shalt  }
0x7d: {  	_ =	shalt  }
0x7e: {  	_ =	shalt  }
0x7f: {  	_ =	shalt  }
0x80: {  	_ =	shalt  }
0x81: {  	_ =	shalt  }
0x82: {  	_ =	shalt  }
0x83: {  	_ =	shalt  }
0x84: {  	_ =	shalt  }
0x85: {  	_ =	shalt  }
0x86: {  	_ =	shalt  }
0x87: {  	_ =	shalt  }
.Lfunc_end0:
.L_simem_size_0:
called_computation.3_lowered:
.L_overlay_start_0:
0x88: {  	s2 =	sld [smem:$0x3FD9]  }
0x89: {  	s3 =	sld [smem:$0x3FFE];
	_ =	sdelay $0x1  }
0x8a: {  	s1 =	srdreg.scid  }
0x8b: {  	s0 =	sand.u32 $0x1, s1  }
0x8c: {  	s16 =	sshll.u32 s0, $0xA;
	s2 =	sadd.s32 s3, s2  }
0x8d: {  	s2 =	sadd.s32 s2, s16  }
0x8e: {  	[smem:$0x3FB9] =	sst s2  }
0x8f: {  	_ = 	snop  }
0x90: {  	(tm) =	ssettm $0x1  }
0x91: {  	s17 =	sld [smem:$0x3FFB];
	_ =	sdelay $0x3  }
0x92: {  	_ =	strace s17  }
0x93: {  	s2 =	sld [smem:$0x3FFC];
	_ =	sdelay $0x3  }
0x94: {  	_ =	strace s2  }
0x95: {  	s2 =	sld [smem:$0x3FFD];
	_ =	sdelay $0x3  }
0x96: {  	_ =	strace s2  }
0x97: {  	_ =	strace $0x8FFFFFFF  }
0x98: {  	s18 =	sld [smem:$0x3FDB];
	_ =	sdelay $0x1  }
0x99: {  	s19 =	simm.s32 $_scs_section_size  }
0x9a: {  	s4 =	simm.s32 $_size__tile_overlayer_lowered;
	s5 =	simm.s32 $_tile_overlayer_lowered  }
0x9b: {  	s22 =	simm.s32 $0x1BFF;
	s21 =	sshll.u32 s5, $0x1;
	s2 =	sadd.s32 s19, s18  }
0x9c: {  	s6 =	simm.s32 $0x0;
	s20 =	sshll.u32 s4, $0x1;
	s4 =	sadd.s32 s21, s2  }
0x9d: {  	[timem:s6], [sflag:s22] =	dma.local [hbm:s4], s20  }
0x9e: {  	_ =	swait.ge [sflag:s22], s20  }
0x9f: {  	s3 =	ssub.s32 $0x0, s20;
	[sflag:s22] =	ssyncset.done $0x0  }
0xa0: {  	[sflag:s22] =	ssyncadd.s32 s3;
	_ =	sdelay $0x1  }
0xa1: {  	s23 =	simm.s32 $0x1B8B  }
0xa2: {  	_ =	swait.ge [sflag:s23], $0x1  }
0xa3: {  	[sflag:s23] =	ssyncset.done $0x0  }
0xa4: {  	s25 =	simm.s32 $0x1B8E;
	s24 =	sld [smem:$0x3FFE];
	[sflag:s23] =	ssyncadd.s32 $0xFFFFFFFF  }
0xa5: {  	s26 =	simm.s32 $execute0_lowered;
	[smem:$0x3FD2] =	sst s25  }
0xa6: {  	s4 =	sshll.u32 s26, $0x1;
	_ =	strace $0x8000004F;
	[dreg:$0x1] =	wrdreg $0xFFFFFFFF  }
0xa7: {  	s28 =	simm.s32 $_size_execute0_lowered;
	s2 =	sadd.s32 s2, s4;
	[dreg:$0x0] =	wrdreg $0x0  }
0xa8: {  	s4 =	sshll.u32 s28, $0x1;
	[dreg:$0x2] =	wrdreg s2  }
0xa9: {  	[dreg:$0x3] =	wrdreg s4  }
0xaa: {  	[dreg:$0x4] =	wrdreg $0xC0  }
0xab: {  	_ =	task [dreg:s6], $0x5FFFF  }
0xac: {  	[dreg:$0x1] =	wrdreg $0xFFFFFFFF  }
0xad: {  	[dreg:$0x0] =	wrdreg $0x60  }
0xae: {  	[dreg:$0x2] =	wrdreg s24  }
0xaf: {  	[dreg:$0x3] =	wrdreg $0xE0000  }
0xb0: {  	[dreg:$0x4] =	wrdreg $0x9  }
0xb1: {  	_ =	task.clear_ibuf [dreg:s6], $0x5FFFF;
	_ =	strace $0x9000004F  }
0xb2: {  	s29 =	simm.s32 $0x9;
	_ =	strace $0x80000051  }
0xb3: {  	_ =	swait.ge [sflag:s29], $0x1  }
0xb4: {  	[sflag:s29] =	ssyncadd.s32 $0xFFFFFFFF  }
0xb5: {  	_ =	strace $0x90000051  }
0xb6: {  	_ =	sfence  }
0xb7: {  	s30 =	sld [smem:$0x0];
	_ =	sdelay $0x2  }
0xb8: {  	s31 =	sshll.u32 s1, $0xD;
	s1 =	sshrl.u32 s1, $0x2  }
0xb9: {  	s3 =	sand.u32 $0x4000, s31;
	s1 =	sadd.s32 s1, s30  }
0xba: {  	s0 =	sor.u32 s3, s0;
	s1 =	sshll.u32 s1, $0x11  }
0xbb: {  	s0 =	sor.u32 s1, s0  }
0xbc: {  	s0 =	sadd.s32 $0x8F2B, s0  }
0xbd: {  	[sflag:s0] =	ssyncadd.remote.s32 $0x1  }
0xbe: {  	_ =	sfence.sel $0xFFFF  }
0xbf: {  	[dreg:$0x0] =	wrdreg $0xFFFFFFFF;
	(pc) =	sbr.abs _section_cstart, $3  }
0xc0: {  	[dreg:$0x1] =	wrdreg $0xFFFFFFFF  }
0xc1: {  	_ =	task.clear_ibuf [dreg:s6], $0x2FFFF;
	_ =	strace $0x9FFFFFFF  }
0xc2: {  	(tm) =	ssettm $0x7FFFFFFF  }
0xc3: {  	_ =	shalt  }
tec
execute0_lowered:
.L_overlay_start_1:
0x0: {  	(tag) =	ssettag $0x1  }
0x1: {  	s4 =	rddreg [dreg:$0x0]  }
0x2: {  	s2 =	rddreg [dreg:$0x1]  }
0x3: {  	s0 =	rddreg [dreg:$0x2]  }
0x4: {  	s1 =	stileid.u32;
	s6 =	srdreg.scid;
	s3 =	simm.s32 $0x0  }
0x5: {  	s14 =	simm.s32 $0x80;
	s15 =	simm.s32 $0xA000;
	s16 =	simm.s32 $0xC000  }
0x6: {  	s17 =	simm.s32 $0x1;
	s18 =	simm.s32 $0x2;
	s19 =	simm.s32 $0x4F80  }
0x7: {  	s20 =	simm.s32 $0x9F00;
	s21 =	simm.s32 $0x9F80;
	s5 =	smul.u32 $0xA00, s1  }
0x8: {  	s22 =	simm.s32 $0x0;
	s6 =	sand.u32 $0x1, s6;
	s7 =	smul.u32 $0xA000, s1  }
0x9: {  	[smem:$0x7FF] =	sst s3;
	s10 =	sadd.s32 $0x21400, s4;
	s31 =	sshll.u32 s1, $0x6  }
0xa: {  	s8 =	smul.u32 $0xA0000, s6;
	_ =	strace $0x80000050;
	s6 =	ssub.s32 $0x2, s6  }
0xb: {  	s9 =	sadd.s32 s5, s4;
	s11 =	sshrl.u32 s6, $0x1;
	s13 =	sadd.s32 s7, s2  }
0xc: {  	s30 =	sadd.s32 s7, s8;
	s11 =	ssub.s32 s6, s11;
	s6 =	sadd.s32 $0x17400, s9  }
0xd: {  	s7 =	sadd.s32 $0x3400, s9;
	s8 =	sshrl.u32 s8, $0x3;
	s5 =	sshrl.u32 s30, $0x3  }
0xe: {  	s8 =	sadd.s32 s10, s8;
	s12 =	sadd.s32 s5, s4;
	s4 =	sadd.s32 s10, s5  }
0xf: {  	s5 =	sor.u32 $0x1C03, s31;
	s10 =	smax.u32 s11, $0x1;
	s11 =	sshrl.u32 s13, $0x3  }
0x10: {  	s13 =	simm.s32 $0x5000;
	s9 =	sadd.s32 $0x49400, s12;
	s12 =	simm.s32 $0x3  }
.LBB2_1:
0x11: {  	[spmem:s11], [sflag:s5] =	dma.local [hbm:s4], $0x1400  }
0x12: {  	_ =	swait.ge [sflag:s12], $0x1400  }
0x13: {  	[sflag:s12] =	ssyncset.done $0x0  }
0x14: {  	[sflag:s12] =	ssyncadd.s32 $0xFFFFEC00  }
0x15: {  	[tilespmem:s3], [sflag:$0x3] =	stream.linear.gather [hbm4b:s6+s3], $0x5000, $0x38;
	[tilespmem:$0x18000] =	vst v63  }
0x16: {  	_ =	swait.ge [sflag:s12], $0x5000  }
0x17: {  	[sflag:s12] =	ssyncset.done $0x0  }
0x18: {  	[sflag:s12] =	ssyncadd.s32 $0xFFFFB000  }
0x19: {  	[tilespmem:s13], [sflag:$0x3] =	stream.linear.gather [hbm4b:s7+s3], $0x5000, $0x38;
	[tilespmem:$0x18000] =	vst v63  }
0x1a: {  	_ =	swait.ge [sflag:s12], $0x5000  }
0x1b: {  	[sflag:s12] =	ssyncset.done $0x0  }
0x1c: {  	[sflag:s12] =	ssyncadd.s32 $0xFFFFB000  }
0x1d: {  	[bflag:$0x0] =	sbarrier.arrive $0xFFFF  }
0x1e: {  	[tilespmem:s15], [sflag:$0x1] =	stream.indirect.gather [hbm4b:s8+s14], $0x40, s3, s14, $0xb8;
	[tilespmem:$0x18000] =	vst v63  }
0x1f: {  	s23 =	simm.s32 $0x80  }
0x20: {  	[tilespmem:s16], [sflag:$0x2] =	stream.indirect.gather [hbm4b:s8+s14], $0x40, s23, s14, $0xb8;
	[tilespmem:$0x18000] =	vst v63  }
0x21: {  	_ =	swait.ge [sflag:s17], $0x2000  }
0x22: {  	[sflag:s17] =	ssyncset.done $0x0  }
0x23: {  	s29 =	simm.s32 $0x5000;
	[sflag:s17] =	ssyncadd.s32 $0xFFFFE000  }
0x24: {  	[spmem:s2] =	stream.indirect.scatter.add.f32 [tilespmem:s15], [sflag:$0x3], $0x40, s29, s14, $0xb8;
	[tilespmem:$0x18000] =	vst v63  }
0x25: {  	_ =	swait.ge [sflag:s12], $0x2000  }
0x26: {  	[sflag:s12] =	ssyncset.done $0x0  }
0x27: {  	s30 =	simm.s32 $0x100;
	[sflag:s12] =	ssyncadd.s32 $0xFFFFE000  }
0x28: {  	[tilespmem:s15], [sflag:$0x1] =	stream.indirect.gather [hbm4b:s8+s14], $0x40, s30, s14, $0xb8;
	[tilespmem:$0x18000] =	vst v63  }
0x29: {  	_ =	swait.ge [sflag:s18], $0x2000  }
0x2a: {  	[sflag:s18] =	ssyncset.done $0x0  }
0x2b: {  	s31 =	simm.s32 $0x5080;
	[sflag:s18] =	ssyncadd.s32 $0xFFFFE000  }
0x2c: {  	[spmem:s2] =	stream.indirect.scatter.add.f32 [tilespmem:s16], [sflag:$0x3], $0x40, s31, s14, $0xb8;
	[tilespmem:$0x18000] =	vst v63  }
0x2d: {  	_ =	swait.ge [sflag:s12], $0x2000  }
0x2e: {  	s24 =	simm.s32 $0x800;
	s23 =	simm.s32 $0x100;
	[sflag:s12] =	ssyncset.done $0x0  }
.LBB2_2:
0x2f: {  	s25 =	sadd.s32 $0x80, s23  }
0x30: {  	[sflag:s12] =	ssyncadd.s32 $0xFFFFE000;
	s26 =	smov.u32 s24;
	s28 =	sadd.s32 $0x400, s24  }
0x31: {  	[tilespmem:s16], [sflag:$0x2] =	stream.indirect.gather [hbm4b:s8+s14], $0x40, s25, s14, $0xb8;
	[tilespmem:$0x18000] =	vst v63  }
0x32: {  	p0 =	sne.s32 s24, $0x13800;
	_ =	swait.ge [sflag:s17], $0x2000  }
0x33: {  	[sflag:s17] =	ssyncset.done $0x0  }
0x34: {  	s24 =	sadd.s32 $0x5000, s23;
	[sflag:s17] =	ssyncadd.s32 $0xFFFFE000  }
0x35: {  	[spmem:s2] =	stream.indirect.scatter.add.f32 [tilespmem:s15], [sflag:$0x3], $0x40, s24, s14, $0xb8;
	[tilespmem:$0x18000] =	vst v63  }
0x36: {  	_ =	swait.ge [sflag:s12], $0x2000  }
0x37: {  	[sflag:s12] =	ssyncset.done $0x0  }
0x38: {  	s24 =	sadd.s32 $0x100, s23;
	[sflag:s12] =	ssyncadd.s32 $0xFFFFE000  }
0x39: {  	[tilespmem:s15], [sflag:$0x1] =	stream.indirect.gather [hbm4b:s8+s14], $0x40, s24, s14, $0xb8;
	[tilespmem:$0x18000] =	vst v63  }
0x3a: {  	_ =	swait.ge [sflag:s18], $0x2000  }
.Ltmp0:
0x3b: {  	[sflag:s18] =	ssyncset.done $0x0;
	(pc) =	sbr.rel @p0 .LBB2_2-.Ltmp0, $4  }
0x3c: {  	s23 =	sadd.s32 $0x5080, s23;
	[sflag:s18] =	ssyncadd.s32 $0xFFFFE000  }
0x3d: {  	[spmem:s2] =	stream.indirect.scatter.add.f32 [tilespmem:s16], [sflag:$0x3], $0x40, s23, s14, $0xb8;
	[tilespmem:$0x18000] =	vst v63  }
0x3e: {  	_ =	swait.ge [sflag:s12], $0x2000  }
0x3f: {  	s24 =	smov.u32 s28;
	s23 =	sshra.s32 s26, $0x2;
	[sflag:s12] =	ssyncset.done $0x0  }
0x40: {  	s24 =	sadd.s32 $0x80, s23;
	[sflag:s12] =	ssyncadd.s32 $0xFFFFE000  }
0x41: {  	[tilespmem:s16], [sflag:$0x2] =	stream.indirect.gather [hbm4b:s8+s14], $0x40, s24, s14, $0xb8;
	[tilespmem:$0x18000] =	vst v63  }
0x42: {  	_ =	swait.ge [sflag:s17], $0x2000  }
0x43: {  	[sflag:s17] =	ssyncset.done $0x0  }
0x44: {  	s29 =	sadd.s32 $0x5000, s23;
	[sflag:s17] =	ssyncadd.s32 $0xFFFFE000  }
0x45: {  	[spmem:s2] =	stream.indirect.scatter.add.f32 [tilespmem:s15], [sflag:$0x3], $0x40, s29, s14, $0xb8;
	[tilespmem:$0x18000] =	vst v63  }
0x46: {  	_ =	swait.ge [sflag:s12], $0x2000  }
0x47: {  	[sflag:s12] =	ssyncset.done $0x0  }
0x48: {  	s30 =	sadd.s32 $0x100, s23;
	[sflag:s12] =	ssyncadd.s32 $0xFFFFE000  }
0x49: {  	[tilespmem:s15], [sflag:$0x1] =	stream.indirect.gather [hbm4b:s8+s14], $0x40, s30, s14, $0xb8;
	[tilespmem:$0x18000] =	vst v63  }
0x4a: {  	_ =	swait.ge [sflag:s18], $0x2000  }
0x4b: {  	[sflag:s18] =	ssyncset.done $0x0  }
0x4c: {  	s31 =	sadd.s32 $0x5080, s23;
	[sflag:s18] =	ssyncadd.s32 $0xFFFFE000  }
0x4d: {  	[spmem:s2] =	stream.indirect.scatter.add.f32 [tilespmem:s16], [sflag:$0x3], $0x40, s31, s14, $0xb8;
	[tilespmem:$0x18000] =	vst v63  }
0x4e: {  	_ =	swait.ge [sflag:s12], $0x2000  }
0x4f: {  	[sflag:s12] =	ssyncset.done $0x0  }
0x50: {  	[sflag:s12] =	ssyncadd.s32 $0xFFFFE000  }
0x51: {  	[tilespmem:s16], [sflag:$0x2] =	stream.indirect.gather [hbm4b:s8+s14], $0x40, s19, s14, $0xb8;
	[tilespmem:$0x18000] =	vst v63  }
0x52: {  	_ =	swait.ge [sflag:s17], $0x2000  }
0x53: {  	[sflag:s17] =	ssyncset.done $0x0  }
0x54: {  	[sflag:s17] =	ssyncadd.s32 $0xFFFFE000  }
0x55: {  	[spmem:s2] =	stream.indirect.scatter.add.f32 [tilespmem:s15], [sflag:$0x3], $0x40, s20, s14, $0xb8;
	[tilespmem:$0x18000] =	vst v63  }
0x56: {  	_ =	swait.ge [sflag:s12], $0x2000  }
0x57: {  	[sflag:s12] =	ssyncset.done $0x0  }
0x58: {  	[sflag:s12] =	ssyncadd.s32 $0xFFFFE000  }
0x59: {  	_ =	swait.ge [sflag:s18], $0x2000  }
0x5a: {  	[sflag:s18] =	ssyncset.done $0x0  }
0x5b: {  	[sflag:s18] =	ssyncadd.s32 $0xFFFFE000  }
0x5c: {  	[spmem:s2] =	stream.indirect.scatter.add.f32 [tilespmem:s16], [sflag:$0x3], $0x40, s21, s14, $0xb8;
	[tilespmem:$0x18000] =	vst v63  }
0x5d: {  	_ =	swait.ge [sflag:s12], $0x2000  }
0x5e: {  	s22 =	sadd.s32 $0x1, s22;
	[sflag:s12] =	ssyncset.done $0x0  }
0x5f: {  	p0 =	sne.s32 s22, s10;
	[sflag:s12] =	ssyncadd.s32 $0xFFFFE000  }
.Ltmp1:
0x60: {  	[bflag:$0x0] =	sbarrier.arrive $0xFFFF;
	(pc) =	sbr.rel @p0 .LBB2_1-.Ltmp1, $4  }
0x61: {  	[hbm:s9], [sflag:s5] =	dma.local [spmem:s11], $0x1400  }
0x62: {  	_ =	swait.ge [sflag:s12], $0x1400  }
0x63: {  	[sflag:s12] =	ssyncset.done $0x0  }
0x64: {  	[sflag:s12] =	ssyncadd.s32 $0xFFFFEC00  }
0x65: {  	_ =	sfence.sel $0x180000  }
0x66: {  	[bflag:$0x0] =	sbarrier.arrive $0xFFFF  }
0x67: {  	p0 =	sne.s32 s1, $0x0;
	_ =	strace $0x90000050  }
0x68: {  	s0 =	sadd.s32 @!p0 $0x100000, s0;
	[bflag:$0x2] =	sbarrier.arrive $0xFFFF  }
0x69: {  	[sflag:s0] =	ssyncadd.tile.s32 @!p0 $0x1;
	_ =	shalt  }
.Lfunc_end2:
_tile_overlayer_lowered:
.L_overlay_start_2:
0x6a: {  	(tag) =	ssettag $0x2  }
0x6b: {  	s0 =	rddreg [dreg:$0x0];
	s2 =	stileid.u32  }
0x6c: {  	s1 =	rddreg [dreg:$0x1];
	p0 =	sne.s32 s2, $0x0  }
0x6d: {  	s3 =	rddreg [dreg:$0x2];
	[bflag:$0x3] =	sbarrier.arrive $0xFFFF;
	s2 =	simm.s32 @!p0 $0x1C03  }
0x6e: {  	[timem:s3], [sflag:s2] =	dma.local @!p0 [hbm:s0], s1  }
0x6f: {  	s0 =	simm.s32 @!p0 $0x3  }
0x70: {  	_ =	swait.ge @!p0 [sflag:s0], s1  }
0x71: {  	s1 =	ssub.s32 @!p0 $0x0, s1;
	[sflag:s0] =	ssyncset.done @!p0 $0x0  }
0x72: {  	[sflag:s0] =	ssyncadd.s32 @!p0 s1  }
0x73: {  	[bflag:$0x3] =	sbarrier.arrive $0xFFFF  }
0x74: {  	_ =	shalt  }

// kernel: kernel.26.cloned.1.call-start
scs
__scs_entry_jumppad:
0x0: {  	(pc) =	sbr.rel $0x88, $3  }
0x1: {  	(tag) =	ssettag $0x0;
	lr =	simm.s32 $0x1  }
0x2: {  	[smem:$0x3F92] =	sst lr;
	_ =	strace $0xD0000000  }
0x3: {  	_ = 	snop  }
0x4: {  	_ = 	snop  }
0x5: {  	_ = 	snop  }
0x6: {  	_ = 	snop  }
0x7: {  	_ = 	snop  }
__scs_overlays_trampoline_lowered:
0x8: {  	[smem:$0x3FA1] =	sst s0  }
0x9: {  	[smem:$0x3FA2] =	sst s1  }
0xa: {  	[smem:$0x3FA3] =	sst s2  }
0xb: {  	[smem:$0x3FA4] =	sst s3  }
0xc: {  	[smem:$0x3FA5] =	sst s4  }
0xd: {  	[smem:$0x3FA6] =	sst s5  }
0xe: {  	[smem:$0x3FA7] =	sst s6  }
0xf: {  	[smem:$0x3FA8] =	sst s7  }
0x10: {  	[smem:$0x3FA9] =	sst s8  }
0x11: {  	[smem:$0x3FAA] =	sst s9;
	s0 =	simm.s32 @!p0 $0x0  }
0x12: {  	s1 =	sld [smem:$0x3F90];
	s0 =	simm.s32 @p0 $0x1  }
0x13: {  	[smem:$0x3FAB] =	sst s0;
	s0 =	simm.s32 @!p1 $0x0  }
0x14: {  	s2 =	sld [smem:$0x3F8F];
	s0 =	simm.s32 @p1 $0x1  }
0x15: {  	[smem:$0x3FAC] =	sst s0;
	s0 =	simm.s32 @!p2 $0x0  }
0x16: {  	s3 =	sld [smem:$0x3FDB];
	s0 =	simm.s32 @p2 $0x1  }
0x17: {  	s4 =	simm.s32 $0x1BF5;
	[smem:$0x3FAE] =	sst s0  }
0x18: {  	s0 =	sld [smem:$0x3F91];
	_ =	swait.ge [sflag:s4], $0x0  }
0x19: {  	s7 =	sld [smem:$0x3F92]  }
0x1a: {  	s8 =	sadd.s32 $0xFFFFE003, lr  }
0x1b: {  	s9 =	sadd.s32 $0xFFFFFEF7, lr;
	s5 =	simm.s32 $0xFFFFFFFF;
	p2 =	slt.u32 s8, $0xFFFFF086  }
0x1c: {  	p1 =	slt.u32 s9, $0xF7A;
	s5 =	simm.s32 @!p2 $0x0  }
0x1d: {  	s5 =	simm.s32 @p1 $0x1;
	p0 =	seq.s32 s7, s2  }
0x1e: {  	s7 =	smul.u32 @!p0 $0xF7A, s2;
	p2 =	seq.s32 @!p0 s5, $0x0  }
0x1f: {  	s9 =	smul.u32 $0xF7A, s1;
	s8 =	simm.s32 @!p0 $0x1BF5;
	p2 =	por !p2, p0  }
0x20: {  	[sflag:s8] =	ssyncset.s32 @!p0 $0xFFFFF086;
	s6 =	sadd.s32 @!p0 s3, s7;
	s7 =	simm.s32 @!p0 $0x108  }
0x21: {  	s3 =	sadd.s32 s3, s9;
	s6 =	sadd.s32 @!p0 $0x88, s6;
	s7 =	simm.s32 @p2 $0x1082  }
0x22: {  	[simem:s7], [sflag:s8] =	dma.local @!p0 [hbm:s6], $0xF7A  }
0x23: {  	s9 =	sor.u32 $0xD0000000, s2;
	s6 =	simm.s32 $0x108;
	_ =	swait.ge @!p0 [sflag:s8], $0x0  }
0x24: {  	s3 =	sadd.s32 $0x88, s3;
	s6 =	simm.s32 @!p1 $0x1082;
	[sflag:s4] =	ssyncset.s32 $0xFFFFF086  }
0x25: {  	[simem:s6], [sflag:s4] =	dma.local [hbm:s3], $0xF7A  }
0x26: {  	[smem:$0x3F92] =	sst s1;
	(tag) =	ssettag s2;
	_ =	strace s9  }
0x27: {  	s1 =	sld [smem:$0x3FA2]  }
0x28: {  	s2 =	sld [smem:$0x3FA3]  }
0x29: {  	s4 =	sld [smem:$0x3FA5]  }
0x2a: {  	p0 =	seq.s32 s5, $0x0;
	s5 =	sld [smem:$0x3FA6]  }
0x2b: {  	s6 =	sld [smem:$0x3FA7]  }
0x2c: {  	s7 =	sld [smem:$0x3FA8]  }
0x2d: {  	s3 =	simm.s32 $0x108;
	s8 =	sld [smem:$0x3FA9]  }
0x2e: {  	s3 =	simm.s32 @!p0 $0x1082;
	s9 =	sld [smem:$0x3FAA]  }
0x2f: {  	lr =	sadd.s32 s0, s3;
	s0 =	sld [smem:$0x3FA1]  }
0x30: {  	s3 =	sld [smem:$0x3FA4]  }
0x31: {  	[smem:$0x3FAD] =	sst s10  }
0x32: {  	s10 =	sld [smem:$0x3FAB];
	_ =	sdelay $0x3  }
0x33: {  	p0 =	seq.s32 s10, $0x1;
	s10 =	sld [smem:$0x3FAD];
	_ =	sdelay $0x3  }
0x34: {  	[smem:$0x3FAD] =	sst s10  }
0x35: {  	s10 =	sld [smem:$0x3FAC];
	_ =	sdelay $0x3  }
0x36: {  	p1 =	seq.s32 s10, $0x1;
	s10 =	sld [smem:$0x3FAD];
	_ =	sdelay $0x3  }
0x37: {  	[smem:$0x3FAD] =	sst s10  }
0x38: {  	s10 =	sld [smem:$0x3FAE]  }
0x39: {  	_ = 	snop;
	(pc) =	sbr.ind lr, $3  }
0x3a: {  	_ = 	snop  }
0x3b: {  	_ = 	snop  }
0x3c: {  	p2 =	seq.s32 s10, $0x1;
	s10 =	sld [smem:$0x3FAD]  }
0x3d: {  	_ =	shalt  }
0x3e: {  	_ =	shalt  }
0x3f: {  	_ =	shalt  }
0x40: {  	_ =	shalt  }
0x41: {  	_ =	shalt  }
0x42: {  	_ =	shalt  }
0x43: {  	_ =	shalt  }
0x44: {  	_ =	shalt  }
0x45: {  	_ =	shalt  }
0x46: {  	_ =	shalt  }
0x47: {  	_ =	shalt  }
0x48: {  	_ =	shalt  }
0x49: {  	_ =	shalt  }
0x4a: {  	_ =	shalt  }
0x4b: {  	_ =	shalt  }
0x4c: {  	_ =	shalt  }
0x4d: {  	_ =	shalt  }
0x4e: {  	_ =	shalt  }
0x4f: {  	_ =	shalt  }
0x50: {  	_ =	shalt  }
0x51: {  	_ =	shalt  }
0x52: {  	_ =	shalt  }
0x53: {  	_ =	shalt  }
0x54: {  	_ =	shalt  }
0x55: {  	_ =	shalt  }
0x56: {  	_ =	shalt  }
0x57: {  	_ =	shalt  }
0x58: {  	_ =	shalt  }
0x59: {  	_ =	shalt  }
0x5a: {  	_ =	shalt  }
0x5b: {  	_ =	shalt  }
0x5c: {  	_ =	shalt  }
0x5d: {  	_ =	shalt  }
0x5e: {  	_ =	shalt  }
0x5f: {  	_ =	shalt  }
0x60: {  	_ =	shalt  }
0x61: {  	_ =	shalt  }
0x62: {  	_ =	shalt  }
0x63: {  	_ =	shalt  }
0x64: {  	_ =	shalt  }
0x65: {  	_ =	shalt  }
0x66: {  	_ =	shalt  }
0x67: {  	_ =	shalt  }
0x68: {  	_ =	shalt  }
0x69: {  	_ =	shalt  }
0x6a: {  	_ =	shalt  }
0x6b: {  	_ =	shalt  }
0x6c: {  	_ =	shalt  }
0x6d: {  	_ =	shalt  }
0x6e: {  	_ =	shalt  }
0x6f: {  	_ =	shalt  }
0x70: {  	_ =	shalt  }
0x71: {  	_ =	shalt  }
0x72: {  	_ =	shalt  }
0x73: {  	_ =	shalt  }
0x74: {  	_ =	shalt  }
0x75: {  	_ =	shalt  }
0x76: {  	_ =	shalt  }
0x77: {  	_ =	shalt  }
0x78: {  	_ =	shalt  }
0x79: {  	_ =	shalt  }
0x7a: {  	_ =	shalt  }
0x7b: {  	_ =	shalt  }
0x7c: {  	_ =	shalt  }
0x7d: {  	_ =	shalt  }
0x7e: {  	_ =	shalt  }
0x7f: {  	_ =	shalt  }
0x80: {  	_ =	shalt  }
0x81: {  	_ =	shalt  }
0x82: {  	_ =	shalt  }
0x83: {  	_ =	shalt  }
0x84: {  	_ =	shalt  }
0x85: {  	_ =	shalt  }
0x86: {  	_ =	shalt  }
0x87: {  	_ =	shalt  }
.Lfunc_end0:
.L_simem_size_0:
called_computation.4_lowered:
.L_overlay_start_0:
0x88: {  	s2 =	sld [smem:$0x3FD9]  }
0x89: {  	s3 =	sld [smem:$0x3FFE];
	_ =	sdelay $0x1  }
0x8a: {  	s1 =	srdreg.scid  }
0x8b: {  	s0 =	sand.u32 $0x1, s1  }
0x8c: {  	s16 =	sshll.u32 s0, $0xA;
	s2 =	sadd.s32 s3, s2  }
0x8d: {  	s2 =	sadd.s32 s2, s16  }
0x8e: {  	[smem:$0x3FB9] =	sst s2  }
0x8f: {  	_ = 	snop  }
0x90: {  	(tm) =	ssettm $0x1  }
0x91: {  	s17 =	sld [smem:$0x3FFB];
	_ =	sdelay $0x3  }
0x92: {  	_ =	strace s17  }
0x93: {  	s2 =	sld [smem:$0x3FFC];
	_ =	sdelay $0x3  }
0x94: {  	_ =	strace s2  }
0x95: {  	s2 =	sld [smem:$0x3FFD];
	_ =	sdelay $0x3  }
0x96: {  	_ =	strace s2  }
0x97: {  	_ =	strace $0x8FFFFFFF  }
0x98: {  	s18 =	sld [smem:$0x3FDB];
	_ =	sdelay $0x1  }
0x99: {  	s19 =	simm.s32 $_scs_section_size  }
0x9a: {  	s4 =	simm.s32 $_size__tile_overlayer_lowered;
	s5 =	simm.s32 $_tile_overlayer_lowered  }
0x9b: {  	s22 =	simm.s32 $0x1BFF;
	s21 =	sshll.u32 s5, $0x1;
	s2 =	sadd.s32 s19, s18  }
0x9c: {  	s6 =	simm.s32 $0x0;
	s20 =	sshll.u32 s4, $0x1;
	s4 =	sadd.s32 s21, s2  }
0x9d: {  	[timem:s6], [sflag:s22] =	dma.local [hbm:s4], s20  }
0x9e: {  	_ =	swait.ge [sflag:s22], s20  }
0x9f: {  	s3 =	ssub.s32 $0x0, s20;
	[sflag:s22] =	ssyncset.done $0x0  }
0xa0: {  	[sflag:s22] =	ssyncadd.s32 s3;
	_ =	sdelay $0x1  }
0xa1: {  	s23 =	simm.s32 $0x1B8B  }
0xa2: {  	_ =	swait.ge [sflag:s23], $0x1  }
0xa3: {  	[sflag:s23] =	ssyncset.done $0x0  }
0xa4: {  	s25 =	simm.s32 $0x1B8E;
	s24 =	sld [smem:$0x3FFE];
	[sflag:s23] =	ssyncadd.s32 $0xFFFFFFFF  }
0xa5: {  	s26 =	simm.s32 $execute0_lowered;
	[smem:$0x3FD2] =	sst s25  }
0xa6: {  	s4 =	sshll.u32 s26, $0x1;
	_ =	strace $0x80000052;
	[dreg:$0x1] =	wrdreg $0xFFFFFFFF  }
0xa7: {  	s28 =	simm.s32 $_size_execute0_lowered;
	s2 =	sadd.s32 s2, s4;
	[dreg:$0x0] =	wrdreg $0x0  }
0xa8: {  	s4 =	sshll.u32 s28, $0x1;
	[dreg:$0x2] =	wrdreg s2  }
0xa9: {  	[dreg:$0x3] =	wrdreg s4  }
0xaa: {  	[dreg:$0x4] =	wrdreg $0xC0  }
0xab: {  	_ =	task [dreg:s6], $0x5FFFF  }
0xac: {  	[dreg:$0x1] =	wrdreg $0xFFFFFFFF  }
0xad: {  	[dreg:$0x0] =	wrdreg $0x60  }
0xae: {  	[dreg:$0x2] =	wrdreg s24  }
0xaf: {  	[dreg:$0x3] =	wrdreg $0x90000  }
0xb0: {  	[dreg:$0x4] =	wrdreg $0x9  }
0xb1: {  	_ =	task.clear_ibuf [dreg:s6], $0x5FFFF;
	_ =	strace $0x90000052  }
0xb2: {  	s29 =	simm.s32 $0x9;
	_ =	strace $0x80000054  }
0xb3: {  	_ =	swait.ge [sflag:s29], $0x1  }
0xb4: {  	[sflag:s29] =	ssyncadd.s32 $0xFFFFFFFF  }
0xb5: {  	_ =	strace $0x90000054  }
0xb6: {  	_ =	sfence  }
0xb7: {  	s30 =	sld [smem:$0x0];
	_ =	sdelay $0x2  }
0xb8: {  	s31 =	sshll.u32 s1, $0xD;
	s1 =	sshrl.u32 s1, $0x2  }
0xb9: {  	s3 =	sand.u32 $0x4000, s31;
	s1 =	sadd.s32 s1, s30  }
0xba: {  	s0 =	sor.u32 s3, s0;
	s1 =	sshll.u32 s1, $0x11  }
0xbb: {  	s0 =	sor.u32 s1, s0  }
0xbc: {  	s0 =	sadd.s32 $0x8F2B, s0  }
0xbd: {  	[sflag:s0] =	ssyncadd.remote.s32 $0x1  }
0xbe: {  	_ =	sfence.sel $0xFFFF  }
0xbf: {  	[dreg:$0x0] =	wrdreg $0xFFFFFFFF;
	(pc) =	sbr.abs _section_cstart, $3  }
0xc0: {  	[dreg:$0x1] =	wrdreg $0xFFFFFFFF  }
0xc1: {  	_ =	task.clear_ibuf [dreg:s6], $0x2FFFF;
	_ =	strace $0x9FFFFFFF  }
0xc2: {  	(tm) =	ssettm $0x7FFFFFFF  }
0xc3: {  	_ =	shalt  }
tec
execute0_lowered:
.L_overlay_start_1:
0x0: {  	(tag) =	ssettag $0x1  }
0x1: {  	s6 =	rddreg [dreg:$0x0]  }
0x2: {  	s0 =	srdreg.scid;
	s2 =	rddreg [dreg:$0x1];
	s3 =	simm.s32 $0x0  }
0x3: {  	s15 =	simm.s32 $0x5000;
	s16 =	simm.s32 $0x7000;
	s17 =	simm.s32 $0x1  }
0x4: {  	s18 =	simm.s32 $0x2;
	s19 =	simm.s32 $0x2780;
	s20 =	simm.s32 $0x4F00  }
0x5: {  	s21 =	simm.s32 $0x4F80;
	s5 =	sand.u32 $0x1, s0;
	s0 =	stileid.u32  }
0x6: {  	s22 =	simm.s32 $0x0;
	[smem:$0x7FF] =	sst s3;
	s7 =	smul.u32 $0xA000, s0  }
0x7: {  	s11 =	sadd.s32 $0x35400, s6;
	s1 =	sshll.u32 s5, $0x4;
	s8 =	smul.u32 $0xA0000, s5  }
0x8: {  	s10 =	ssub.s32 $0x2, s5;
	p0 =	seq.s32 s5, $0x0;
	s1 =	sor.u32 s0, s1  }
0x9: {  	s14 =	sshll.u32 s0, $0x6;
	s31 =	sshrl.u32 s10, $0x1;
	s4 =	smul.u32 $0x500, s1  }
0xa: {  	s1 =	rddreg [dreg:$0x2];
	_ =	strace $0x80000053;
	s8 =	sadd.s32 s7, s8  }
0xb: {  	s10 =	ssub.s32 s10, s31;
	s12 =	sadd.s32 s7, s2;
	s13 =	sshrl.u32 s7, $0x3  }
0xc: {  	s8 =	sshrl.u32 s8, $0x3;
	s9 =	sadd.s32 s4, s6;
	s4 =	sadd.s32 $0x21400, s6  }
0xd: {  	s8 =	sadd.s32 s8, s6;
	s5 =	sadd.s32 $0x17400, s9;
	s6 =	sadd.s32 $0x3400, s9  }
0xe: {  	s7 =	sadd.s32 $0x49400, s8;
	s11 =	smov.u32 @p0 s4;
	s8 =	smax.u32 s10, $0x1  }
0xf: {  	s10 =	sor.u32 $0x1C03, s14;
	s14 =	simm.s32 $0x80;
	s9 =	sadd.s32 s11, s13  }
0x10: {  	s11 =	sshrl.u32 s12, $0x3;
	s12 =	simm.s32 $0x3;
	s13 =	simm.s32 $0x2800  }
.LBB2_1:
0x11: {  	[spmem:s11], [sflag:s10] =	dma.local [hbm:s9], $0x1400  }
0x12: {  	_ =	swait.ge [sflag:s12], $0x1400  }
0x13: {  	[sflag:s12] =	ssyncset.done $0x0  }
0x14: {  	[sflag:s12] =	ssyncadd.s32 $0xFFFFEC00  }
0x15: {  	[tilespmem:s3], [sflag:$0x3] =	stream.linear.gather [hbm4b:s5+s3], $0x2800, $0x38;
	[tilespmem:$0x13000] =	vst v63  }
0x16: {  	_ =	swait.ge [sflag:s12], $0x2800  }
0x17: {  	[sflag:s12] =	ssyncset.done $0x0  }
0x18: {  	[sflag:s12] =	ssyncadd.s32 $0xFFFFD800  }
0x19: {  	[tilespmem:s13], [sflag:$0x3] =	stream.linear.gather [hbm4b:s6+s3], $0x2800, $0x38;
	[tilespmem:$0x13000] =	vst v63  }
0x1a: {  	_ =	swait.ge [sflag:s12], $0x2800  }
0x1b: {  	[sflag:s12] =	ssyncset.done $0x0  }
0x1c: {  	[sflag:s12] =	ssyncadd.s32 $0xFFFFD800  }
0x1d: {  	[bflag:$0x0] =	sbarrier.arrive $0xFFFF  }
0x1e: {  	[tilespmem:s15], [sflag:$0x1] =	stream.indirect.gather [hbm4b:s4+s14], $0x40, s3, s14, $0xb8;
	[tilespmem:$0x13000] =	vst v63  }
0x1f: {  	s23 =	simm.s32 $0x80  }
0x20: {  	[tilespmem:s16], [sflag:$0x2] =	stream.indirect.gather [hbm4b:s4+s14], $0x40, s23, s14, $0xb8;
	[tilespmem:$0x13000] =	vst v63  }
0x21: {  	_ =	swait.ge [sflag:s17], $0x2000  }
0x22: {  	[sflag:s17] =	ssyncset.done $0x0  }
0x23: {  	s29 =	simm.s32 $0x2800;
	[sflag:s17] =	ssyncadd.s32 $0xFFFFE000  }
0x24: {  	[spmem:s2] =	stream.indirect.scatter.add.f32 [tilespmem:s15], [sflag:$0x3], $0x40, s29, s14, $0xb8;
	[tilespmem:$0x13000] =	vst v63  }
0x25: {  	_ =	swait.ge [sflag:s12], $0x2000  }
0x26: {  	[sflag:s12] =	ssyncset.done $0x0  }
0x27: {  	s30 =	simm.s32 $0x100;
	[sflag:s12] =	ssyncadd.s32 $0xFFFFE000  }
0x28: {  	[tilespmem:s15], [sflag:$0x1] =	stream.indirect.gather [hbm4b:s4+s14], $0x40, s30, s14, $0xb8;
	[tilespmem:$0x13000] =	vst v63  }
0x29: {  	_ =	swait.ge [sflag:s18], $0x2000  }
0x2a: {  	[sflag:s18] =	ssyncset.done $0x0  }
0x2b: {  	s31 =	simm.s32 $0x2880;
	[sflag:s18] =	ssyncadd.s32 $0xFFFFE000  }
0x2c: {  	[spmem:s2] =	stream.indirect.scatter.add.f32 [tilespmem:s16], [sflag:$0x3], $0x40, s31, s14, $0xb8;
	[tilespmem:$0x13000] =	vst v63  }
0x2d: {  	_ =	swait.ge [sflag:s12], $0x2000  }
0x2e: {  	s24 =	simm.s32 $0x800;
	s23 =	simm.s32 $0x100;
	[sflag:s12] =	ssyncset.done $0x0  }
.LBB2_2:
0x2f: {  	s25 =	sadd.s32 $0x80, s23  }
0x30: {  	[sflag:s12] =	ssyncadd.s32 $0xFFFFE000;
	s26 =	smov.u32 s24;
	s28 =	sadd.s32 $0x400, s24  }
0x31: {  	[tilespmem:s16], [sflag:$0x2] =	stream.indirect.gather [hbm4b:s4+s14], $0x40, s25, s14, $0xb8;
	[tilespmem:$0x13000] =	vst v63  }
0x32: {  	p0 =	sne.s32 s24, $0x9800;
	_ =	swait.ge [sflag:s17], $0x2000  }
0x33: {  	[sflag:s17] =	ssyncset.done $0x0  }
0x34: {  	s24 =	sadd.s32 $0x2800, s23;
	[sflag:s17] =	ssyncadd.s32 $0xFFFFE000  }
0x35: {  	[spmem:s2] =	stream.indirect.scatter.add.f32 [tilespmem:s15], [sflag:$0x3], $0x40, s24, s14, $0xb8;
	[tilespmem:$0x13000] =	vst v63  }
0x36: {  	_ =	swait.ge [sflag:s12], $0x2000  }
0x37: {  	[sflag:s12] =	ssyncset.done $0x0  }
0x38: {  	s24 =	sadd.s32 $0x100, s23;
	[sflag:s12] =	ssyncadd.s32 $0xFFFFE000  }
0x39: {  	[tilespmem:s15], [sflag:$0x1] =	stream.indirect.gather [hbm4b:s4+s14], $0x40, s24, s14, $0xb8;
	[tilespmem:$0x13000] =	vst v63  }
0x3a: {  	_ =	swait.ge [sflag:s18], $0x2000  }
.Ltmp0:
0x3b: {  	[sflag:s18] =	ssyncset.done $0x0;
	(pc) =	sbr.rel @p0 .LBB2_2-.Ltmp0, $4  }
0x3c: {  	s23 =	sadd.s32 $0x2880, s23;
	[sflag:s18] =	ssyncadd.s32 $0xFFFFE000  }
0x3d: {  	[spmem:s2] =	stream.indirect.scatter.add.f32 [tilespmem:s16], [sflag:$0x3], $0x40, s23, s14, $0xb8;
	[tilespmem:$0x13000] =	vst v63  }
0x3e: {  	_ =	swait.ge [sflag:s12], $0x2000  }
0x3f: {  	s24 =	smov.u32 s28;
	s23 =	sshra.s32 s26, $0x2;
	[sflag:s12] =	ssyncset.done $0x0  }
0x40: {  	s24 =	sadd.s32 $0x80, s23;
	[sflag:s12] =	ssyncadd.s32 $0xFFFFE000  }
0x41: {  	[tilespmem:s16], [sflag:$0x2] =	stream.indirect.gather [hbm4b:s4+s14], $0x40, s24, s14, $0xb8;
	[tilespmem:$0x13000] =	vst v63  }
0x42: {  	_ =	swait.ge [sflag:s17], $0x2000  }
0x43: {  	[sflag:s17] =	ssyncset.done $0x0  }
0x44: {  	s29 =	sadd.s32 $0x2800, s23;
	[sflag:s17] =	ssyncadd.s32 $0xFFFFE000  }
0x45: {  	[spmem:s2] =	stream.indirect.scatter.add.f32 [tilespmem:s15], [sflag:$0x3], $0x40, s29, s14, $0xb8;
	[tilespmem:$0x13000] =	vst v63  }
0x46: {  	_ =	swait.ge [sflag:s12], $0x2000  }
0x47: {  	[sflag:s12] =	ssyncset.done $0x0  }
0x48: {  	s30 =	sadd.s32 $0x100, s23;
	[sflag:s12] =	ssyncadd.s32 $0xFFFFE000  }
0x49: {  	[tilespmem:s15], [sflag:$0x1] =	stream.indirect.gather [hbm4b:s4+s14], $0x40, s30, s14, $0xb8;
	[tilespmem:$0x13000] =	vst v63  }
0x4a: {  	_ =	swait.ge [sflag:s18], $0x2000  }
0x4b: {  	[sflag:s18] =	ssyncset.done $0x0  }
0x4c: {  	s31 =	sadd.s32 $0x2880, s23;
	[sflag:s18] =	ssyncadd.s32 $0xFFFFE000  }
0x4d: {  	[spmem:s2] =	stream.indirect.scatter.add.f32 [tilespmem:s16], [sflag:$0x3], $0x40, s31, s14, $0xb8;
	[tilespmem:$0x13000] =	vst v63  }
0x4e: {  	_ =	swait.ge [sflag:s12], $0x2000  }
0x4f: {  	[sflag:s12] =	ssyncset.done $0x0  }
0x50: {  	[sflag:s12] =	ssyncadd.s32 $0xFFFFE000  }
0x51: {  	[tilespmem:s16], [sflag:$0x2] =	stream.indirect.gather [hbm4b:s4+s14], $0x40, s19, s14, $0xb8;
	[tilespmem:$0x13000] =	vst v63  }
0x52: {  	_ =	swait.ge [sflag:s17], $0x2000  }
0x53: {  	[sflag:s17] =	ssyncset.done $0x0  }
0x54: {  	[sflag:s17] =	ssyncadd.s32 $0xFFFFE000  }
0x55: {  	[spmem:s2] =	stream.indirect.scatter.add.f32 [tilespmem:s15], [sflag:$0x3], $0x40, s20, s14, $0xb8;
	[tilespmem:$0x13000] =	vst v63  }
0x56: {  	_ =	swait.ge [sflag:s12], $0x2000  }
0x57: {  	[sflag:s12] =	ssyncset.done $0x0  }
0x58: {  	[sflag:s12] =	ssyncadd.s32 $0xFFFFE000  }
0x59: {  	_ =	swait.ge [sflag:s18], $0x2000  }
0x5a: {  	[sflag:s18] =	ssyncset.done $0x0  }
0x5b: {  	[sflag:s18] =	ssyncadd.s32 $0xFFFFE000  }
0x5c: {  	[spmem:s2] =	stream.indirect.scatter.add.f32 [tilespmem:s16], [sflag:$0x3], $0x40, s21, s14, $0xb8;
	[tilespmem:$0x13000] =	vst v63  }
0x5d: {  	_ =	swait.ge [sflag:s12], $0x2000  }
0x5e: {  	s22 =	sadd.s32 $0x1, s22;
	[sflag:s12] =	ssyncset.done $0x0  }
0x5f: {  	p0 =	sne.s32 s22, s8;
	[sflag:s12] =	ssyncadd.s32 $0xFFFFE000  }
.Ltmp1:
0x60: {  	[bflag:$0x0] =	sbarrier.arrive $0xFFFF;
	(pc) =	sbr.rel @p0 .LBB2_1-.Ltmp1, $4  }
0x61: {  	[hbm:s7], [sflag:s10] =	dma.local [spmem:s11], $0x1400  }
0x62: {  	_ =	swait.ge [sflag:s12], $0x1400  }
0x63: {  	[sflag:s12] =	ssyncset.done $0x0  }
0x64: {  	[sflag:s12] =	ssyncadd.s32 $0xFFFFEC00  }
0x65: {  	_ =	sfence.sel $0x180000  }
0x66: {  	[bflag:$0x0] =	sbarrier.arrive $0xFFFF  }
0x67: {  	p0 =	sne.s32 s0, $0x0;
	_ =	strace $0x90000053  }
0x68: {  	s0 =	sadd.s32 @!p0 $0x100000, s1;
	[bflag:$0x2] =	sbarrier.arrive $0xFFFF  }
0x69: {  	[sflag:s0] =	ssyncadd.tile.s32 @!p0 $0x1;
	_ =	shalt  }
.Lfunc_end2:
_tile_overlayer_lowered:
.L_overlay_start_2:
0x6a: {  	(tag) =	ssettag $0x2  }
0x6b: {  	s0 =	rddreg [dreg:$0x0];
	s2 =	stileid.u32  }
0x6c: {  	s1 =	rddreg [dreg:$0x1];
	p0 =	sne.s32 s2, $0x0  }
0x6d: {  	s3 =	rddreg [dreg:$0x2];
	[bflag:$0x3] =	sbarrier.arrive $0xFFFF;
	s2 =	simm.s32 @!p0 $0x1C03  }
0x6e: {  	[timem:s3], [sflag:s2] =	dma.local @!p0 [hbm:s0], s1  }
0x6f: {  	s0 =	simm.s32 @!p0 $0x3  }
0x70: {  	_ =	swait.ge @!p0 [sflag:s0], s1  }
0x71: {  	s1 =	ssub.s32 @!p0 $0x0, s1;
	[sflag:s0] =	ssyncset.done @!p0 $0x0  }
0x72: {  	[sflag:s0] =	ssyncadd.s32 @!p0 s1  }
0x73: {  	[bflag:$0x3] =	sbarrier.arrive $0xFFFF  }
0x74: {  	_ =	shalt  }

// kernel: kernel.29.cloned.1.call-start
scs
__scs_entry_jumppad:
0x0: {  	(pc) =	sbr.rel $0x88, $3  }
0x1: {  	(tag) =	ssettag $0x0;
	lr =	simm.s32 $0x1  }
0x2: {  	[smem:$0x3F92] =	sst lr;
	_ =	strace $0xD0000000  }
0x3: {  	_ = 	snop  }
0x4: {  	_ = 	snop  }
0x5: {  	_ = 	snop  }
0x6: {  	_ = 	snop  }
0x7: {  	_ = 	snop  }
__scs_overlays_trampoline_lowered:
0x8: {  	[smem:$0x3FA1] =	sst s0  }
0x9: {  	[smem:$0x3FA2] =	sst s1  }
0xa: {  	[smem:$0x3FA3] =	sst s2  }
0xb: {  	[smem:$0x3FA4] =	sst s3  }
0xc: {  	[smem:$0x3FA5] =	sst s4  }
0xd: {  	[smem:$0x3FA6] =	sst s5  }
0xe: {  	[smem:$0x3FA7] =	sst s6  }
0xf: {  	[smem:$0x3FA8] =	sst s7  }
0x10: {  	[smem:$0x3FA9] =	sst s8  }
0x11: {  	[smem:$0x3FAA] =	sst s9;
	s0 =	simm.s32 @!p0 $0x0  }
0x12: {  	s1 =	sld [smem:$0x3F90];
	s0 =	simm.s32 @p0 $0x1  }
0x13: {  	[smem:$0x3FAB] =	sst s0;
	s0 =	simm.s32 @!p1 $0x0  }
0x14: {  	s2 =	sld [smem:$0x3F8F];
	s0 =	simm.s32 @p1 $0x1  }
0x15: {  	[smem:$0x3FAC] =	sst s0;
	s0 =	simm.s32 @!p2 $0x0  }
0x16: {  	s3 =	sld [smem:$0x3FDB];
	s0 =	simm.s32 @p2 $0x1  }
0x17: {  	s4 =	simm.s32 $0x1BF5;
	[smem:$0x3FAE] =	sst s0  }
0x18: {  	s0 =	sld [smem:$0x3F91];
	_ =	swait.ge [sflag:s4], $0x0  }
0x19: {  	s7 =	sld [smem:$0x3F92]  }
0x1a: {  	s8 =	sadd.s32 $0xFFFFE003, lr  }
0x1b: {  	s9 =	sadd.s32 $0xFFFFFEF7, lr;
	s5 =	simm.s32 $0xFFFFFFFF;
	p2 =	slt.u32 s8, $0xFFFFF086  }
0x1c: {  	p1 =	slt.u32 s9, $0xF7A;
	s5 =	simm.s32 @!p2 $0x0  }
0x1d: {  	s5 =	simm.s32 @p1 $0x1;
	p0 =	seq.s32 s7, s2  }
0x1e: {  	s7 =	smul.u32 @!p0 $0xF7A, s2;
	p2 =	seq.s32 @!p0 s5, $0x0  }
0x1f: {  	s9 =	smul.u32 $0xF7A, s1;
	s8 =	simm.s32 @!p0 $0x1BF5;
	p2 =	por !p2, p0  }
0x20: {  	[sflag:s8] =	ssyncset.s32 @!p0 $0xFFFFF086;
	s6 =	sadd.s32 @!p0 s3, s7;
	s7 =	simm.s32 @!p0 $0x108  }
0x21: {  	s3 =	sadd.s32 s3, s9;
	s6 =	sadd.s32 @!p0 $0x88, s6;
	s7 =	simm.s32 @p2 $0x1082  }
0x22: {  	[simem:s7], [sflag:s8] =	dma.local @!p0 [hbm:s6], $0xF7A  }
0x23: {  	s9 =	sor.u32 $0xD0000000, s2;
	s6 =	simm.s32 $0x108;
	_ =	swait.ge @!p0 [sflag:s8], $0x0  }
0x24: {  	s3 =	sadd.s32 $0x88, s3;
	s6 =	simm.s32 @!p1 $0x1082;
	[sflag:s4] =	ssyncset.s32 $0xFFFFF086  }
0x25: {  	[simem:s6], [sflag:s4] =	dma.local [hbm:s3], $0xF7A  }
0x26: {  	[smem:$0x3F92] =	sst s1;
	(tag) =	ssettag s2;
	_ =	strace s9  }
0x27: {  	s1 =	sld [smem:$0x3FA2]  }
0x28: {  	s2 =	sld [smem:$0x3FA3]  }
0x29: {  	s4 =	sld [smem:$0x3FA5]  }
0x2a: {  	p0 =	seq.s32 s5, $0x0;
	s5 =	sld [smem:$0x3FA6]  }
0x2b: {  	s6 =	sld [smem:$0x3FA7]  }
0x2c: {  	s7 =	sld [smem:$0x3FA8]  }
0x2d: {  	s3 =	simm.s32 $0x108;
	s8 =	sld [smem:$0x3FA9]  }
0x2e: {  	s3 =	simm.s32 @!p0 $0x1082;
	s9 =	sld [smem:$0x3FAA]  }
0x2f: {  	lr =	sadd.s32 s0, s3;
	s0 =	sld [smem:$0x3FA1]  }
0x30: {  	s3 =	sld [smem:$0x3FA4]  }
0x31: {  	[smem:$0x3FAD] =	sst s10  }
0x32: {  	s10 =	sld [smem:$0x3FAB];
	_ =	sdelay $0x3  }
0x33: {  	p0 =	seq.s32 s10, $0x1;
	s10 =	sld [smem:$0x3FAD];
	_ =	sdelay $0x3  }
0x34: {  	[smem:$0x3FAD] =	sst s10  }
0x35: {  	s10 =	sld [smem:$0x3FAC];
	_ =	sdelay $0x3  }
0x36: {  	p1 =	seq.s32 s10, $0x1;
	s10 =	sld [smem:$0x3FAD];
	_ =	sdelay $0x3  }
0x37: {  	[smem:$0x3FAD] =	sst s10  }
0x38: {  	s10 =	sld [smem:$0x3FAE]  }
0x39: {  	_ = 	snop;
	(pc) =	sbr.ind lr, $3  }
0x3a: {  	_ = 	snop  }
0x3b: {  	_ = 	snop  }
0x3c: {  	p2 =	seq.s32 s10, $0x1;
	s10 =	sld [smem:$0x3FAD]  }
0x3d: {  	_ =	shalt  }
0x3e: {  	_ =	shalt  }
0x3f: {  	_ =	shalt  }
0x40: {  	_ =	shalt  }
0x41: {  	_ =	shalt  }
0x42: {  	_ =	shalt  }
0x43: {  	_ =	shalt  }
0x44: {  	_ =	shalt  }
0x45: {  	_ =	shalt  }
0x46: {  	_ =	shalt  }
0x47: {  	_ =	shalt  }
0x48: {  	_ =	shalt  }
0x49: {  	_ =	shalt  }
0x4a: {  	_ =	shalt  }
0x4b: {  	_ =	shalt  }
0x4c: {  	_ =	shalt  }
0x4d: {  	_ =	shalt  }
0x4e: {  	_ =	shalt  }
0x4f: {  	_ =	shalt  }
0x50: {  	_ =	shalt  }
0x51: {  	_ =	shalt  }
0x52: {  	_ =	shalt  }
0x53: {  	_ =	shalt  }
0x54: {  	_ =	shalt  }
0x55: {  	_ =	shalt  }
0x56: {  	_ =	shalt  }
0x57: {  	_ =	shalt  }
0x58: {  	_ =	shalt  }
0x59: {  	_ =	shalt  }
0x5a: {  	_ =	shalt  }
0x5b: {  	_ =	shalt  }
0x5c: {  	_ =	shalt  }
0x5d: {  	_ =	shalt  }
0x5e: {  	_ =	shalt  }
0x5f: {  	_ =	shalt  }
0x60: {  	_ =	shalt  }
0x61: {  	_ =	shalt  }
0x62: {  	_ =	shalt  }
0x63: {  	_ =	shalt  }
0x64: {  	_ =	shalt  }
0x65: {  	_ =	shalt  }
0x66: {  	_ =	shalt  }
0x67: {  	_ =	shalt  }
0x68: {  	_ =	shalt  }
0x69: {  	_ =	shalt  }
0x6a: {  	_ =	shalt  }
0x6b: {  	_ =	shalt  }
0x6c: {  	_ =	shalt  }
0x6d: {  	_ =	shalt  }
0x6e: {  	_ =	shalt  }
0x6f: {  	_ =	shalt  }
0x70: {  	_ =	shalt  }
0x71: {  	_ =	shalt  }
0x72: {  	_ =	shalt  }
0x73: {  	_ =	shalt  }
0x74: {  	_ =	shalt  }
0x75: {  	_ =	shalt  }
0x76: {  	_ =	shalt  }
0x77: {  	_ =	shalt  }
0x78: {  	_ =	shalt  }
0x79: {  	_ =	shalt  }
0x7a: {  	_ =	shalt  }
0x7b: {  	_ =	shalt  }
0x7c: {  	_ =	shalt  }
0x7d: {  	_ =	shalt  }
0x7e: {  	_ =	shalt  }
0x7f: {  	_ =	shalt  }
0x80: {  	_ =	shalt  }
0x81: {  	_ =	shalt  }
0x82: {  	_ =	shalt  }
0x83: {  	_ =	shalt  }
0x84: {  	_ =	shalt  }
0x85: {  	_ =	shalt  }
0x86: {  	_ =	shalt  }
0x87: {  	_ =	shalt  }
.Lfunc_end0:
.L_simem_size_0:
called_computation.5_lowered:
.L_overlay_start_0:
0x88: {  	s2 =	sld [smem:$0x3FD9]  }
0x89: {  	s3 =	sld [smem:$0x3FFE];
	_ =	sdelay $0x1  }
0x8a: {  	s1 =	srdreg.scid  }
0x8b: {  	s0 =	sand.u32 $0x1, s1  }
0x8c: {  	s16 =	sshll.u32 s0, $0xA;
	s2 =	sadd.s32 s3, s2  }
0x8d: {  	s2 =	sadd.s32 s2, s16  }
0x8e: {  	[smem:$0x3FB9] =	sst s2  }
0x8f: {  	_ = 	snop  }
0x90: {  	(tm) =	ssettm $0x1  }
0x91: {  	s17 =	sld [smem:$0x3FFB];
	_ =	sdelay $0x3  }
0x92: {  	_ =	strace s17  }
0x93: {  	s2 =	sld [smem:$0x3FFC];
	_ =	sdelay $0x3  }
0x94: {  	_ =	strace s2  }
0x95: {  	s2 =	sld [smem:$0x3FFD];
	_ =	sdelay $0x3  }
0x96: {  	_ =	strace s2  }
0x97: {  	_ =	strace $0x8FFFFFFF  }
0x98: {  	s18 =	sld [smem:$0x3FDB];
	_ =	sdelay $0x1  }
0x99: {  	s19 =	simm.s32 $_scs_section_size  }
0x9a: {  	s4 =	simm.s32 $_size__tile_overlayer_lowered;
	s5 =	simm.s32 $_tile_overlayer_lowered  }
0x9b: {  	s22 =	simm.s32 $0x1BFF;
	s21 =	sshll.u32 s5, $0x1;
	s2 =	sadd.s32 s19, s18  }
0x9c: {  	s6 =	simm.s32 $0x0;
	s20 =	sshll.u32 s4, $0x1;
	s4 =	sadd.s32 s21, s2  }
0x9d: {  	[timem:s6], [sflag:s22] =	dma.local [hbm:s4], s20  }
0x9e: {  	_ =	swait.ge [sflag:s22], s20  }
0x9f: {  	s3 =	ssub.s32 $0x0, s20;
	[sflag:s22] =	ssyncset.done $0x0  }
0xa0: {  	[sflag:s22] =	ssyncadd.s32 s3;
	_ =	sdelay $0x1  }
0xa1: {  	s23 =	simm.s32 $0x1B8B  }
0xa2: {  	_ =	swait.ge [sflag:s23], $0x1  }
0xa3: {  	[sflag:s23] =	ssyncset.done $0x0  }
0xa4: {  	s25 =	simm.s32 $0x1B8E;
	s24 =	sld [smem:$0x3FFE];
	[sflag:s23] =	ssyncadd.s32 $0xFFFFFFFF  }
0xa5: {  	s26 =	simm.s32 $execute0_lowered;
	[smem:$0x3FD2] =	sst s25  }
0xa6: {  	s4 =	sshll.u32 s26, $0x1;
	_ =	strace $0x80000055;
	[dreg:$0x1] =	wrdreg $0xFFFFFFFF  }
0xa7: {  	s28 =	simm.s32 $_size_execute0_lowered;
	s2 =	sadd.s32 s2, s4;
	[dreg:$0x0] =	wrdreg $0x0  }
0xa8: {  	s4 =	sshll.u32 s28, $0x1;
	[dreg:$0x2] =	wrdreg s2  }
0xa9: {  	[dreg:$0x3] =	wrdreg s4  }
0xaa: {  	[dreg:$0x4] =	wrdreg $0xC0  }
0xab: {  	_ =	task [dreg:s6], $0x5FFFF  }
0xac: {  	[dreg:$0x1] =	wrdreg $0xFFFFFFFF  }
0xad: {  	[dreg:$0x0] =	wrdreg $0x60  }
0xae: {  	[dreg:$0x2] =	wrdreg s24  }
0xaf: {  	[dreg:$0x3] =	wrdreg $0x70000  }
0xb0: {  	[dreg:$0x4] =	wrdreg $0x9  }
0xb1: {  	_ =	task.clear_ibuf [dreg:s6], $0x5FFFF;
	_ =	strace $0x90000055  }
0xb2: {  	s29 =	simm.s32 $0x9;
	_ =	strace $0x80000057  }
0xb3: {  	_ =	swait.ge [sflag:s29], $0x1  }
0xb4: {  	[sflag:s29] =	ssyncadd.s32 $0xFFFFFFFF  }
0xb5: {  	_ =	strace $0x90000057  }
0xb6: {  	_ =	sfence  }
0xb7: {  	s30 =	sld [smem:$0x0];
	_ =	sdelay $0x2  }
0xb8: {  	s31 =	sshll.u32 s1, $0xD;
	s1 =	sshrl.u32 s1, $0x2  }
0xb9: {  	s3 =	sand.u32 $0x4000, s31;
	s1 =	sadd.s32 s1, s30  }
0xba: {  	s0 =	sor.u32 s3, s0;
	s1 =	sshll.u32 s1, $0x11  }
0xbb: {  	s0 =	sor.u32 s1, s0  }
0xbc: {  	s0 =	sadd.s32 $0x8F2B, s0  }
0xbd: {  	[sflag:s0] =	ssyncadd.remote.s32 $0x1  }
0xbe: {  	_ =	sfence.sel $0xFFFF  }
0xbf: {  	[dreg:$0x0] =	wrdreg $0xFFFFFFFF;
	(pc) =	sbr.abs _section_cstart, $3  }
0xc0: {  	[dreg:$0x1] =	wrdreg $0xFFFFFFFF  }
0xc1: {  	_ =	task.clear_ibuf [dreg:s6], $0x2FFFF;
	_ =	strace $0x9FFFFFFF  }
0xc2: {  	(tm) =	ssettm $0x7FFFFFFF  }
0xc3: {  	_ =	shalt  }
tec
execute0_lowered:
.L_overlay_start_1:
0x0: {  	(tag) =	ssettag $0x1  }
0x1: {  	s6 =	rddreg [dreg:$0x0]  }
0x2: {  	s0 =	srdreg.scid;
	s2 =	rddreg [dreg:$0x1];
	s3 =	simm.s32 $0x0  }
0x3: {  	s15 =	simm.s32 $0x5000;
	s16 =	simm.s32 $0x6000;
	s17 =	simm.s32 $0x1  }
0x4: {  	s18 =	simm.s32 $0x2;
	s19 =	simm.s32 $0x2780;
	s20 =	simm.s32 $0x4F00  }
0x5: {  	s21 =	simm.s32 $0x4F80;
	s5 =	sand.u32 $0x1, s0;
	s0 =	stileid.u32  }
0x6: {  	s22 =	simm.s32 $0x0;
	[smem:$0x7FF] =	sst s3;
	s7 =	smul.u32 $0x5000, s0  }
0x7: {  	s11 =	sadd.s32 $0x21400, s6;
	s1 =	sshll.u32 s5, $0x4;
	s8 =	smul.u32 $0x50000, s5  }
0x8: {  	s10 =	ssub.s32 $0x2, s5;
	p0 =	seq.s32 s5, $0x0;
	s1 =	sor.u32 s0, s1  }
0x9: {  	s14 =	sshll.u32 s0, $0x6;
	s31 =	sshrl.u32 s10, $0x1;
	s4 =	smul.u32 $0x500, s1  }
0xa: {  	s1 =	rddreg [dreg:$0x2];
	_ =	strace $0x80000056;
	s8 =	sadd.s32 s7, s8  }
0xb: {  	s10 =	ssub.s32 s10, s31;
	s12 =	sadd.s32 s7, s2;
	s13 =	sshrl.u32 s7, $0x3  }
0xc: {  	s8 =	sshrl.u32 s8, $0x3;
	s9 =	sadd.s32 s4, s6;
	s4 =	sadd.s32 $0xD400, s6  }
0xd: {  	s8 =	sadd.s32 s8, s6;
	s5 =	sadd.s32 $0x17400, s9;
	s6 =	sadd.s32 $0x3400, s9  }
0xe: {  	s7 =	sadd.s32 $0x2B400, s8;
	s11 =	smov.u32 @p0 s4;
	s8 =	smax.u32 s10, $0x1  }
0xf: {  	s10 =	sor.u32 $0x1C03, s14;
	s14 =	simm.s32 $0x80;
	s9 =	sadd.s32 s11, s13  }
0x10: {  	s11 =	sshrl.u32 s12, $0x3;
	s12 =	simm.s32 $0x3;
	s13 =	simm.s32 $0x2800  }
.LBB2_1:
0x11: {  	[spmem:s11], [sflag:s10] =	dma.local [hbm:s9], $0xA00  }
0x12: {  	_ =	swait.ge [sflag:s12], $0xA00  }
0x13: {  	[sflag:s12] =	ssyncset.done $0x0  }
0x14: {  	[sflag:s12] =	ssyncadd.s32 $0xFFFFF600  }
0x15: {  	[tilespmem:s3], [sflag:$0x3] =	stream.linear.gather [hbm4b:s5+s3], $0x2800, $0x38;
	[tilespmem:$0xC000] =	vst v63  }
0x16: {  	_ =	swait.ge [sflag:s12], $0x2800  }
0x17: {  	[sflag:s12] =	ssyncset.done $0x0  }
0x18: {  	[sflag:s12] =	ssyncadd.s32 $0xFFFFD800  }
0x19: {  	[tilespmem:s13], [sflag:$0x3] =	stream.linear.gather [hbm4b:s6+s3], $0x2800, $0x38;
	[tilespmem:$0xC000] =	vst v63  }
0x1a: {  	_ =	swait.ge [sflag:s12], $0x2800  }
0x1b: {  	[sflag:s12] =	ssyncset.done $0x0  }
0x1c: {  	[sflag:s12] =	ssyncadd.s32 $0xFFFFD800  }
0x1d: {  	[bflag:$0x0] =	sbarrier.arrive $0xFFFF  }
0x1e: {  	[tilespmem:s15], [sflag:$0x1] =	stream.indirect.gather [hbm4b:s4+s14], $0x20, s3, s14, $0xb8;
	[tilespmem:$0xC000] =	vst v63  }
0x1f: {  	s23 =	simm.s32 $0x80  }
0x20: {  	[tilespmem:s16], [sflag:$0x2] =	stream.indirect.gather [hbm4b:s4+s14], $0x20, s23, s14, $0xb8;
	[tilespmem:$0xC000] =	vst v63  }
0x21: {  	_ =	swait.ge [sflag:s17], $0x1000  }
0x22: {  	[sflag:s17] =	ssyncset.done $0x0  }
0x23: {  	s29 =	simm.s32 $0x2800;
	[sflag:s17] =	ssyncadd.s32 $0xFFFFF000  }
0x24: {  	[spmem:s2] =	stream.indirect.scatter.add.f32 [tilespmem:s15], [sflag:$0x3], $0x20, s29, s14, $0xb8;
	[tilespmem:$0xC000] =	vst v63  }
0x25: {  	_ =	swait.ge [sflag:s12], $0x1000  }
0x26: {  	[sflag:s12] =	ssyncset.done $0x0  }
0x27: {  	s30 =	simm.s32 $0x100;
	[sflag:s12] =	ssyncadd.s32 $0xFFFFF000  }
0x28: {  	[tilespmem:s15], [sflag:$0x1] =	stream.indirect.gather [hbm4b:s4+s14], $0x20, s30, s14, $0xb8;
	[tilespmem:$0xC000] =	vst v63  }
0x29: {  	_ =	swait.ge [sflag:s18], $0x1000  }
0x2a: {  	[sflag:s18] =	ssyncset.done $0x0  }
0x2b: {  	s31 =	simm.s32 $0x2880;
	[sflag:s18] =	ssyncadd.s32 $0xFFFFF000  }
0x2c: {  	[spmem:s2] =	stream.indirect.scatter.add.f32 [tilespmem:s16], [sflag:$0x3], $0x20, s31, s14, $0xb8;
	[tilespmem:$0xC000] =	vst v63  }
0x2d: {  	_ =	swait.ge [sflag:s12], $0x1000  }
0x2e: {  	s24 =	simm.s32 $0x800;
	s23 =	simm.s32 $0x100;
	[sflag:s12] =	ssyncset.done $0x0  }
.LBB2_2:
0x2f: {  	s25 =	sadd.s32 $0x80, s23  }
0x30: {  	[sflag:s12] =	ssyncadd.s32 $0xFFFFF000;
	s26 =	smov.u32 s24;
	s28 =	sadd.s32 $0x400, s24  }
0x31: {  	[tilespmem:s16], [sflag:$0x2] =	stream.indirect.gather [hbm4b:s4+s14], $0x20, s25, s14, $0xb8;
	[tilespmem:$0xC000] =	vst v63  }
0x32: {  	p0 =	sne.s32 s24, $0x9800;
	_ =	swait.ge [sflag:s17], $0x1000  }
0x33: {  	[sflag:s17] =	ssyncset.done $0x0  }
0x34: {  	s24 =	sadd.s32 $0x2800, s23;
	[sflag:s17] =	ssyncadd.s32 $0xFFFFF000  }
0x35: {  	[spmem:s2] =	stream.indirect.scatter.add.f32 [tilespmem:s15], [sflag:$0x3], $0x20, s24, s14, $0xb8;
	[tilespmem:$0xC000] =	vst v63  }
0x36: {  	_ =	swait.ge [sflag:s12], $0x1000  }
0x37: {  	[sflag:s12] =	ssyncset.done $0x0  }
0x38: {  	s24 =	sadd.s32 $0x100, s23;
	[sflag:s12] =	ssyncadd.s32 $0xFFFFF000  }
0x39: {  	[tilespmem:s15], [sflag:$0x1] =	stream.indirect.gather [hbm4b:s4+s14], $0x20, s24, s14, $0xb8;
	[tilespmem:$0xC000] =	vst v63  }
0x3a: {  	_ =	swait.ge [sflag:s18], $0x1000  }
.Ltmp0:
0x3b: {  	[sflag:s18] =	ssyncset.done $0x0;
	(pc) =	sbr.rel @p0 .LBB2_2-.Ltmp0, $4  }
0x3c: {  	s23 =	sadd.s32 $0x2880, s23;
	[sflag:s18] =	ssyncadd.s32 $0xFFFFF000  }
0x3d: {  	[spmem:s2] =	stream.indirect.scatter.add.f32 [tilespmem:s16], [sflag:$0x3], $0x20, s23, s14, $0xb8;
	[tilespmem:$0xC000] =	vst v63  }
0x3e: {  	_ =	swait.ge [sflag:s12], $0x1000  }
0x3f: {  	s24 =	smov.u32 s28;
	s23 =	sshra.s32 s26, $0x2;
	[sflag:s12] =	ssyncset.done $0x0  }
0x40: {  	s24 =	sadd.s32 $0x80, s23;
	[sflag:s12] =	ssyncadd.s32 $0xFFFFF000  }
0x41: {  	[tilespmem:s16], [sflag:$0x2] =	stream.indirect.gather [hbm4b:s4+s14], $0x20, s24, s14, $0xb8;
	[tilespmem:$0xC000] =	vst v63  }
0x42: {  	_ =	swait.ge [sflag:s17], $0x1000  }
0x43: {  	[sflag:s17] =	ssyncset.done $0x0  }
0x44: {  	s29 =	sadd.s32 $0x2800, s23;
	[sflag:s17] =	ssyncadd.s32 $0xFFFFF000  }
0x45: {  	[spmem:s2] =	stream.indirect.scatter.add.f32 [tilespmem:s15], [sflag:$0x3], $0x20, s29, s14, $0xb8;
	[tilespmem:$0xC000] =	vst v63  }
0x46: {  	_ =	swait.ge [sflag:s12], $0x1000  }
0x47: {  	[sflag:s12] =	ssyncset.done $0x0  }
0x48: {  	s30 =	sadd.s32 $0x100, s23;
	[sflag:s12] =	ssyncadd.s32 $0xFFFFF000  }
0x49: {  	[tilespmem:s15], [sflag:$0x1] =	stream.indirect.gather [hbm4b:s4+s14], $0x20, s30, s14, $0xb8;
	[tilespmem:$0xC000] =	vst v63  }
0x4a: {  	_ =	swait.ge [sflag:s18], $0x1000  }
0x4b: {  	[sflag:s18] =	ssyncset.done $0x0  }
0x4c: {  	s31 =	sadd.s32 $0x2880, s23;
	[sflag:s18] =	ssyncadd.s32 $0xFFFFF000  }
0x4d: {  	[spmem:s2] =	stream.indirect.scatter.add.f32 [tilespmem:s16], [sflag:$0x3], $0x20, s31, s14, $0xb8;
	[tilespmem:$0xC000] =	vst v63  }
0x4e: {  	_ =	swait.ge [sflag:s12], $0x1000  }
0x4f: {  	[sflag:s12] =	ssyncset.done $0x0  }
0x50: {  	[sflag:s12] =	ssyncadd.s32 $0xFFFFF000  }
0x51: {  	[tilespmem:s16], [sflag:$0x2] =	stream.indirect.gather [hbm4b:s4+s14], $0x20, s19, s14, $0xb8;
	[tilespmem:$0xC000] =	vst v63  }
0x52: {  	_ =	swait.ge [sflag:s17], $0x1000  }
0x53: {  	[sflag:s17] =	ssyncset.done $0x0  }
0x54: {  	[sflag:s17] =	ssyncadd.s32 $0xFFFFF000  }
0x55: {  	[spmem:s2] =	stream.indirect.scatter.add.f32 [tilespmem:s15], [sflag:$0x3], $0x20, s20, s14, $0xb8;
	[tilespmem:$0xC000] =	vst v63  }
0x56: {  	_ =	swait.ge [sflag:s12], $0x1000  }
0x57: {  	[sflag:s12] =	ssyncset.done $0x0  }
0x58: {  	[sflag:s12] =	ssyncadd.s32 $0xFFFFF000  }
0x59: {  	_ =	swait.ge [sflag:s18], $0x1000  }
0x5a: {  	[sflag:s18] =	ssyncset.done $0x0  }
0x5b: {  	[sflag:s18] =	ssyncadd.s32 $0xFFFFF000  }
0x5c: {  	[spmem:s2] =	stream.indirect.scatter.add.f32 [tilespmem:s16], [sflag:$0x3], $0x20, s21, s14, $0xb8;
	[tilespmem:$0xC000] =	vst v63  }
0x5d: {  	_ =	swait.ge [sflag:s12], $0x1000  }
0x5e: {  	s22 =	sadd.s32 $0x1, s22;
	[sflag:s12] =	ssyncset.done $0x0  }
0x5f: {  	p0 =	sne.s32 s22, s8;
	[sflag:s12] =	ssyncadd.s32 $0xFFFFF000  }
.Ltmp1:
0x60: {  	[bflag:$0x0] =	sbarrier.arrive $0xFFFF;
	(pc) =	sbr.rel @p0 .LBB2_1-.Ltmp1, $4  }
0x61: {  	[hbm:s7], [sflag:s10] =	dma.local [spmem:s11], $0xA00  }
0x62: {  	_ =	swait.ge [sflag:s12], $0xA00  }
0x63: {  	[sflag:s12] =	ssyncset.done $0x0  }
0x64: {  	[sflag:s12] =	ssyncadd.s32 $0xFFFFF600  }
0x65: {  	_ =	sfence.sel $0x180000  }
0x66: {  	[bflag:$0x0] =	sbarrier.arrive $0xFFFF  }
0x67: {  	p0 =	sne.s32 s0, $0x0;
	_ =	strace $0x90000056  }
0x68: {  	s0 =	sadd.s32 @!p0 $0x100000, s1;
	[bflag:$0x2] =	sbarrier.arrive $0xFFFF  }
0x69: {  	[sflag:s0] =	ssyncadd.tile.s32 @!p0 $0x1;
	_ =	shalt  }
.Lfunc_end2:
_tile_overlayer_lowered:
.L_overlay_start_2:
0x6a: {  	(tag) =	ssettag $0x2  }
0x6b: {  	s0 =	rddreg [dreg:$0x0];
	s2 =	stileid.u32  }
0x6c: {  	s1 =	rddreg [dreg:$0x1];
	p0 =	sne.s32 s2, $0x0  }
0x6d: {  	s3 =	rddreg [dreg:$0x2];
	[bflag:$0x3] =	sbarrier.arrive $0xFFFF;
	s2 =	simm.s32 @!p0 $0x1C03  }
0x6e: {  	[timem:s3], [sflag:s2] =	dma.local @!p0 [hbm:s0], s1  }
0x6f: {  	s0 =	simm.s32 @!p0 $0x3  }
0x70: {  	_ =	swait.ge @!p0 [sflag:s0], s1  }
0x71: {  	s1 =	ssub.s32 @!p0 $0x0, s1;
	[sflag:s0] =	ssyncset.done @!p0 $0x0  }
0x72: {  	[sflag:s0] =	ssyncadd.s32 @!p0 s1  }
0x73: {  	[bflag:$0x3] =	sbarrier.arrive $0xFFFF  }
0x74: {  	_ =	shalt  }

</sc_bundles>
